<compile_context>
chip_gen: v7x
topology: tpu7x:2x2x1
jax: 0.10.2.dev20260603
libtpu: 0.0.44.dev20260713+nightly
codegen_flags: <defaults>
</compile_context>

<pallas_src>
import functools

import jax
import jax.numpy as jnp
from jax import lax
from jax.experimental import pallas as pl
from jax.experimental.pallas import tpu as pltpu
from jax.experimental.pallas import tpu_sc as plsc

_MAX_NUM = 100
_NUM_CLASSES = 10
_Q = 2000
_B = 32
_N = _Q * _NUM_CLASSES
_KB = 112
_PADV = -1.0


def _bcast(x, dtype):
    return jnp.full((16,), x, dtype)


def _body(scores_hbm, bbox_hbm, pts_hbm,
          boxes_o, scores_o, labels_o, pts_o,
          Sf, SSM, SM, Mv, flatbuf, valbuf, labbuf, gidx,
          bball, pbuf, oflatb, oflatp, semb, semp):
    b = lax.axis_index("s") * 2 + lax.axis_index("c")
    iota = lax.iota(jnp.int32, 16)
    lane0 = iota == 0

    cpb = pltpu.async_copy(bbox_hbm.at[pl.ds(b * _Q * 4, _Q * 4)], bball, semb)
    pltpu.sync_copy(scores_hbm.at[pl.ds(b * _N, _N)], Sf)

    def _gS(n):
        g = plsc.load_gather(Sf, [jnp.minimum(n, _N - 1)])
        return jnp.where(n < _N, g, _PADV)

    def _bt(t, c):
        a = jnp.full((16,), _PADV, jnp.float32)
        for j in range(5):
            a = jnp.maximum(a, _gS(iota * 1280 + (5 * t + j)))
        SSM[pl.ds(pl.multiple_of(t * 16, 16), 16)] = a
        return c
    lax.fori_loop(0, 256, _bt, 0)

    def _bi(i1, c):
        base = pl.multiple_of(i1 * 256, 16)
        a = SSM[pl.ds(base, 16)]
        for i2 in range(1, 16):
            a = jnp.maximum(a, SSM[pl.ds(base + i2 * 16, 16)])
        SM[pl.ds(pl.multiple_of(i1 * 16, 16), 16)] = a
        return c
    lax.fori_loop(0, 16, _bi, 0)

    m = SM[pl.ds(0, 16)]
    for i1 in range(1, 16):
        m = jnp.maximum(m, SM[pl.ds(i1 * 16, 16)])
    Mv[...] = m

    def _ext(k, c):
        M = Mv[...]
        gm = jnp.max(M)
        lsel = jnp.min(jnp.where(M == gm, iota, 16))
        colsm = plsc.load_gather(SM, [iota * 16 + lsel])
        i1 = jnp.min(jnp.where(colsm == gm, iota, 16))
        colssm = plsc.load_gather(SSM, [(i1 * 16 + iota) * 16 + lsel])
        i2 = jnp.min(jnp.where(colssm == gm, iota, 16))
        t = i1 * 16 + i2
        n5 = lsel * 1280 + 5 * t + iota
        valid = iota < 5
        g = _gS(n5)
        j = jnp.min(jnp.where((g == gm) & valid, iota, 16))
        flat = lsel * 1280 + 5 * t + j
        plsc.store_scatter(valbuf, [_bcast(k, jnp.int32)],
                           _bcast(gm, jnp.float32), mask=lane0)
        plsc.store_scatter(flatbuf, [_bcast(k, jnp.int32)],
                           _bcast(flat, jnp.int32), mask=lane0)
        plsc.store_scatter(Sf, [_bcast(flat, jnp.int32)],
                           _bcast(_PADV, jnp.float32), mask=lane0)
        m5 = jnp.max(jnp.where(valid & (iota != j), g, _PADV))
        ssm_v = SSM[pl.ds(pl.multiple_of(t * 16, 16), 16)]
        SSM[pl.ds(pl.multiple_of(t * 16, 16), 16)] = (
            jnp.where(iota == lsel, m5, ssm_v))
        colssm2 = plsc.load_gather(SSM, [(i1 * 16 + iota) * 16 + lsel])
        sm_new = jnp.max(colssm2)
        sm_v = SM[pl.ds(pl.multiple_of(i1 * 16, 16), 16)]
        SM[pl.ds(pl.multiple_of(i1 * 16, 16), 16)] = (
            jnp.where(iota == lsel, sm_new, sm_v))
        colsm2 = plsc.load_gather(SM, [iota * 16 + lsel])
        Mv[...] = jnp.where(iota == lsel, jnp.max(colsm2), M)
        return c
    lax.fori_loop(0, _MAX_NUM, _ext, 0)

    z16 = jnp.zeros((16,), jnp.int32)
    plsc.store_scatter(flatbuf, [96 + iota], z16, mask=iota >= 4)

    for v in range(_KB // 16):
        fl = flatbuf[pl.ds(v * 16, 16)]
        labbuf[pl.ds(v * 16, 16)] = fl % _NUM_CLASSES
        gidx[pl.ds(v * 16, 16)] = b * _Q + fl // _NUM_CLASSES

    cpp = pltpu.async_copy(pts_hbm.at[gidx], pbuf, semp)
    cpb.wait()

    def _db(v, c):
        f = pl.multiple_of(v * 16, 16) + iota
        col = f % 4
        rowsel = plsc.load_gather(flatbuf, [f // 4]) // _NUM_CLASSES
        bv = plsc.load_gather(bball, [rowsel * 4 + col % 2])
        cv = plsc.load_gather(bball, [rowsel * 4 + 2 + col % 2])
        corner = bv + jnp.where(col < 2, -0.5, 0.5) * cv
        even = col % 2 == 0
        out = corner * jnp.where(even, 30.0, 60.0) + jnp.where(even, -15.0, -30.0)
        oflatb[pl.ds(pl.multiple_of(v * 16, 16), 16)] = out
        return c
    lax.fori_loop(0, _KB * 4 // 16, _db, 0)
    cpp.wait()

    def _dp(v, c):
        f = pl.multiple_of(v * 16, 16) + iota
        j = f % 40
        x = plsc.load_gather(pbuf, [f // 40, j])
        even = j % 2 == 0
        out = x * jnp.where(even, 30.0, 60.0) + jnp.where(even, -15.0, -30.0)
        oflatp[pl.ds(pl.multiple_of(v * 16, 16), 16)] = out
        return c
    lax.fori_loop(0, _KB * 40 // 16, _dp, 0)

    pltpu.sync_copy(oflatb, boxes_o.at[pl.ds(b * _KB * 4, _KB * 4)])
    pltpu.sync_copy(valbuf, scores_o.at[pl.ds(b * _KB, _KB)])
    pltpu.sync_copy(labbuf, labels_o.at[pl.ds(b * _KB, _KB)])
    pltpu.sync_copy(oflatp, pts_o.at[pl.ds(b * _KB * 40, _KB * 40)])


@jax.jit
def kernel(all_cls_scores, all_bbox_preds, all_pts_preds):
    cls = all_cls_scores[-1].astype(jnp.float32)
    bbox = all_bbox_preds[-1].astype(jnp.float32)
    pts = all_pts_preds[-1].astype(jnp.float32)

    sct = jax.nn.sigmoid(cls).reshape(_B * _N)

    mesh = plsc.VectorSubcoreMesh(core_axis_name="c", subcore_axis_name="s",
                                  num_cores=2, num_subcores=16)
    fn = pl.kernel(
        _body,
        out_type=[
            jax.ShapeDtypeStruct((_B * _KB * 4,), jnp.float32),
            jax.ShapeDtypeStruct((_B * _KB,), jnp.float32),
            jax.ShapeDtypeStruct((_B * _KB,), jnp.int32),
            jax.ShapeDtypeStruct((_B * _KB * 40,), jnp.float32),
        ],
        mesh=mesh,
        compiler_params=pltpu.CompilerParams(
            needs_layout_passes=False, use_tc_tiling_on_sc=False),
        scratch_types=[
            pltpu.VMEM((_N,), jnp.float32),
            pltpu.VMEM((4096,), jnp.float32),
            pltpu.VMEM((256,), jnp.float32),
            pltpu.VMEM((16,), jnp.float32),
            pltpu.VMEM((_KB,), jnp.int32),
            pltpu.VMEM((_KB,), jnp.float32),
            pltpu.VMEM((_KB,), jnp.int32),
            pltpu.VMEM((_KB,), jnp.int32),
            pltpu.VMEM((_Q * 4,), jnp.float32),
            pltpu.VMEM((_KB, 40), jnp.float32),
            pltpu.VMEM((_KB * 4,), jnp.float32),
            pltpu.VMEM((_KB * 40,), jnp.float32),
            pltpu.SemaphoreType.DMA,
            pltpu.SemaphoreType.DMA,
        ],
    )
    boxes_o, scores_o, labels_o, pts_o = fn(
        sct, bbox.reshape(_B * _Q * 4), pts.reshape(_B * _Q, 40))

    boxes = boxes_o.reshape(_B, _KB, 4)[:, :_MAX_NUM]
    out_scores = scores_o.reshape(_B, _KB)[:, :_MAX_NUM]
    out_labels = labels_o.reshape(_B, _KB)[:, :_MAX_NUM]
    out_pts = pts_o.reshape(_B, _KB, 40)[:, :_MAX_NUM].reshape(
        _B, _MAX_NUM, 20, 2)
    return boxes, out_scores, out_labels, out_pts

# --- scband reference (transcript-rebuilt; emitter-appended) ---
"""Pipeline reference for scband-map-trpost-process-83021717832090 (READ-ONLY COPY).

The authoritative reference and input builder live on the scoring server;
editing this copy changes nothing except your own understanding.
"""

import jax, jax.numpy as jnp
import numpy as np

PC_RANGE = jnp.array([-15.0, -30.0, -2.0, 15.0, 30.0, 2.0], dtype=jnp.float32)
POST_CENTER_RANGE = jnp.array([-100.0, -100.0, -100.0, -100.0, 100.0, 100.0, 100.0, 100.0], dtype=jnp.float32)
MAX_NUM = 100
NUM_CLASSES = 10


def box_center_to_corner(b):
    cx, cy, w, h = b[..., 0], b[..., 1], b[..., 2], b[..., 3]
    return jnp.stack([cx - 0.5 * w, cy - 0.5 * h, cx + 0.5 * w, cy + 0.5 * h], axis=-1)


def denormalize_2d_bbox(bboxes):
    b = box_center_to_corner(bboxes)
    xs = b[..., 0::2] * (PC_RANGE[3] - PC_RANGE[0]) + PC_RANGE[0]
    ys = b[..., 1::2] * (PC_RANGE[4] - PC_RANGE[1]) + PC_RANGE[1]
    return jnp.stack([xs[..., 0], ys[..., 0], xs[..., 1], ys[..., 1]], axis=-1)


def denormalize_2d_pts(pts):
    x = pts[..., 0:1] * (PC_RANGE[3] - PC_RANGE[0]) + PC_RANGE[0]
    y = pts[..., 1:2] * (PC_RANGE[4] - PC_RANGE[1]) + PC_RANGE[1]
    return jnp.concatenate([x, y], axis=-1)


def decode_single(cls_scores, bbox_preds, pts_preds):
    # cls_scores: [Q, C], bbox_preds: [Q, 4], pts_preds: [Q, P, 2]
    scores_flat = jax.nn.sigmoid(cls_scores).reshape(-1)
    scores, indexs = jax.lax.top_k(scores_flat, MAX_NUM)
    labels = indexs % NUM_CLASSES
    bbox_index = indexs // NUM_CLASSES
    bp = jnp.take(bbox_preds, bbox_index, axis=0)
    pp = jnp.take(pts_preds, bbox_index, axis=0)
    final_box_preds = denormalize_2d_bbox(bp)
    final_pts_preds = denormalize_2d_pts(pp)
    # score_threshold is None -> no threshold masking
    mask = jnp.all(final_box_preds[:, :4] >= POST_CENTER_RANGE[:4], axis=1)
    mask = mask & jnp.all(final_box_preds[:, :4] <= POST_CENTER_RANGE[4:], axis=1)
    # post_center_range is chosen wide enough that mask is all-True, so the
    # size-bounded nonzero gather is exactly equivalent to boolean indexing.
    keep = jnp.nonzero(mask, size=MAX_NUM, fill_value=0)[0]
    boxes3d = jnp.take(final_box_preds, keep, axis=0)
    out_scores = jnp.take(scores, keep, axis=0)
    out_labels = jnp.take(labels, keep, axis=0)
    out_pts = jnp.take(final_pts_preds, keep, axis=0)
    return boxes3d, out_scores, out_labels, out_pts


def setup_inputs(seed: int = 0) -> dict:
    key = jax.random.key(seed)
    k1, k2, k3 = jax.random.split(key, 3)
    return {
        "all_cls_scores": jax.random.normal(k1, (6, 32, 2000, 10), dtype=jnp.float32),
        "all_bbox_preds": jax.random.uniform(k2, (6, 32, 2000, 4), dtype=jnp.float32),
        "all_pts_preds": jax.random.uniform(k3, (6, 32, 2000, 20, 2), dtype=jnp.float32),
    }


def reference(all_cls_scores, all_bbox_preds, all_pts_preds):
    cls = all_cls_scores[-1].astype(jnp.float32)
    bbox = all_bbox_preds[-1].astype(jnp.float32)
    pts = all_pts_preds[-1].astype(jnp.float32)
    B = cls.shape[0]
    boxes_l, scores_l, labels_l, pts_l = [], [], [], []
    for i in range(B):
        b, s, l, p = decode_single(cls[i], bbox[i], pts[i])
        boxes_l.append(b)
        scores_l.append(s)
        labels_l.append(l)
        pts_l.append(p)
    return (
        jnp.stack(boxes_l, axis=0),
        jnp.stack(scores_l, axis=0),
        jnp.stack(labels_l, axis=0),
        jnp.stack(pts_l, axis=0),
    )

if __name__ == "__main__":
    import jax
    _d = setup_inputs()
    print(jax.jit(kernel)(*tuple(_d.values())))

</pallas_src>

<mosaic_0001>
#map = affine_map<(d0, d1) -> (0)>
#map1 = affine_map<(d0, d1) -> (0, 0)>
module attributes {stable_mosaic.version = 14 : i64} {
  func.func @_body(%arg0: i32, %arg1: i32, %arg2: memref<640000xf32, #tpu.memory_space<hbm>>, %arg3: memref<256000xf32, #tpu.memory_space<hbm>>, %arg4: memref<64000x40xf32, #tpu.memory_space<hbm>>, %arg5: memref<14336xf32, #tpu.memory_space<hbm>>, %arg6: memref<3584xf32, #tpu.memory_space<hbm>>, %arg7: memref<3584xi32, #tpu.memory_space<hbm>>, %arg8: memref<143360xf32, #tpu.memory_space<hbm>>, %arg9: memref<20000xf32, #tpu.memory_space<vmem>>, %arg10: memref<4096xf32, #tpu.memory_space<vmem>>, %arg11: memref<256xf32, #tpu.memory_space<vmem>>, %arg12: memref<16xf32, #tpu.memory_space<vmem>>, %arg13: memref<112xi32, #tpu.memory_space<vmem>>, %arg14: memref<112xf32, #tpu.memory_space<vmem>>, %arg15: memref<112xi32, #tpu.memory_space<vmem>>, %arg16: memref<112xi32, #tpu.memory_space<vmem>>, %arg17: memref<8000xf32, #tpu.memory_space<vmem>>, %arg18: memref<112x40xf32, #tpu.memory_space<vmem>>, %arg19: memref<448xf32, #tpu.memory_space<vmem>>, %arg20: memref<4480xf32, #tpu.memory_space<vmem>>, %arg21: memref<!tpu.dma_semaphore, #tpu.memory_space<semaphore_mem>>, %arg22: memref<!tpu.dma_semaphore, #tpu.memory_space<semaphore_mem>>) attributes {dimension_semantics = [#tpu.dimension_semantics<core_parallel>, #tpu.dimension_semantics<subcore_parallel>], iteration_bounds = array<i64: 2, 16>, scalar_prefetch = 0 : i64, scratch_operands = 14 : i64, tpu.core_type = #tpu.core_type<sc_vector_subcore>, window_params = [{transform_indices = #map}, {transform_indices = #map}, {transform_indices = #map1}, {transform_indices = #map}, {transform_indices = #map}, {transform_indices = #map}, {transform_indices = #map}]} {
    %mul3A = arith.constant 2 : i32
    %mul3A_0 = arith.muli %arg1, %mul3A : i32
    %add3A = arith.addi %mul3A_0, %arg0 : i32
    %iota3A = tpu.iota {dimensions = array<i32: 0>} : vector<16xi32>
    %eq3A = arith.constant 0 : i32
    %eq3A_1 = vector.broadcast %eq3A : i32 to vector<16xi32>
    %eq3A_2 = arith.cmpi eq, %iota3A, %eq3A_1 : vector<16xi32>
    %mul3A_3 = arith.constant 2000 : i32
    %mul3A_4 = arith.muli %add3A, %mul3A_3 : i32
    %mul3A_5 = arith.constant 4 : i32
    %mul3A_6 = arith.muli %mul3A_4, %mul3A_5 : i32
    %dma_start3A = tpu.memref_slice %arg3[%mul3A_6] : memref<256000xf32, #tpu.memory_space<hbm>> -> memref<8000xf32, #tpu.memory_space<hbm>>
    %dma_start3A_7 = tpu.memref_slice %arg3[%mul3A_6] : memref<256000xf32, #tpu.memory_space<hbm>> -> memref<8000xf32, #tpu.memory_space<hbm>>
    tpu.enqueue_dma source(%dma_start3A_7 : memref<8000xf32, #tpu.memory_space<hbm>>) target(%arg17 : memref<8000xf32, #tpu.memory_space<vmem>>) target_semaphore(%arg21 : memref<!tpu.dma_semaphore, #tpu.memory_space<semaphore_mem>>)
    %mul3A_8 = arith.constant 20000 : i32
    %mul3A_9 = arith.muli %add3A, %mul3A_8 : i32
    "tpu.region"() ({
      %run_scoped3A = tpu.sem_alloc : memref<!tpu.dma_semaphore, #tpu.memory_space<semaphore_mem>>
      %dma_start3A_542 = tpu.memref_slice %arg2[%mul3A_9] : memref<640000xf32, #tpu.memory_space<hbm>> -> memref<20000xf32, #tpu.memory_space<hbm>>
      %dma_start3A_543 = tpu.memref_slice %arg2[%mul3A_9] : memref<640000xf32, #tpu.memory_space<hbm>> -> memref<20000xf32, #tpu.memory_space<hbm>>
      tpu.enqueue_dma source(%dma_start3A_543 : memref<20000xf32, #tpu.memory_space<hbm>>) target(%arg9 : memref<20000xf32, #tpu.memory_space<vmem>>) target_semaphore(%run_scoped3A : memref<!tpu.dma_semaphore, #tpu.memory_space<semaphore_mem>>)
      %dma_wait3A_544 = tpu.memref_slice %arg2[%mul3A_9] : memref<640000xf32, #tpu.memory_space<hbm>> -> memref<20000xf32, #tpu.memory_space<hbm>>
      %dma_wait3A_545 = tpu.memref_slice %arg2[%mul3A_9] : memref<640000xf32, #tpu.memory_space<hbm>> -> memref<20000xf32, #tpu.memory_space<hbm>>
      tpu.wait_dma2 semaphore(%run_scoped3A : memref<!tpu.dma_semaphore, #tpu.memory_space<semaphore_mem>>) src(%dma_wait3A_545 : memref<20000xf32, #tpu.memory_space<hbm>>) dst(%arg9 : memref<20000xf32, #tpu.memory_space<vmem>>)
      tpu.yield
    }) : () -> ()
    %scan3A = arith.constant 0 : i32
    %scan3A_10 = arith.constant 0 : i32
    %scan3A_11 = arith.constant 256 : i32
    %scan3A_12 = arith.addi %scan3A_10, %scan3A_11 : i32
    %scan3A_13 = arith.constant 1 : i32
    scf.for %scan3A_542 = %scan3A_10 to %scan3A_12 step %scan3A_13  : i32 {
      %broadcast_in_dim3A_543 = arith.constant -1.000000e+00 : f32
      %broadcast_in_dim3A_544 = vector.broadcast %broadcast_in_dim3A_543 : f32 to vector<16xf32>
      %mul3A_545 = arith.constant 1280 : i32
      %mul3A_546 = vector.broadcast %mul3A_545 : i32 to vector<16xi32>
      %mul3A_547 = arith.muli %iota3A, %mul3A_546 : vector<16xi32>
      %mul3A_548 = arith.constant 5 : i32
      %mul3A_549 = arith.muli %mul3A_548, %scan3A_542 : i32
      %add3A_550 = arith.constant 0 : i32
      %add3A_551 = arith.addi %mul3A_549, %add3A_550 : i32
      %add3A_552 = vector.broadcast %add3A_551 : i32 to vector<16xi32>
      %add3A_553 = arith.addi %mul3A_547, %add3A_552 : vector<16xi32>
      %min3A = arith.constant 19999 : i32
      %min3A_554 = vector.broadcast %min3A : i32 to vector<16xi32>
      %min3A_555 = arith.minsi %add3A_553, %min3A_554 : vector<16xi32>
      %gather3A = tpu.vector_load_idx %arg9[%min3A_555] : memref<20000xf32, #tpu.memory_space<vmem>>[vector<16xi32>], vector<16xf32>,
      %lt3A_556 = arith.constant 20000 : i32
      %lt3A_557 = vector.broadcast %lt3A_556 : i32 to vector<16xi32>
      %lt3A_558 = arith.cmpi slt, %add3A_553, %lt3A_557 : vector<16xi32>
      %jit3A_559 = arith.constant -1.000000e+00 : f32
      %broadcast_in_dim3A_560 = vector.broadcast %jit3A_559 : f32 to vector<16xf32>
      %select_n3A_561 = arith.select %lt3A_558, %gather3A, %broadcast_in_dim3A_560 : vector<16xi1>, vector<16xf32>
      %max3A_562 = arith.maximumf %broadcast_in_dim3A_544, %select_n3A_561 : vector<16xf32>
      %mul3A_563 = arith.constant 1280 : i32
      %mul3A_564 = vector.broadcast %mul3A_563 : i32 to vector<16xi32>
      %mul3A_565 = arith.muli %iota3A, %mul3A_564 : vector<16xi32>
      %mul3A_566 = arith.constant 5 : i32
      %mul3A_567 = arith.muli %mul3A_566, %scan3A_542 : i32
      %add3A_568 = arith.constant 1 : i32
      %add3A_569 = arith.addi %mul3A_567, %add3A_568 : i32
      %add3A_570 = vector.broadcast %add3A_569 : i32 to vector<16xi32>
      %add3A_571 = arith.addi %mul3A_565, %add3A_570 : vector<16xi32>
      %min3A_572 = arith.constant 19999 : i32
      %min3A_573 = vector.broadcast %min3A_572 : i32 to vector<16xi32>
      %min3A_574 = arith.minsi %add3A_571, %min3A_573 : vector<16xi32>
      %gather3A_575 = tpu.vector_load_idx %arg9[%min3A_574] : memref<20000xf32, #tpu.memory_space<vmem>>[vector<16xi32>], vector<16xf32>,
      %lt3A_576 = arith.constant 20000 : i32
      %lt3A_577 = vector.broadcast %lt3A_576 : i32 to vector<16xi32>
      %lt3A_578 = arith.cmpi slt, %add3A_571, %lt3A_577 : vector<16xi32>
      %jit3A_579 = arith.constant -1.000000e+00 : f32
      %broadcast_in_dim3A_580 = vector.broadcast %jit3A_579 : f32 to vector<16xf32>
      %select_n3A_581 = arith.select %lt3A_578, %gather3A_575, %broadcast_in_dim3A_580 : vector<16xi1>, vector<16xf32>
      %max3A_582 = arith.maximumf %max3A_562, %select_n3A_581 : vector<16xf32>
      %mul3A_583 = arith.constant 1280 : i32
      %mul3A_584 = vector.broadcast %mul3A_583 : i32 to vector<16xi32>
      %mul3A_585 = arith.muli %iota3A, %mul3A_584 : vector<16xi32>
      %mul3A_586 = arith.constant 5 : i32
      %mul3A_587 = arith.muli %mul3A_586, %scan3A_542 : i32
      %add3A_588 = arith.constant 2 : i32
      %add3A_589 = arith.addi %mul3A_587, %add3A_588 : i32
      %add3A_590 = vector.broadcast %add3A_589 : i32 to vector<16xi32>
      %add3A_591 = arith.addi %mul3A_585, %add3A_590 : vector<16xi32>
      %min3A_592 = arith.constant 19999 : i32
      %min3A_593 = vector.broadcast %min3A_592 : i32 to vector<16xi32>
      %min3A_594 = arith.minsi %add3A_591, %min3A_593 : vector<16xi32>
      %gather3A_595 = tpu.vector_load_idx %arg9[%min3A_594] : memref<20000xf32, #tpu.memory_space<vmem>>[vector<16xi32>], vector<16xf32>,
      %lt3A_596 = arith.constant 20000 : i32
      %lt3A_597 = vector.broadcast %lt3A_596 : i32 to vector<16xi32>
      %lt3A_598 = arith.cmpi slt, %add3A_591, %lt3A_597 : vector<16xi32>
      %jit3A_599 = arith.constant -1.000000e+00 : f32
      %broadcast_in_dim3A_600 = vector.broadcast %jit3A_599 : f32 to vector<16xf32>
      %select_n3A_601 = arith.select %lt3A_598, %gather3A_595, %broadcast_in_dim3A_600 : vector<16xi1>, vector<16xf32>
      %max3A_602 = arith.maximumf %max3A_582, %select_n3A_601 : vector<16xf32>
      %mul3A_603 = arith.constant 1280 : i32
      %mul3A_604 = vector.broadcast %mul3A_603 : i32 to vector<16xi32>
      %mul3A_605 = arith.muli %iota3A, %mul3A_604 : vector<16xi32>
      %mul3A_606 = arith.constant 5 : i32
      %mul3A_607 = arith.muli %mul3A_606, %scan3A_542 : i32
      %add3A_608 = arith.constant 3 : i32
      %add3A_609 = arith.addi %mul3A_607, %add3A_608 : i32
      %add3A_610 = vector.broadcast %add3A_609 : i32 to vector<16xi32>
      %add3A_611 = arith.addi %mul3A_605, %add3A_610 : vector<16xi32>
      %min3A_612 = arith.constant 19999 : i32
      %min3A_613 = vector.broadcast %min3A_612 : i32 to vector<16xi32>
      %min3A_614 = arith.minsi %add3A_611, %min3A_613 : vector<16xi32>
      %gather3A_615 = tpu.vector_load_idx %arg9[%min3A_614] : memref<20000xf32, #tpu.memory_space<vmem>>[vector<16xi32>], vector<16xf32>,
      %lt3A_616 = arith.constant 20000 : i32
      %lt3A_617 = vector.broadcast %lt3A_616 : i32 to vector<16xi32>
      %lt3A_618 = arith.cmpi slt, %add3A_611, %lt3A_617 : vector<16xi32>
      %jit3A_619 = arith.constant -1.000000e+00 : f32
      %broadcast_in_dim3A_620 = vector.broadcast %jit3A_619 : f32 to vector<16xf32>
      %select_n3A_621 = arith.select %lt3A_618, %gather3A_615, %broadcast_in_dim3A_620 : vector<16xi1>, vector<16xf32>
      %max3A_622 = arith.maximumf %max3A_602, %select_n3A_621 : vector<16xf32>
      %mul3A_623 = arith.constant 1280 : i32
      %mul3A_624 = vector.broadcast %mul3A_623 : i32 to vector<16xi32>
      %mul3A_625 = arith.muli %iota3A, %mul3A_624 : vector<16xi32>
      %mul3A_626 = arith.constant 5 : i32
      %mul3A_627 = arith.muli %mul3A_626, %scan3A_542 : i32
      %add3A_628 = arith.constant 4 : i32
      %add3A_629 = arith.addi %mul3A_627, %add3A_628 : i32
      %add3A_630 = vector.broadcast %add3A_629 : i32 to vector<16xi32>
      %add3A_631 = arith.addi %mul3A_625, %add3A_630 : vector<16xi32>
      %min3A_632 = arith.constant 19999 : i32
      %min3A_633 = vector.broadcast %min3A_632 : i32 to vector<16xi32>
      %min3A_634 = arith.minsi %add3A_631, %min3A_633 : vector<16xi32>
      %gather3A_635 = tpu.vector_load_idx %arg9[%min3A_634] : memref<20000xf32, #tpu.memory_space<vmem>>[vector<16xi32>], vector<16xf32>,
      %lt3A_636 = arith.constant 20000 : i32
      %lt3A_637 = vector.broadcast %lt3A_636 : i32 to vector<16xi32>
      %lt3A_638 = arith.cmpi slt, %add3A_631, %lt3A_637 : vector<16xi32>
      %jit3A_639 = arith.constant -1.000000e+00 : f32
      %broadcast_in_dim3A_640 = vector.broadcast %jit3A_639 : f32 to vector<16xf32>
      %select_n3A_641 = arith.select %lt3A_638, %gather3A_635, %broadcast_in_dim3A_640 : vector<16xi1>, vector<16xf32>
      %max3A_642 = arith.maximumf %max3A_622, %select_n3A_641 : vector<16xf32>
      %mul3A_643 = arith.constant 16 : i32
      %mul3A_644 = arith.muli %scan3A_542, %mul3A_643 : i32
      %multiple_of3A = tpu.assume_multiple %mul3A_644, 16 : i32
      %swap3A_645 = arith.index_cast %multiple_of3A : i32 to index
      %swap3A_646 = tpu.vector_load %arg10[%swap3A_645] {strides = array<i32>} : memref<4096xf32, #tpu.memory_space<vmem>>, vector<16xf32>,
      tpu.vector_store %arg10[%swap3A_645], %max3A_642 {strides = array<i32>} : memref<4096xf32, #tpu.memory_space<vmem>>, vector<16xf32>,
    }
    %scan3A_14 = arith.constant 256 : i32
    %scan3A_15 = arith.constant 0 : i32
    %scan3A_16 = arith.constant 0 : i32
    %scan3A_17 = arith.constant 16 : i32
    %scan3A_18 = arith.addi %scan3A_16, %scan3A_17 : i32
    %scan3A_19 = arith.constant 1 : i32
    scf.for %scan3A_542 = %scan3A_16 to %scan3A_18 step %scan3A_19  : i32 {
      %mul3A_543 = arith.constant 256 : i32
      %mul3A_544 = arith.muli %scan3A_542, %mul3A_543 : i32
      %multiple_of3A = tpu.assume_multiple %mul3A_544, 16 : i32
      %get3A_545 = arith.index_cast %multiple_of3A : i32 to index
      %get3A_546 = tpu.vector_load %arg10[%get3A_545] {strides = array<i32>} : memref<4096xf32, #tpu.memory_space<vmem>>, vector<16xf32>,
      %add3A_547 = arith.constant 16 : i32
      %add3A_548 = arith.addi %multiple_of3A, %add3A_547 : i32
      %get3A_549 = arith.index_cast %add3A_548 : i32 to index
      %get3A_550 = tpu.vector_load %arg10[%get3A_549] {strides = array<i32>} : memref<4096xf32, #tpu.memory_space<vmem>>, vector<16xf32>,
      %max3A_551 = arith.maximumf %get3A_546, %get3A_550 : vector<16xf32>
      %add3A_552 = arith.constant 32 : i32
      %add3A_553 = arith.addi %multiple_of3A, %add3A_552 : i32
      %get3A_554 = arith.index_cast %add3A_553 : i32 to index
      %get3A_555 = tpu.vector_load %arg10[%get3A_554] {strides = array<i32>} : memref<4096xf32, #tpu.memory_space<vmem>>, vector<16xf32>,
      %max3A_556 = arith.maximumf %max3A_551, %get3A_555 : vector<16xf32>
      %add3A_557 = arith.constant 48 : i32
      %add3A_558 = arith.addi %multiple_of3A, %add3A_557 : i32
      %get3A_559 = arith.index_cast %add3A_558 : i32 to index
      %get3A_560 = tpu.vector_load %arg10[%get3A_559] {strides = array<i32>} : memref<4096xf32, #tpu.memory_space<vmem>>, vector<16xf32>,
      %max3A_561 = arith.maximumf %max3A_556, %get3A_560 : vector<16xf32>
      %add3A_562 = arith.constant 64 : i32
      %add3A_563 = arith.addi %multiple_of3A, %add3A_562 : i32
      %get3A_564 = arith.index_cast %add3A_563 : i32 to index
      %get3A_565 = tpu.vector_load %arg10[%get3A_564] {strides = array<i32>} : memref<4096xf32, #tpu.memory_space<vmem>>, vector<16xf32>,
      %max3A_566 = arith.maximumf %max3A_561, %get3A_565 : vector<16xf32>
      %add3A_567 = arith.constant 80 : i32
      %add3A_568 = arith.addi %multiple_of3A, %add3A_567 : i32
      %get3A_569 = arith.index_cast %add3A_568 : i32 to index
      %get3A_570 = tpu.vector_load %arg10[%get3A_569] {strides = array<i32>} : memref<4096xf32, #tpu.memory_space<vmem>>, vector<16xf32>,
      %max3A_571 = arith.maximumf %max3A_566, %get3A_570 : vector<16xf32>
      %add3A_572 = arith.constant 96 : i32
      %add3A_573 = arith.addi %multiple_of3A, %add3A_572 : i32
      %get3A_574 = arith.index_cast %add3A_573 : i32 to index
      %get3A_575 = tpu.vector_load %arg10[%get3A_574] {strides = array<i32>} : memref<4096xf32, #tpu.memory_space<vmem>>, vector<16xf32>,
      %max3A_576 = arith.maximumf %max3A_571, %get3A_575 : vector<16xf32>
      %add3A_577 = arith.constant 112 : i32
      %add3A_578 = arith.addi %multiple_of3A, %add3A_577 : i32
      %get3A_579 = arith.index_cast %add3A_578 : i32 to index
      %get3A_580 = tpu.vector_load %arg10[%get3A_579] {strides = array<i32>} : memref<4096xf32, #tpu.memory_space<vmem>>, vector<16xf32>,
      %max3A_581 = arith.maximumf %max3A_576, %get3A_580 : vector<16xf32>
      %add3A_582 = arith.constant 128 : i32
      %add3A_583 = arith.addi %multiple_of3A, %add3A_582 : i32
      %get3A_584 = arith.index_cast %add3A_583 : i32 to index
      %get3A_585 = tpu.vector_load %arg10[%get3A_584] {strides = array<i32>} : memref<4096xf32, #tpu.memory_space<vmem>>, vector<16xf32>,
      %max3A_586 = arith.maximumf %max3A_581, %get3A_585 : vector<16xf32>
      %add3A_587 = arith.constant 144 : i32
      %add3A_588 = arith.addi %multiple_of3A, %add3A_587 : i32
      %get3A_589 = arith.index_cast %add3A_588 : i32 to index
      %get3A_590 = tpu.vector_load %arg10[%get3A_589] {strides = array<i32>} : memref<4096xf32, #tpu.memory_space<vmem>>, vector<16xf32>,
      %max3A_591 = arith.maximumf %max3A_586, %get3A_590 : vector<16xf32>
      %add3A_592 = arith.constant 160 : i32
      %add3A_593 = arith.addi %multiple_of3A, %add3A_592 : i32
      %get3A_594 = arith.index_cast %add3A_593 : i32 to index
      %get3A_595 = tpu.vector_load %arg10[%get3A_594] {strides = array<i32>} : memref<4096xf32, #tpu.memory_space<vmem>>, vector<16xf32>,
      %max3A_596 = arith.maximumf %max3A_591, %get3A_595 : vector<16xf32>
      %add3A_597 = arith.constant 176 : i32
      %add3A_598 = arith.addi %multiple_of3A, %add3A_597 : i32
      %get3A_599 = arith.index_cast %add3A_598 : i32 to index
      %get3A_600 = tpu.vector_load %arg10[%get3A_599] {strides = array<i32>} : memref<4096xf32, #tpu.memory_space<vmem>>, vector<16xf32>,
      %max3A_601 = arith.maximumf %max3A_596, %get3A_600 : vector<16xf32>
      %add3A_602 = arith.constant 192 : i32
      %add3A_603 = arith.addi %multiple_of3A, %add3A_602 : i32
      %get3A_604 = arith.index_cast %add3A_603 : i32 to index
      %get3A_605 = tpu.vector_load %arg10[%get3A_604] {strides = array<i32>} : memref<4096xf32, #tpu.memory_space<vmem>>, vector<16xf32>,
      %max3A_606 = arith.maximumf %max3A_601, %get3A_605 : vector<16xf32>
      %add3A_607 = arith.constant 208 : i32
      %add3A_608 = arith.addi %multiple_of3A, %add3A_607 : i32
      %get3A_609 = arith.index_cast %add3A_608 : i32 to index
      %get3A_610 = tpu.vector_load %arg10[%get3A_609] {strides = array<i32>} : memref<4096xf32, #tpu.memory_space<vmem>>, vector<16xf32>,
      %max3A_611 = arith.maximumf %max3A_606, %get3A_610 : vector<16xf32>
      %add3A_612 = arith.constant 224 : i32
      %add3A_613 = arith.addi %multiple_of3A, %add3A_612 : i32
      %get3A_614 = arith.index_cast %add3A_613 : i32 to index
      %get3A_615 = tpu.vector_load %arg10[%get3A_614] {strides = array<i32>} : memref<4096xf32, #tpu.memory_space<vmem>>, vector<16xf32>,
      %max3A_616 = arith.maximumf %max3A_611, %get3A_615 : vector<16xf32>
      %add3A_617 = arith.constant 240 : i32
      %add3A_618 = arith.addi %multiple_of3A, %add3A_617 : i32
      %get3A_619 = arith.index_cast %add3A_618 : i32 to index
      %get3A_620 = tpu.vector_load %arg10[%get3A_619] {strides = array<i32>} : memref<4096xf32, #tpu.memory_space<vmem>>, vector<16xf32>,
      %max3A_621 = arith.maximumf %max3A_616, %get3A_620 : vector<16xf32>
      %mul3A_622 = arith.constant 16 : i32
      %mul3A_623 = arith.muli %scan3A_542, %mul3A_622 : i32
      %multiple_of3A_624 = tpu.assume_multiple %mul3A_623, 16 : i32
      %swap3A_625 = arith.index_cast %multiple_of3A_624 : i32 to index
      %swap3A_626 = tpu.vector_load %arg11[%swap3A_625] {strides = array<i32>} : memref<256xf32, #tpu.memory_space<vmem>>, vector<16xf32>,
      tpu.vector_store %arg11[%swap3A_625], %max3A_621 {strides = array<i32>} : memref<256xf32, #tpu.memory_space<vmem>>, vector<16xf32>,
    }
    %scan3A_20 = arith.constant 16 : i32
    %get3A = arith.constant 0 : index
    %get3A_21 = tpu.vector_load %arg11[%get3A] {strides = array<i32>} : memref<256xf32, #tpu.memory_space<vmem>>, vector<16xf32>,
    %get3A_22 = arith.constant 16 : index
    %get3A_23 = tpu.vector_load %arg11[%get3A_22] {strides = array<i32>} : memref<256xf32, #tpu.memory_space<vmem>>, vector<16xf32>,
    %max3A = arith.maximumf %get3A_21, %get3A_23 : vector<16xf32>
    %get3A_24 = arith.constant 32 : index
    %get3A_25 = tpu.vector_load %arg11[%get3A_24] {strides = array<i32>} : memref<256xf32, #tpu.memory_space<vmem>>, vector<16xf32>,
    %max3A_26 = arith.maximumf %max3A, %get3A_25 : vector<16xf32>
    %get3A_27 = arith.constant 48 : index
    %get3A_28 = tpu.vector_load %arg11[%get3A_27] {strides = array<i32>} : memref<256xf32, #tpu.memory_space<vmem>>, vector<16xf32>,
    %max3A_29 = arith.maximumf %max3A_26, %get3A_28 : vector<16xf32>
    %get3A_30 = arith.constant 64 : index
    %get3A_31 = tpu.vector_load %arg11[%get3A_30] {strides = array<i32>} : memref<256xf32, #tpu.memory_space<vmem>>, vector<16xf32>,
    %max3A_32 = arith.maximumf %max3A_29, %get3A_31 : vector<16xf32>
    %get3A_33 = arith.constant 80 : index
    %get3A_34 = tpu.vector_load %arg11[%get3A_33] {strides = array<i32>} : memref<256xf32, #tpu.memory_space<vmem>>, vector<16xf32>,
    %max3A_35 = arith.maximumf %max3A_32, %get3A_34 : vector<16xf32>
    %get3A_36 = arith.constant 96 : index
    %get3A_37 = tpu.vector_load %arg11[%get3A_36] {strides = array<i32>} : memref<256xf32, #tpu.memory_space<vmem>>, vector<16xf32>,
    %max3A_38 = arith.maximumf %max3A_35, %get3A_37 : vector<16xf32>
    %get3A_39 = arith.constant 112 : index
    %get3A_40 = tpu.vector_load %arg11[%get3A_39] {strides = array<i32>} : memref<256xf32, #tpu.memory_space<vmem>>, vector<16xf32>,
    %max3A_41 = arith.maximumf %max3A_38, %get3A_40 : vector<16xf32>
    %get3A_42 = arith.constant 128 : index
    %get3A_43 = tpu.vector_load %arg11[%get3A_42] {strides = array<i32>} : memref<256xf32, #tpu.memory_space<vmem>>, vector<16xf32>,
    %max3A_44 = arith.maximumf %max3A_41, %get3A_43 : vector<16xf32>
    %get3A_45 = arith.constant 144 : index
    %get3A_46 = tpu.vector_load %arg11[%get3A_45] {strides = array<i32>} : memref<256xf32, #tpu.memory_space<vmem>>, vector<16xf32>,
    %max3A_47 = arith.maximumf %max3A_44, %get3A_46 : vector<16xf32>
    %get3A_48 = arith.constant 160 : index
    %get3A_49 = tpu.vector_load %arg11[%get3A_48] {strides = array<i32>} : memref<256xf32, #tpu.memory_space<vmem>>, vector<16xf32>,
    %max3A_50 = arith.maximumf %max3A_47, %get3A_49 : vector<16xf32>
    %get3A_51 = arith.constant 176 : index
    %get3A_52 = tpu.vector_load %arg11[%get3A_51] {strides = array<i32>} : memref<256xf32, #tpu.memory_space<vmem>>, vector<16xf32>,
    %max3A_53 = arith.maximumf %max3A_50, %get3A_52 : vector<16xf32>
    %get3A_54 = arith.constant 192 : index
    %get3A_55 = tpu.vector_load %arg11[%get3A_54] {strides = array<i32>} : memref<256xf32, #tpu.memory_space<vmem>>, vector<16xf32>,
    %max3A_56 = arith.maximumf %max3A_53, %get3A_55 : vector<16xf32>
    %get3A_57 = arith.constant 208 : index
    %get3A_58 = tpu.vector_load %arg11[%get3A_57] {strides = array<i32>} : memref<256xf32, #tpu.memory_space<vmem>>, vector<16xf32>,
    %max3A_59 = arith.maximumf %max3A_56, %get3A_58 : vector<16xf32>
    %get3A_60 = arith.constant 224 : index
    %get3A_61 = tpu.vector_load %arg11[%get3A_60] {strides = array<i32>} : memref<256xf32, #tpu.memory_space<vmem>>, vector<16xf32>,
    %max3A_62 = arith.maximumf %max3A_59, %get3A_61 : vector<16xf32>
    %get3A_63 = arith.constant 240 : index
    %get3A_64 = tpu.vector_load %arg11[%get3A_63] {strides = array<i32>} : memref<256xf32, #tpu.memory_space<vmem>>, vector<16xf32>,
    %max3A_65 = arith.maximumf %max3A_62, %get3A_64 : vector<16xf32>
    %swap3A = arith.constant 0 : index
    %swap3A_66 = tpu.vector_load %arg12[%swap3A] {strides = array<i32>} : memref<16xf32, #tpu.memory_space<vmem>>, vector<16xf32>,
    tpu.vector_store %arg12[%swap3A], %max3A_65 {strides = array<i32>} : memref<16xf32, #tpu.memory_space<vmem>>, vector<16xf32>,
    %scan3A_67 = arith.constant 0 : i32
    %scan3A_68 = arith.constant 0 : i32
    %scan3A_69 = arith.constant 100 : i32
    %scan3A_70 = arith.addi %scan3A_68, %scan3A_69 : i32
    %scan3A_71 = arith.constant 1 : i32
    scf.for %scan3A_542 = %scan3A_68 to %scan3A_70 step %scan3A_71  : i32 {
      %get3A_543 = arith.constant 0 : index
      %get3A_544 = tpu.vector_load %arg12[%get3A_543] {strides = array<i32>} : memref<16xf32, #tpu.memory_space<vmem>>, vector<16xf32>,
      %reduce_max3A = arith.constant true
      %reduce_max3A_545 = vector.broadcast %reduce_max3A : i1 to vector<16xi1>
      %reduce_max3A_546 = tpu.scan <max>, %get3A_544 masked %reduce_max3A_545 : vector<16xf32>, vector<16xi1> -> vector<16xf32>
      %reduce_max3A_547 = vector.extract %reduce_max3A_546[15] : f32 from vector<16xf32>
      %eq3A_548 = vector.broadcast %reduce_max3A_547 : f32 to vector<16xf32>
      %eq3A_549 = arith.cmpf oeq, %get3A_544, %eq3A_548 : vector<16xf32>
      %jit3A_550 = arith.constant 16 : i32
      %broadcast_in_dim3A_551 = vector.broadcast %jit3A_550 : i32 to vector<16xi32>
      %select_n3A_552 = arith.select %eq3A_549, %iota3A, %broadcast_in_dim3A_551 : vector<16xi1>, vector<16xi32>
      %reduce_min3A = arith.constant true
      %reduce_min3A_553 = vector.broadcast %reduce_min3A : i1 to vector<16xi1>
      %reduce_min3A_554 = arith.constant -2147483648 : i32
      %reduce_min3A_555 = vector.broadcast %reduce_min3A_554 : i32 to vector<16xi32>
      %reduce_min3A_556 = arith.xori %select_n3A_552, %reduce_min3A_555 : vector<16xi32>
      %reduce_min3A_557 = tpu.scan <min>, %reduce_min3A_556 masked %reduce_min3A_553 : vector<16xi32>, vector<16xi1> -> vector<16xi32>
      %reduce_min3A_558 = arith.xori %reduce_min3A_557, %reduce_min3A_555 : vector<16xi32>
      %reduce_min3A_559 = vector.extract %reduce_min3A_558[15] : i32 from vector<16xi32>
      %mul3A_560 = arith.constant 16 : i32
      %mul3A_561 = vector.broadcast %mul3A_560 : i32 to vector<16xi32>
      %mul3A_562 = arith.muli %iota3A, %mul3A_561 : vector<16xi32>
      %add3A_563 = vector.broadcast %reduce_min3A_559 : i32 to vector<16xi32>
      %add3A_564 = arith.addi %mul3A_562, %add3A_563 : vector<16xi32>
      %gather3A = tpu.vector_load_idx %arg11[%add3A_564] : memref<256xf32, #tpu.memory_space<vmem>>[vector<16xi32>], vector<16xf32>,
      %eq3A_565 = vector.broadcast %reduce_max3A_547 : f32 to vector<16xf32>
      %eq3A_566 = arith.cmpf oeq, %gather3A, %eq3A_565 : vector<16xf32>
      %jit3A_567 = arith.constant 16 : i32
      %broadcast_in_dim3A_568 = vector.broadcast %jit3A_567 : i32 to vector<16xi32>
      %select_n3A_569 = arith.select %eq3A_566, %iota3A, %broadcast_in_dim3A_568 : vector<16xi1>, vector<16xi32>
      %reduce_min3A_570 = arith.constant true
      %reduce_min3A_571 = vector.broadcast %reduce_min3A_570 : i1 to vector<16xi1>
      %reduce_min3A_572 = arith.constant -2147483648 : i32
      %reduce_min3A_573 = vector.broadcast %reduce_min3A_572 : i32 to vector<16xi32>
      %reduce_min3A_574 = arith.xori %select_n3A_569, %reduce_min3A_573 : vector<16xi32>
      %reduce_min3A_575 = tpu.scan <min>, %reduce_min3A_574 masked %reduce_min3A_571 : vector<16xi32>, vector<16xi1> -> vector<16xi32>
      %reduce_min3A_576 = arith.xori %reduce_min3A_575, %reduce_min3A_573 : vector<16xi32>
      %reduce_min3A_577 = vector.extract %reduce_min3A_576[15] : i32 from vector<16xi32>
      %mul3A_578 = arith.constant 16 : i32
      %mul3A_579 = arith.muli %reduce_min3A_577, %mul3A_578 : i32
      %add3A_580 = vector.broadcast %mul3A_579 : i32 to vector<16xi32>
      %add3A_581 = arith.addi %add3A_580, %iota3A : vector<16xi32>
      %mul3A_582 = arith.constant 16 : i32
      %mul3A_583 = vector.broadcast %mul3A_582 : i32 to vector<16xi32>
      %mul3A_584 = arith.muli %add3A_581, %mul3A_583 : vector<16xi32>
      %add3A_585 = vector.broadcast %reduce_min3A_559 : i32 to vector<16xi32>
      %add3A_586 = arith.addi %mul3A_584, %add3A_585 : vector<16xi32>
      %gather3A_587 = tpu.vector_load_idx %arg10[%add3A_586] : memref<4096xf32, #tpu.memory_space<vmem>>[vector<16xi32>], vector<16xf32>,
      %eq3A_588 = vector.broadcast %reduce_max3A_547 : f32 to vector<16xf32>
      %eq3A_589 = arith.cmpf oeq, %gather3A_587, %eq3A_588 : vector<16xf32>
      %jit3A_590 = arith.constant 16 : i32
      %broadcast_in_dim3A_591 = vector.broadcast %jit3A_590 : i32 to vector<16xi32>
      %select_n3A_592 = arith.select %eq3A_589, %iota3A, %broadcast_in_dim3A_591 : vector<16xi1>, vector<16xi32>
      %reduce_min3A_593 = arith.constant true
      %reduce_min3A_594 = vector.broadcast %reduce_min3A_593 : i1 to vector<16xi1>
      %reduce_min3A_595 = arith.constant -2147483648 : i32
      %reduce_min3A_596 = vector.broadcast %reduce_min3A_595 : i32 to vector<16xi32>
      %reduce_min3A_597 = arith.xori %select_n3A_592, %reduce_min3A_596 : vector<16xi32>
      %reduce_min3A_598 = tpu.scan <min>, %reduce_min3A_597 masked %reduce_min3A_594 : vector<16xi32>, vector<16xi1> -> vector<16xi32>
      %reduce_min3A_599 = arith.xori %reduce_min3A_598, %reduce_min3A_596 : vector<16xi32>
      %reduce_min3A_600 = vector.extract %reduce_min3A_599[15] : i32 from vector<16xi32>
      %mul3A_601 = arith.constant 16 : i32
      %mul3A_602 = arith.muli %reduce_min3A_577, %mul3A_601 : i32
      %add3A_603 = arith.addi %mul3A_602, %reduce_min3A_600 : i32
      %mul3A_604 = arith.constant 1280 : i32
      %mul3A_605 = arith.muli %reduce_min3A_559, %mul3A_604 : i32
      %mul3A_606 = arith.constant 5 : i32
      %mul3A_607 = arith.muli %mul3A_606, %add3A_603 : i32
      %add3A_608 = arith.addi %mul3A_605, %mul3A_607 : i32
      %add3A_609 = vector.broadcast %add3A_608 : i32 to vector<16xi32>
      %add3A_610 = arith.addi %add3A_609, %iota3A : vector<16xi32>
      %lt3A_611 = arith.constant 5 : i32
      %lt3A_612 = vector.broadcast %lt3A_611 : i32 to vector<16xi32>
      %lt3A_613 = arith.cmpi slt, %iota3A, %lt3A_612 : vector<16xi32>
      %min3A = arith.constant 19999 : i32
      %min3A_614 = vector.broadcast %min3A : i32 to vector<16xi32>
      %min3A_615 = arith.minsi %add3A_610, %min3A_614 : vector<16xi32>
      %gather3A_616 = tpu.vector_load_idx %arg9[%min3A_615] : memref<20000xf32, #tpu.memory_space<vmem>>[vector<16xi32>], vector<16xf32>,
      %lt3A_617 = arith.constant 20000 : i32
      %lt3A_618 = vector.broadcast %lt3A_617 : i32 to vector<16xi32>
      %lt3A_619 = arith.cmpi slt, %add3A_610, %lt3A_618 : vector<16xi32>
      %jit3A_620 = arith.constant -1.000000e+00 : f32
      %broadcast_in_dim3A_621 = vector.broadcast %jit3A_620 : f32 to vector<16xf32>
      %select_n3A_622 = arith.select %lt3A_619, %gather3A_616, %broadcast_in_dim3A_621 : vector<16xi1>, vector<16xf32>
      %eq3A_623 = vector.broadcast %reduce_max3A_547 : f32 to vector<16xf32>
      %eq3A_624 = arith.cmpf oeq, %select_n3A_622, %eq3A_623 : vector<16xf32>
      %and3A_625 = arith.andi %eq3A_624, %lt3A_613 : vector<16xi1>
      %jit3A_626 = arith.constant 16 : i32
      %broadcast_in_dim3A_627 = vector.broadcast %jit3A_626 : i32 to vector<16xi32>
      %select_n3A_628 = arith.select %and3A_625, %iota3A, %broadcast_in_dim3A_627 : vector<16xi1>, vector<16xi32>
      %reduce_min3A_629 = arith.constant true
      %reduce_min3A_630 = vector.broadcast %reduce_min3A_629 : i1 to vector<16xi1>
      %reduce_min3A_631 = arith.constant -2147483648 : i32
      %reduce_min3A_632 = vector.broadcast %reduce_min3A_631 : i32 to vector<16xi32>
      %reduce_min3A_633 = arith.xori %select_n3A_628, %reduce_min3A_632 : vector<16xi32>
      %reduce_min3A_634 = tpu.scan <min>, %reduce_min3A_633 masked %reduce_min3A_630 : vector<16xi32>, vector<16xi1> -> vector<16xi32>
      %reduce_min3A_635 = arith.xori %reduce_min3A_634, %reduce_min3A_632 : vector<16xi32>
      %reduce_min3A_636 = vector.extract %reduce_min3A_635[15] : i32 from vector<16xi32>
      %mul3A_637 = arith.constant 1280 : i32
      %mul3A_638 = arith.muli %reduce_min3A_559, %mul3A_637 : i32
      %mul3A_639 = arith.constant 5 : i32
      %mul3A_640 = arith.muli %mul3A_639, %add3A_603 : i32
      %add3A_641 = arith.addi %mul3A_638, %mul3A_640 : i32
      %add3A_642 = arith.addi %add3A_641, %reduce_min3A_636 : i32
      %broadcast_in_dim3A_643 = vector.broadcast %scan3A_542 : i32 to vector<16xi32>
      %broadcast_in_dim3A_644 = vector.broadcast %reduce_max3A_547 : f32 to vector<16xf32>
      tpu.vector_store_idx %arg14[%broadcast_in_dim3A_643], %broadcast_in_dim3A_644 masked %eq3A_2 : memref<112xf32, #tpu.memory_space<vmem>>[vector<16xi32>], vector<16xf32>, vector<16xi1>
      %broadcast_in_dim3A_645 = vector.broadcast %scan3A_542 : i32 to vector<16xi32>
      %broadcast_in_dim3A_646 = vector.broadcast %add3A_642 : i32 to vector<16xi32>
      tpu.vector_store_idx %arg13[%broadcast_in_dim3A_645], %broadcast_in_dim3A_646 masked %eq3A_2 : memref<112xi32, #tpu.memory_space<vmem>>[vector<16xi32>], vector<16xi32>, vector<16xi1>
      %broadcast_in_dim3A_647 = vector.broadcast %add3A_642 : i32 to vector<16xi32>
      %broadcast_in_dim3A_648 = arith.constant -1.000000e+00 : f32
      %broadcast_in_dim3A_649 = vector.broadcast %broadcast_in_dim3A_648 : f32 to vector<16xf32>
      tpu.vector_store_idx %arg9[%broadcast_in_dim3A_647], %broadcast_in_dim3A_649 masked %eq3A_2 : memref<20000xf32, #tpu.memory_space<vmem>>[vector<16xi32>], vector<16xf32>, vector<16xi1>
      %ne3A_650 = vector.broadcast %reduce_min3A_636 : i32 to vector<16xi32>
      %ne3A_651 = arith.cmpi ne, %iota3A, %ne3A_650 : vector<16xi32>
      %and3A_652 = arith.andi %lt3A_613, %ne3A_651 : vector<16xi1>
      %jit3A_653 = arith.constant -1.000000e+00 : f32
      %broadcast_in_dim3A_654 = vector.broadcast %jit3A_653 : f32 to vector<16xf32>
      %select_n3A_655 = arith.select %and3A_652, %select_n3A_622, %broadcast_in_dim3A_654 : vector<16xi1>, vector<16xf32>
      %reduce_max3A_656 = arith.constant true
      %reduce_max3A_657 = vector.broadcast %reduce_max3A_656 : i1 to vector<16xi1>
      %reduce_max3A_658 = tpu.scan <max>, %select_n3A_655 masked %reduce_max3A_657 : vector<16xf32>, vector<16xi1> -> vector<16xf32>
      %reduce_max3A_659 = vector.extract %reduce_max3A_658[15] : f32 from vector<16xf32>
      %mul3A_660 = arith.constant 16 : i32
      %mul3A_661 = arith.muli %add3A_603, %mul3A_660 : i32
      %multiple_of3A = tpu.assume_multiple %mul3A_661, 16 : i32
      %get3A_662 = arith.index_cast %multiple_of3A : i32 to index
      %get3A_663 = tpu.vector_load %arg10[%get3A_662] {strides = array<i32>} : memref<4096xf32, #tpu.memory_space<vmem>>, vector<16xf32>,
      %eq3A_664 = vector.broadcast %reduce_min3A_559 : i32 to vector<16xi32>
      %eq3A_665 = arith.cmpi eq, %iota3A, %eq3A_664 : vector<16xi32>
      %broadcast_in_dim3A_666 = vector.broadcast %reduce_max3A_659 : f32 to vector<16xf32>
      %select_n3A_667 = arith.select %eq3A_665, %broadcast_in_dim3A_666, %get3A_663 : vector<16xi1>, vector<16xf32>
      %mul3A_668 = arith.constant 16 : i32
      %mul3A_669 = arith.muli %add3A_603, %mul3A_668 : i32
      %multiple_of3A_670 = tpu.assume_multiple %mul3A_669, 16 : i32
      %swap3A_671 = arith.index_cast %multiple_of3A_670 : i32 to index
      %swap3A_672 = tpu.vector_load %arg10[%swap3A_671] {strides = array<i32>} : memref<4096xf32, #tpu.memory_space<vmem>>, vector<16xf32>,
      tpu.vector_store %arg10[%swap3A_671], %select_n3A_667 {strides = array<i32>} : memref<4096xf32, #tpu.memory_space<vmem>>, vector<16xf32>,
      %mul3A_673 = arith.constant 16 : i32
      %mul3A_674 = arith.muli %reduce_min3A_577, %mul3A_673 : i32
      %add3A_675 = vector.broadcast %mul3A_674 : i32 to vector<16xi32>
      %add3A_676 = arith.addi %add3A_675, %iota3A : vector<16xi32>
      %mul3A_677 = arith.constant 16 : i32
      %mul3A_678 = vector.broadcast %mul3A_677 : i32 to vector<16xi32>
      %mul3A_679 = arith.muli %add3A_676, %mul3A_678 : vector<16xi32>
      %add3A_680 = vector.broadcast %reduce_min3A_559 : i32 to vector<16xi32>
      %add3A_681 = arith.addi %mul3A_679, %add3A_680 : vector<16xi32>
      %gather3A_682 = tpu.vector_load_idx %arg10[%add3A_681] : memref<4096xf32, #tpu.memory_space<vmem>>[vector<16xi32>], vector<16xf32>,
      %reduce_max3A_683 = arith.constant true
      %reduce_max3A_684 = vector.broadcast %reduce_max3A_683 : i1 to vector<16xi1>
      %reduce_max3A_685 = tpu.scan <max>, %gather3A_682 masked %reduce_max3A_684 : vector<16xf32>, vector<16xi1> -> vector<16xf32>
      %reduce_max3A_686 = vector.extract %reduce_max3A_685[15] : f32 from vector<16xf32>
      %mul3A_687 = arith.constant 16 : i32
      %mul3A_688 = arith.muli %reduce_min3A_577, %mul3A_687 : i32
      %multiple_of3A_689 = tpu.assume_multiple %mul3A_688, 16 : i32
      %get3A_690 = arith.index_cast %multiple_of3A_689 : i32 to index
      %get3A_691 = tpu.vector_load %arg11[%get3A_690] {strides = array<i32>} : memref<256xf32, #tpu.memory_space<vmem>>, vector<16xf32>,
      %eq3A_692 = vector.broadcast %reduce_min3A_559 : i32 to vector<16xi32>
      %eq3A_693 = arith.cmpi eq, %iota3A, %eq3A_692 : vector<16xi32>
      %broadcast_in_dim3A_694 = vector.broadcast %reduce_max3A_686 : f32 to vector<16xf32>
      %select_n3A_695 = arith.select %eq3A_693, %broadcast_in_dim3A_694, %get3A_691 : vector<16xi1>, vector<16xf32>
      %mul3A_696 = arith.constant 16 : i32
      %mul3A_697 = arith.muli %reduce_min3A_577, %mul3A_696 : i32
      %multiple_of3A_698 = tpu.assume_multiple %mul3A_697, 16 : i32
      %swap3A_699 = arith.index_cast %multiple_of3A_698 : i32 to index
      %swap3A_700 = tpu.vector_load %arg11[%swap3A_699] {strides = array<i32>} : memref<256xf32, #tpu.memory_space<vmem>>, vector<16xf32>,
      tpu.vector_store %arg11[%swap3A_699], %select_n3A_695 {strides = array<i32>} : memref<256xf32, #tpu.memory_space<vmem>>, vector<16xf32>,
      %mul3A_701 = arith.constant 16 : i32
      %mul3A_702 = vector.broadcast %mul3A_701 : i32 to vector<16xi32>
      %mul3A_703 = arith.muli %iota3A, %mul3A_702 : vector<16xi32>
      %add3A_704 = vector.broadcast %reduce_min3A_559 : i32 to vector<16xi32>
      %add3A_705 = arith.addi %mul3A_703, %add3A_704 : vector<16xi32>
      %gather3A_706 = tpu.vector_load_idx %arg11[%add3A_705] : memref<256xf32, #tpu.memory_space<vmem>>[vector<16xi32>], vector<16xf32>,
      %eq3A_707 = vector.broadcast %reduce_min3A_559 : i32 to vector<16xi32>
      %eq3A_708 = arith.cmpi eq, %iota3A, %eq3A_707 : vector<16xi32>
      %reduce_max3A_709 = arith.constant true
      %reduce_max3A_710 = vector.broadcast %reduce_max3A_709 : i1 to vector<16xi1>
      %reduce_max3A_711 = tpu.scan <max>, %gather3A_706 masked %reduce_max3A_710 : vector<16xf32>, vector<16xi1> -> vector<16xf32>
      %reduce_max3A_712 = vector.extract %reduce_max3A_711[15] : f32 from vector<16xf32>
      %broadcast_in_dim3A_713 = vector.broadcast %reduce_max3A_712 : f32 to vector<16xf32>
      %select_n3A_714 = arith.select %eq3A_708, %broadcast_in_dim3A_713, %get3A_544 : vector<16xi1>, vector<16xf32>
      %swap3A_715 = arith.constant 0 : index
      %swap3A_716 = tpu.vector_load %arg12[%swap3A_715] {strides = array<i32>} : memref<16xf32, #tpu.memory_space<vmem>>, vector<16xf32>,
      tpu.vector_store %arg12[%swap3A_715], %select_n3A_714 {strides = array<i32>} : memref<16xf32, #tpu.memory_space<vmem>>, vector<16xf32>,
    }
    %scan3A_72 = arith.constant 100 : i32
    %broadcast_in_dim3A = arith.constant 0 : i32
    %broadcast_in_dim3A_73 = vector.broadcast %broadcast_in_dim3A : i32 to vector<16xi32>
    %add3A_74 = arith.constant 96 : i32
    %add3A_75 = vector.broadcast %add3A_74 : i32 to vector<16xi32>
    %add3A_76 = arith.addi %add3A_75, %iota3A : vector<16xi32>
    %ge3A = arith.constant 4 : i32
    %ge3A_77 = vector.broadcast %ge3A : i32 to vector<16xi32>
    %ge3A_78 = arith.cmpi sge, %iota3A, %ge3A_77 : vector<16xi32>
    tpu.vector_store_idx %arg13[%add3A_76], %broadcast_in_dim3A_73 masked %ge3A_78 : memref<112xi32, #tpu.memory_space<vmem>>[vector<16xi32>], vector<16xi32>, vector<16xi1>
    %get3A_79 = arith.constant 0 : index
    %get3A_80 = tpu.vector_load %arg13[%get3A_79] {strides = array<i32>} : memref<112xi32, #tpu.memory_space<vmem>>, vector<16xi32>,
    %jit3A = arith.constant 10 : i32
    %eq3A_81 = arith.constant 0 : i32
    %eq3A_82 = arith.cmpi eq, %jit3A, %eq3A_81 : i32
    %jit3A_83 = arith.constant 1 : i32
    %select_n3A = arith.select %eq3A_82, %jit3A_83, %jit3A : i32
    %rem3A = vector.broadcast %select_n3A : i32 to vector<16xi32>
    %rem3A_84 = arith.remsi %get3A_80, %rem3A : vector<16xi32>
    %ne3A = arith.constant 0 : i32
    %ne3A_85 = vector.broadcast %ne3A : i32 to vector<16xi32>
    %ne3A_86 = arith.cmpi ne, %rem3A_84, %ne3A_85 : vector<16xi32>
    %lt3A = arith.constant 0 : i32
    %lt3A_87 = vector.broadcast %lt3A : i32 to vector<16xi32>
    %lt3A_88 = arith.cmpi slt, %rem3A_84, %lt3A_87 : vector<16xi32>
    %lt3A_89 = arith.constant 0 : i32
    %lt3A_90 = arith.cmpi slt, %select_n3A, %lt3A_89 : i32
    %ne3A_91 = vector.broadcast %lt3A_90 : i1 to vector<16xi1>
    %ne3A_92 = vector.broadcast %ne3A_91 : vector<16xi1> to vector<16xi1>
    %ne3A_93 = arith.xori %lt3A_88, %ne3A_92 : vector<16xi1>
    %and3A = arith.andi %ne3A_93, %ne3A_86 : vector<16xi1>
    %add3A_94 = vector.broadcast %select_n3A : i32 to vector<16xi32>
    %add3A_95 = arith.addi %rem3A_84, %add3A_94 : vector<16xi32>
    %select_n3A_96 = arith.select %and3A, %add3A_95, %rem3A_84 : vector<16xi1>, vector<16xi32>
    %swap3A_97 = arith.constant 0 : index
    %swap3A_98 = tpu.vector_load %arg15[%swap3A_97] {strides = array<i32>} : memref<112xi32, #tpu.memory_space<vmem>>, vector<16xi32>,
    tpu.vector_store %arg15[%swap3A_97], %select_n3A_96 {strides = array<i32>} : memref<112xi32, #tpu.memory_space<vmem>>, vector<16xi32>,
    %mul3A_99 = arith.constant 2000 : i32
    %mul3A_100 = arith.muli %add3A, %mul3A_99 : i32
    %jit3A_101 = arith.constant 10 : i32
    %div3A = vector.broadcast %jit3A_101 : i32 to vector<16xi32>
    %div3A_102 = arith.divsi %get3A_80, %div3A : vector<16xi32>
    %sign3A = arith.constant 0 : i32
    %sign3A_103 = vector.broadcast %sign3A : i32 to vector<16xi32>
    %sign3A_104 = arith.cmpi sgt, %get3A_80, %sign3A_103 : vector<16xi32>
    %sign3A_105 = arith.extui %sign3A_104 : vector<16xi1> to vector<16xi32>
    %sign3A_106 = arith.constant 0 : i32
    %sign3A_107 = vector.broadcast %sign3A_106 : i32 to vector<16xi32>
    %sign3A_108 = arith.cmpi slt, %get3A_80, %sign3A_107 : vector<16xi32>
    %sign3A_109 = arith.extui %sign3A_108 : vector<16xi1> to vector<16xi32>
    %sign3A_110 = arith.subi %sign3A_105, %sign3A_109 : vector<16xi32>
    %sign3A_111 = arith.constant 0 : i32
    %sign3A_112 = arith.cmpi sgt, %jit3A_101, %sign3A_111 : i32
    %sign3A_113 = arith.extui %sign3A_112 : i1 to i32
    %sign3A_114 = arith.constant 0 : i32
    %sign3A_115 = arith.cmpi slt, %jit3A_101, %sign3A_114 : i32
    %sign3A_116 = arith.extui %sign3A_115 : i1 to i32
    %sign3A_117 = arith.subi %sign3A_113, %sign3A_116 : i32
    %ne3A_118 = vector.broadcast %sign3A_117 : i32 to vector<16xi32>
    %ne3A_119 = arith.cmpi ne, %sign3A_110, %ne3A_118 : vector<16xi32>
    %rem3A_120 = vector.broadcast %jit3A_101 : i32 to vector<16xi32>
    %rem3A_121 = arith.remsi %get3A_80, %rem3A_120 : vector<16xi32>
    %ne3A_122 = arith.constant 0 : i32
    %ne3A_123 = vector.broadcast %ne3A_122 : i32 to vector<16xi32>
    %ne3A_124 = arith.cmpi ne, %rem3A_121, %ne3A_123 : vector<16xi32>
    %and3A_125 = arith.andi %ne3A_119, %ne3A_124 : vector<16xi1>
    %sub3A = arith.constant 1 : i32
    %sub3A_126 = vector.broadcast %sub3A : i32 to vector<16xi32>
    %sub3A_127 = arith.subi %div3A_102, %sub3A_126 : vector<16xi32>
    %select_n3A_128 = arith.select %and3A_125, %sub3A_127, %div3A_102 : vector<16xi1>, vector<16xi32>
    %add3A_129 = vector.broadcast %mul3A_100 : i32 to vector<16xi32>
    %add3A_130 = arith.addi %add3A_129, %select_n3A_128 : vector<16xi32>
    %swap3A_131 = arith.constant 0 : index
    %swap3A_132 = tpu.vector_load %arg16[%swap3A_131] {strides = array<i32>} : memref<112xi32, #tpu.memory_space<vmem>>, vector<16xi32>,
    tpu.vector_store %arg16[%swap3A_131], %add3A_130 {strides = array<i32>} : memref<112xi32, #tpu.memory_space<vmem>>, vector<16xi32>,
    %get3A_133 = arith.constant 16 : index
    %get3A_134 = tpu.vector_load %arg13[%get3A_133] {strides = array<i32>} : memref<112xi32, #tpu.memory_space<vmem>>, vector<16xi32>,
    %jit3A_135 = arith.constant 10 : i32
    %eq3A_136 = arith.constant 0 : i32
    %eq3A_137 = arith.cmpi eq, %jit3A_135, %eq3A_136 : i32
    %jit3A_138 = arith.constant 1 : i32
    %select_n3A_139 = arith.select %eq3A_137, %jit3A_138, %jit3A_135 : i32
    %rem3A_140 = vector.broadcast %select_n3A_139 : i32 to vector<16xi32>
    %rem3A_141 = arith.remsi %get3A_134, %rem3A_140 : vector<16xi32>
    %ne3A_142 = arith.constant 0 : i32
    %ne3A_143 = vector.broadcast %ne3A_142 : i32 to vector<16xi32>
    %ne3A_144 = arith.cmpi ne, %rem3A_141, %ne3A_143 : vector<16xi32>
    %lt3A_145 = arith.constant 0 : i32
    %lt3A_146 = vector.broadcast %lt3A_145 : i32 to vector<16xi32>
    %lt3A_147 = arith.cmpi slt, %rem3A_141, %lt3A_146 : vector<16xi32>
    %lt3A_148 = arith.constant 0 : i32
    %lt3A_149 = arith.cmpi slt, %select_n3A_139, %lt3A_148 : i32
    %ne3A_150 = vector.broadcast %lt3A_149 : i1 to vector<16xi1>
    %ne3A_151 = vector.broadcast %ne3A_150 : vector<16xi1> to vector<16xi1>
    %ne3A_152 = arith.xori %lt3A_147, %ne3A_151 : vector<16xi1>
    %and3A_153 = arith.andi %ne3A_152, %ne3A_144 : vector<16xi1>
    %add3A_154 = vector.broadcast %select_n3A_139 : i32 to vector<16xi32>
    %add3A_155 = arith.addi %rem3A_141, %add3A_154 : vector<16xi32>
    %select_n3A_156 = arith.select %and3A_153, %add3A_155, %rem3A_141 : vector<16xi1>, vector<16xi32>
    %swap3A_157 = arith.constant 16 : index
    %swap3A_158 = tpu.vector_load %arg15[%swap3A_157] {strides = array<i32>} : memref<112xi32, #tpu.memory_space<vmem>>, vector<16xi32>,
    tpu.vector_store %arg15[%swap3A_157], %select_n3A_156 {strides = array<i32>} : memref<112xi32, #tpu.memory_space<vmem>>, vector<16xi32>,
    %mul3A_159 = arith.constant 2000 : i32
    %mul3A_160 = arith.muli %add3A, %mul3A_159 : i32
    %jit3A_161 = arith.constant 10 : i32
    %div3A_162 = vector.broadcast %jit3A_161 : i32 to vector<16xi32>
    %div3A_163 = arith.divsi %get3A_134, %div3A_162 : vector<16xi32>
    %sign3A_164 = arith.constant 0 : i32
    %sign3A_165 = vector.broadcast %sign3A_164 : i32 to vector<16xi32>
    %sign3A_166 = arith.cmpi sgt, %get3A_134, %sign3A_165 : vector<16xi32>
    %sign3A_167 = arith.extui %sign3A_166 : vector<16xi1> to vector<16xi32>
    %sign3A_168 = arith.constant 0 : i32
    %sign3A_169 = vector.broadcast %sign3A_168 : i32 to vector<16xi32>
    %sign3A_170 = arith.cmpi slt, %get3A_134, %sign3A_169 : vector<16xi32>
    %sign3A_171 = arith.extui %sign3A_170 : vector<16xi1> to vector<16xi32>
    %sign3A_172 = arith.subi %sign3A_167, %sign3A_171 : vector<16xi32>
    %sign3A_173 = arith.constant 0 : i32
    %sign3A_174 = arith.cmpi sgt, %jit3A_161, %sign3A_173 : i32
    %sign3A_175 = arith.extui %sign3A_174 : i1 to i32
    %sign3A_176 = arith.constant 0 : i32
    %sign3A_177 = arith.cmpi slt, %jit3A_161, %sign3A_176 : i32
    %sign3A_178 = arith.extui %sign3A_177 : i1 to i32
    %sign3A_179 = arith.subi %sign3A_175, %sign3A_178 : i32
    %ne3A_180 = vector.broadcast %sign3A_179 : i32 to vector<16xi32>
    %ne3A_181 = arith.cmpi ne, %sign3A_172, %ne3A_180 : vector<16xi32>
    %rem3A_182 = vector.broadcast %jit3A_161 : i32 to vector<16xi32>
    %rem3A_183 = arith.remsi %get3A_134, %rem3A_182 : vector<16xi32>
    %ne3A_184 = arith.constant 0 : i32
    %ne3A_185 = vector.broadcast %ne3A_184 : i32 to vector<16xi32>
    %ne3A_186 = arith.cmpi ne, %rem3A_183, %ne3A_185 : vector<16xi32>
    %and3A_187 = arith.andi %ne3A_181, %ne3A_186 : vector<16xi1>
    %sub3A_188 = arith.constant 1 : i32
    %sub3A_189 = vector.broadcast %sub3A_188 : i32 to vector<16xi32>
    %sub3A_190 = arith.subi %div3A_163, %sub3A_189 : vector<16xi32>
    %select_n3A_191 = arith.select %and3A_187, %sub3A_190, %div3A_163 : vector<16xi1>, vector<16xi32>
    %add3A_192 = vector.broadcast %mul3A_160 : i32 to vector<16xi32>
    %add3A_193 = arith.addi %add3A_192, %select_n3A_191 : vector<16xi32>
    %swap3A_194 = arith.constant 16 : index
    %swap3A_195 = tpu.vector_load %arg16[%swap3A_194] {strides = array<i32>} : memref<112xi32, #tpu.memory_space<vmem>>, vector<16xi32>,
    tpu.vector_store %arg16[%swap3A_194], %add3A_193 {strides = array<i32>} : memref<112xi32, #tpu.memory_space<vmem>>, vector<16xi32>,
    %get3A_196 = arith.constant 32 : index
    %get3A_197 = tpu.vector_load %arg13[%get3A_196] {strides = array<i32>} : memref<112xi32, #tpu.memory_space<vmem>>, vector<16xi32>,
    %jit3A_198 = arith.constant 10 : i32
    %eq3A_199 = arith.constant 0 : i32
    %eq3A_200 = arith.cmpi eq, %jit3A_198, %eq3A_199 : i32
    %jit3A_201 = arith.constant 1 : i32
    %select_n3A_202 = arith.select %eq3A_200, %jit3A_201, %jit3A_198 : i32
    %rem3A_203 = vector.broadcast %select_n3A_202 : i32 to vector<16xi32>
    %rem3A_204 = arith.remsi %get3A_197, %rem3A_203 : vector<16xi32>
    %ne3A_205 = arith.constant 0 : i32
    %ne3A_206 = vector.broadcast %ne3A_205 : i32 to vector<16xi32>
    %ne3A_207 = arith.cmpi ne, %rem3A_204, %ne3A_206 : vector<16xi32>
    %lt3A_208 = arith.constant 0 : i32
    %lt3A_209 = vector.broadcast %lt3A_208 : i32 to vector<16xi32>
    %lt3A_210 = arith.cmpi slt, %rem3A_204, %lt3A_209 : vector<16xi32>
    %lt3A_211 = arith.constant 0 : i32
    %lt3A_212 = arith.cmpi slt, %select_n3A_202, %lt3A_211 : i32
    %ne3A_213 = vector.broadcast %lt3A_212 : i1 to vector<16xi1>
    %ne3A_214 = vector.broadcast %ne3A_213 : vector<16xi1> to vector<16xi1>
    %ne3A_215 = arith.xori %lt3A_210, %ne3A_214 : vector<16xi1>
    %and3A_216 = arith.andi %ne3A_215, %ne3A_207 : vector<16xi1>
    %add3A_217 = vector.broadcast %select_n3A_202 : i32 to vector<16xi32>
    %add3A_218 = arith.addi %rem3A_204, %add3A_217 : vector<16xi32>
    %select_n3A_219 = arith.select %and3A_216, %add3A_218, %rem3A_204 : vector<16xi1>, vector<16xi32>
    %swap3A_220 = arith.constant 32 : index
    %swap3A_221 = tpu.vector_load %arg15[%swap3A_220] {strides = array<i32>} : memref<112xi32, #tpu.memory_space<vmem>>, vector<16xi32>,
    tpu.vector_store %arg15[%swap3A_220], %select_n3A_219 {strides = array<i32>} : memref<112xi32, #tpu.memory_space<vmem>>, vector<16xi32>,
    %mul3A_222 = arith.constant 2000 : i32
    %mul3A_223 = arith.muli %add3A, %mul3A_222 : i32
    %jit3A_224 = arith.constant 10 : i32
    %div3A_225 = vector.broadcast %jit3A_224 : i32 to vector<16xi32>
    %div3A_226 = arith.divsi %get3A_197, %div3A_225 : vector<16xi32>
    %sign3A_227 = arith.constant 0 : i32
    %sign3A_228 = vector.broadcast %sign3A_227 : i32 to vector<16xi32>
    %sign3A_229 = arith.cmpi sgt, %get3A_197, %sign3A_228 : vector<16xi32>
    %sign3A_230 = arith.extui %sign3A_229 : vector<16xi1> to vector<16xi32>
    %sign3A_231 = arith.constant 0 : i32
    %sign3A_232 = vector.broadcast %sign3A_231 : i32 to vector<16xi32>
    %sign3A_233 = arith.cmpi slt, %get3A_197, %sign3A_232 : vector<16xi32>
    %sign3A_234 = arith.extui %sign3A_233 : vector<16xi1> to vector<16xi32>
    %sign3A_235 = arith.subi %sign3A_230, %sign3A_234 : vector<16xi32>
    %sign3A_236 = arith.constant 0 : i32
    %sign3A_237 = arith.cmpi sgt, %jit3A_224, %sign3A_236 : i32
    %sign3A_238 = arith.extui %sign3A_237 : i1 to i32
    %sign3A_239 = arith.constant 0 : i32
    %sign3A_240 = arith.cmpi slt, %jit3A_224, %sign3A_239 : i32
    %sign3A_241 = arith.extui %sign3A_240 : i1 to i32
    %sign3A_242 = arith.subi %sign3A_238, %sign3A_241 : i32
    %ne3A_243 = vector.broadcast %sign3A_242 : i32 to vector<16xi32>
    %ne3A_244 = arith.cmpi ne, %sign3A_235, %ne3A_243 : vector<16xi32>
    %rem3A_245 = vector.broadcast %jit3A_224 : i32 to vector<16xi32>
    %rem3A_246 = arith.remsi %get3A_197, %rem3A_245 : vector<16xi32>
    %ne3A_247 = arith.constant 0 : i32
    %ne3A_248 = vector.broadcast %ne3A_247 : i32 to vector<16xi32>
    %ne3A_249 = arith.cmpi ne, %rem3A_246, %ne3A_248 : vector<16xi32>
    %and3A_250 = arith.andi %ne3A_244, %ne3A_249 : vector<16xi1>
    %sub3A_251 = arith.constant 1 : i32
    %sub3A_252 = vector.broadcast %sub3A_251 : i32 to vector<16xi32>
    %sub3A_253 = arith.subi %div3A_226, %sub3A_252 : vector<16xi32>
    %select_n3A_254 = arith.select %and3A_250, %sub3A_253, %div3A_226 : vector<16xi1>, vector<16xi32>
    %add3A_255 = vector.broadcast %mul3A_223 : i32 to vector<16xi32>
    %add3A_256 = arith.addi %add3A_255, %select_n3A_254 : vector<16xi32>
    %swap3A_257 = arith.constant 32 : index
    %swap3A_258 = tpu.vector_load %arg16[%swap3A_257] {strides = array<i32>} : memref<112xi32, #tpu.memory_space<vmem>>, vector<16xi32>,
    tpu.vector_store %arg16[%swap3A_257], %add3A_256 {strides = array<i32>} : memref<112xi32, #tpu.memory_space<vmem>>, vector<16xi32>,
    %get3A_259 = arith.constant 48 : index
    %get3A_260 = tpu.vector_load %arg13[%get3A_259] {strides = array<i32>} : memref<112xi32, #tpu.memory_space<vmem>>, vector<16xi32>,
    %jit3A_261 = arith.constant 10 : i32
    %eq3A_262 = arith.constant 0 : i32
    %eq3A_263 = arith.cmpi eq, %jit3A_261, %eq3A_262 : i32
    %jit3A_264 = arith.constant 1 : i32
    %select_n3A_265 = arith.select %eq3A_263, %jit3A_264, %jit3A_261 : i32
    %rem3A_266 = vector.broadcast %select_n3A_265 : i32 to vector<16xi32>
    %rem3A_267 = arith.remsi %get3A_260, %rem3A_266 : vector<16xi32>
    %ne3A_268 = arith.constant 0 : i32
    %ne3A_269 = vector.broadcast %ne3A_268 : i32 to vector<16xi32>
    %ne3A_270 = arith.cmpi ne, %rem3A_267, %ne3A_269 : vector<16xi32>
    %lt3A_271 = arith.constant 0 : i32
    %lt3A_272 = vector.broadcast %lt3A_271 : i32 to vector<16xi32>
    %lt3A_273 = arith.cmpi slt, %rem3A_267, %lt3A_272 : vector<16xi32>
    %lt3A_274 = arith.constant 0 : i32
    %lt3A_275 = arith.cmpi slt, %select_n3A_265, %lt3A_274 : i32
    %ne3A_276 = vector.broadcast %lt3A_275 : i1 to vector<16xi1>
    %ne3A_277 = vector.broadcast %ne3A_276 : vector<16xi1> to vector<16xi1>
    %ne3A_278 = arith.xori %lt3A_273, %ne3A_277 : vector<16xi1>
    %and3A_279 = arith.andi %ne3A_278, %ne3A_270 : vector<16xi1>
    %add3A_280 = vector.broadcast %select_n3A_265 : i32 to vector<16xi32>
    %add3A_281 = arith.addi %rem3A_267, %add3A_280 : vector<16xi32>
    %select_n3A_282 = arith.select %and3A_279, %add3A_281, %rem3A_267 : vector<16xi1>, vector<16xi32>
    %swap3A_283 = arith.constant 48 : index
    %swap3A_284 = tpu.vector_load %arg15[%swap3A_283] {strides = array<i32>} : memref<112xi32, #tpu.memory_space<vmem>>, vector<16xi32>,
    tpu.vector_store %arg15[%swap3A_283], %select_n3A_282 {strides = array<i32>} : memref<112xi32, #tpu.memory_space<vmem>>, vector<16xi32>,
    %mul3A_285 = arith.constant 2000 : i32
    %mul3A_286 = arith.muli %add3A, %mul3A_285 : i32
    %jit3A_287 = arith.constant 10 : i32
    %div3A_288 = vector.broadcast %jit3A_287 : i32 to vector<16xi32>
    %div3A_289 = arith.divsi %get3A_260, %div3A_288 : vector<16xi32>
    %sign3A_290 = arith.constant 0 : i32
    %sign3A_291 = vector.broadcast %sign3A_290 : i32 to vector<16xi32>
    %sign3A_292 = arith.cmpi sgt, %get3A_260, %sign3A_291 : vector<16xi32>
    %sign3A_293 = arith.extui %sign3A_292 : vector<16xi1> to vector<16xi32>
    %sign3A_294 = arith.constant 0 : i32
    %sign3A_295 = vector.broadcast %sign3A_294 : i32 to vector<16xi32>
    %sign3A_296 = arith.cmpi slt, %get3A_260, %sign3A_295 : vector<16xi32>
    %sign3A_297 = arith.extui %sign3A_296 : vector<16xi1> to vector<16xi32>
    %sign3A_298 = arith.subi %sign3A_293, %sign3A_297 : vector<16xi32>
    %sign3A_299 = arith.constant 0 : i32
    %sign3A_300 = arith.cmpi sgt, %jit3A_287, %sign3A_299 : i32
    %sign3A_301 = arith.extui %sign3A_300 : i1 to i32
    %sign3A_302 = arith.constant 0 : i32
    %sign3A_303 = arith.cmpi slt, %jit3A_287, %sign3A_302 : i32
    %sign3A_304 = arith.extui %sign3A_303 : i1 to i32
    %sign3A_305 = arith.subi %sign3A_301, %sign3A_304 : i32
    %ne3A_306 = vector.broadcast %sign3A_305 : i32 to vector<16xi32>
    %ne3A_307 = arith.cmpi ne, %sign3A_298, %ne3A_306 : vector<16xi32>
    %rem3A_308 = vector.broadcast %jit3A_287 : i32 to vector<16xi32>
    %rem3A_309 = arith.remsi %get3A_260, %rem3A_308 : vector<16xi32>
    %ne3A_310 = arith.constant 0 : i32
    %ne3A_311 = vector.broadcast %ne3A_310 : i32 to vector<16xi32>
    %ne3A_312 = arith.cmpi ne, %rem3A_309, %ne3A_311 : vector<16xi32>
    %and3A_313 = arith.andi %ne3A_307, %ne3A_312 : vector<16xi1>
    %sub3A_314 = arith.constant 1 : i32
    %sub3A_315 = vector.broadcast %sub3A_314 : i32 to vector<16xi32>
    %sub3A_316 = arith.subi %div3A_289, %sub3A_315 : vector<16xi32>
    %select_n3A_317 = arith.select %and3A_313, %sub3A_316, %div3A_289 : vector<16xi1>, vector<16xi32>
    %add3A_318 = vector.broadcast %mul3A_286 : i32 to vector<16xi32>
    %add3A_319 = arith.addi %add3A_318, %select_n3A_317 : vector<16xi32>
    %swap3A_320 = arith.constant 48 : index
    %swap3A_321 = tpu.vector_load %arg16[%swap3A_320] {strides = array<i32>} : memref<112xi32, #tpu.memory_space<vmem>>, vector<16xi32>,
    tpu.vector_store %arg16[%swap3A_320], %add3A_319 {strides = array<i32>} : memref<112xi32, #tpu.memory_space<vmem>>, vector<16xi32>,
    %get3A_322 = arith.constant 64 : index
    %get3A_323 = tpu.vector_load %arg13[%get3A_322] {strides = array<i32>} : memref<112xi32, #tpu.memory_space<vmem>>, vector<16xi32>,
    %jit3A_324 = arith.constant 10 : i32
    %eq3A_325 = arith.constant 0 : i32
    %eq3A_326 = arith.cmpi eq, %jit3A_324, %eq3A_325 : i32
    %jit3A_327 = arith.constant 1 : i32
    %select_n3A_328 = arith.select %eq3A_326, %jit3A_327, %jit3A_324 : i32
    %rem3A_329 = vector.broadcast %select_n3A_328 : i32 to vector<16xi32>
    %rem3A_330 = arith.remsi %get3A_323, %rem3A_329 : vector<16xi32>
    %ne3A_331 = arith.constant 0 : i32
    %ne3A_332 = vector.broadcast %ne3A_331 : i32 to vector<16xi32>
    %ne3A_333 = arith.cmpi ne, %rem3A_330, %ne3A_332 : vector<16xi32>
    %lt3A_334 = arith.constant 0 : i32
    %lt3A_335 = vector.broadcast %lt3A_334 : i32 to vector<16xi32>
    %lt3A_336 = arith.cmpi slt, %rem3A_330, %lt3A_335 : vector<16xi32>
    %lt3A_337 = arith.constant 0 : i32
    %lt3A_338 = arith.cmpi slt, %select_n3A_328, %lt3A_337 : i32
    %ne3A_339 = vector.broadcast %lt3A_338 : i1 to vector<16xi1>
    %ne3A_340 = vector.broadcast %ne3A_339 : vector<16xi1> to vector<16xi1>
    %ne3A_341 = arith.xori %lt3A_336, %ne3A_340 : vector<16xi1>
    %and3A_342 = arith.andi %ne3A_341, %ne3A_333 : vector<16xi1>
    %add3A_343 = vector.broadcast %select_n3A_328 : i32 to vector<16xi32>
    %add3A_344 = arith.addi %rem3A_330, %add3A_343 : vector<16xi32>
    %select_n3A_345 = arith.select %and3A_342, %add3A_344, %rem3A_330 : vector<16xi1>, vector<16xi32>
    %swap3A_346 = arith.constant 64 : index
    %swap3A_347 = tpu.vector_load %arg15[%swap3A_346] {strides = array<i32>} : memref<112xi32, #tpu.memory_space<vmem>>, vector<16xi32>,
    tpu.vector_store %arg15[%swap3A_346], %select_n3A_345 {strides = array<i32>} : memref<112xi32, #tpu.memory_space<vmem>>, vector<16xi32>,
    %mul3A_348 = arith.constant 2000 : i32
    %mul3A_349 = arith.muli %add3A, %mul3A_348 : i32
    %jit3A_350 = arith.constant 10 : i32
    %div3A_351 = vector.broadcast %jit3A_350 : i32 to vector<16xi32>
    %div3A_352 = arith.divsi %get3A_323, %div3A_351 : vector<16xi32>
    %sign3A_353 = arith.constant 0 : i32
    %sign3A_354 = vector.broadcast %sign3A_353 : i32 to vector<16xi32>
    %sign3A_355 = arith.cmpi sgt, %get3A_323, %sign3A_354 : vector<16xi32>
    %sign3A_356 = arith.extui %sign3A_355 : vector<16xi1> to vector<16xi32>
    %sign3A_357 = arith.constant 0 : i32
    %sign3A_358 = vector.broadcast %sign3A_357 : i32 to vector<16xi32>
    %sign3A_359 = arith.cmpi slt, %get3A_323, %sign3A_358 : vector<16xi32>
    %sign3A_360 = arith.extui %sign3A_359 : vector<16xi1> to vector<16xi32>
    %sign3A_361 = arith.subi %sign3A_356, %sign3A_360 : vector<16xi32>
    %sign3A_362 = arith.constant 0 : i32
    %sign3A_363 = arith.cmpi sgt, %jit3A_350, %sign3A_362 : i32
    %sign3A_364 = arith.extui %sign3A_363 : i1 to i32
    %sign3A_365 = arith.constant 0 : i32
    %sign3A_366 = arith.cmpi slt, %jit3A_350, %sign3A_365 : i32
    %sign3A_367 = arith.extui %sign3A_366 : i1 to i32
    %sign3A_368 = arith.subi %sign3A_364, %sign3A_367 : i32
    %ne3A_369 = vector.broadcast %sign3A_368 : i32 to vector<16xi32>
    %ne3A_370 = arith.cmpi ne, %sign3A_361, %ne3A_369 : vector<16xi32>
    %rem3A_371 = vector.broadcast %jit3A_350 : i32 to vector<16xi32>
    %rem3A_372 = arith.remsi %get3A_323, %rem3A_371 : vector<16xi32>
    %ne3A_373 = arith.constant 0 : i32
    %ne3A_374 = vector.broadcast %ne3A_373 : i32 to vector<16xi32>
    %ne3A_375 = arith.cmpi ne, %rem3A_372, %ne3A_374 : vector<16xi32>
    %and3A_376 = arith.andi %ne3A_370, %ne3A_375 : vector<16xi1>
    %sub3A_377 = arith.constant 1 : i32
    %sub3A_378 = vector.broadcast %sub3A_377 : i32 to vector<16xi32>
    %sub3A_379 = arith.subi %div3A_352, %sub3A_378 : vector<16xi32>
    %select_n3A_380 = arith.select %and3A_376, %sub3A_379, %div3A_352 : vector<16xi1>, vector<16xi32>
    %add3A_381 = vector.broadcast %mul3A_349 : i32 to vector<16xi32>
    %add3A_382 = arith.addi %add3A_381, %select_n3A_380 : vector<16xi32>
    %swap3A_383 = arith.constant 64 : index
    %swap3A_384 = tpu.vector_load %arg16[%swap3A_383] {strides = array<i32>} : memref<112xi32, #tpu.memory_space<vmem>>, vector<16xi32>,
    tpu.vector_store %arg16[%swap3A_383], %add3A_382 {strides = array<i32>} : memref<112xi32, #tpu.memory_space<vmem>>, vector<16xi32>,
    %get3A_385 = arith.constant 80 : index
    %get3A_386 = tpu.vector_load %arg13[%get3A_385] {strides = array<i32>} : memref<112xi32, #tpu.memory_space<vmem>>, vector<16xi32>,
    %jit3A_387 = arith.constant 10 : i32
    %eq3A_388 = arith.constant 0 : i32
    %eq3A_389 = arith.cmpi eq, %jit3A_387, %eq3A_388 : i32
    %jit3A_390 = arith.constant 1 : i32
    %select_n3A_391 = arith.select %eq3A_389, %jit3A_390, %jit3A_387 : i32
    %rem3A_392 = vector.broadcast %select_n3A_391 : i32 to vector<16xi32>
    %rem3A_393 = arith.remsi %get3A_386, %rem3A_392 : vector<16xi32>
    %ne3A_394 = arith.constant 0 : i32
    %ne3A_395 = vector.broadcast %ne3A_394 : i32 to vector<16xi32>
    %ne3A_396 = arith.cmpi ne, %rem3A_393, %ne3A_395 : vector<16xi32>
    %lt3A_397 = arith.constant 0 : i32
    %lt3A_398 = vector.broadcast %lt3A_397 : i32 to vector<16xi32>
    %lt3A_399 = arith.cmpi slt, %rem3A_393, %lt3A_398 : vector<16xi32>
    %lt3A_400 = arith.constant 0 : i32
    %lt3A_401 = arith.cmpi slt, %select_n3A_391, %lt3A_400 : i32
    %ne3A_402 = vector.broadcast %lt3A_401 : i1 to vector<16xi1>
    %ne3A_403 = vector.broadcast %ne3A_402 : vector<16xi1> to vector<16xi1>
    %ne3A_404 = arith.xori %lt3A_399, %ne3A_403 : vector<16xi1>
    %and3A_405 = arith.andi %ne3A_404, %ne3A_396 : vector<16xi1>
    %add3A_406 = vector.broadcast %select_n3A_391 : i32 to vector<16xi32>
    %add3A_407 = arith.addi %rem3A_393, %add3A_406 : vector<16xi32>
    %select_n3A_408 = arith.select %and3A_405, %add3A_407, %rem3A_393 : vector<16xi1>, vector<16xi32>
    %swap3A_409 = arith.constant 80 : index
    %swap3A_410 = tpu.vector_load %arg15[%swap3A_409] {strides = array<i32>} : memref<112xi32, #tpu.memory_space<vmem>>, vector<16xi32>,
    tpu.vector_store %arg15[%swap3A_409], %select_n3A_408 {strides = array<i32>} : memref<112xi32, #tpu.memory_space<vmem>>, vector<16xi32>,
    %mul3A_411 = arith.constant 2000 : i32
    %mul3A_412 = arith.muli %add3A, %mul3A_411 : i32
    %jit3A_413 = arith.constant 10 : i32
    %div3A_414 = vector.broadcast %jit3A_413 : i32 to vector<16xi32>
    %div3A_415 = arith.divsi %get3A_386, %div3A_414 : vector<16xi32>
    %sign3A_416 = arith.constant 0 : i32
    %sign3A_417 = vector.broadcast %sign3A_416 : i32 to vector<16xi32>
    %sign3A_418 = arith.cmpi sgt, %get3A_386, %sign3A_417 : vector<16xi32>
    %sign3A_419 = arith.extui %sign3A_418 : vector<16xi1> to vector<16xi32>
    %sign3A_420 = arith.constant 0 : i32
    %sign3A_421 = vector.broadcast %sign3A_420 : i32 to vector<16xi32>
    %sign3A_422 = arith.cmpi slt, %get3A_386, %sign3A_421 : vector<16xi32>
    %sign3A_423 = arith.extui %sign3A_422 : vector<16xi1> to vector<16xi32>
    %sign3A_424 = arith.subi %sign3A_419, %sign3A_423 : vector<16xi32>
    %sign3A_425 = arith.constant 0 : i32
    %sign3A_426 = arith.cmpi sgt, %jit3A_413, %sign3A_425 : i32
    %sign3A_427 = arith.extui %sign3A_426 : i1 to i32
    %sign3A_428 = arith.constant 0 : i32
    %sign3A_429 = arith.cmpi slt, %jit3A_413, %sign3A_428 : i32
    %sign3A_430 = arith.extui %sign3A_429 : i1 to i32
    %sign3A_431 = arith.subi %sign3A_427, %sign3A_430 : i32
    %ne3A_432 = vector.broadcast %sign3A_431 : i32 to vector<16xi32>
    %ne3A_433 = arith.cmpi ne, %sign3A_424, %ne3A_432 : vector<16xi32>
    %rem3A_434 = vector.broadcast %jit3A_413 : i32 to vector<16xi32>
    %rem3A_435 = arith.remsi %get3A_386, %rem3A_434 : vector<16xi32>
    %ne3A_436 = arith.constant 0 : i32
    %ne3A_437 = vector.broadcast %ne3A_436 : i32 to vector<16xi32>
    %ne3A_438 = arith.cmpi ne, %rem3A_435, %ne3A_437 : vector<16xi32>
    %and3A_439 = arith.andi %ne3A_433, %ne3A_438 : vector<16xi1>
    %sub3A_440 = arith.constant 1 : i32
    %sub3A_441 = vector.broadcast %sub3A_440 : i32 to vector<16xi32>
    %sub3A_442 = arith.subi %div3A_415, %sub3A_441 : vector<16xi32>
    %select_n3A_443 = arith.select %and3A_439, %sub3A_442, %div3A_415 : vector<16xi1>, vector<16xi32>
    %add3A_444 = vector.broadcast %mul3A_412 : i32 to vector<16xi32>
    %add3A_445 = arith.addi %add3A_444, %select_n3A_443 : vector<16xi32>
    %swap3A_446 = arith.constant 80 : index
    %swap3A_447 = tpu.vector_load %arg16[%swap3A_446] {strides = array<i32>} : memref<112xi32, #tpu.memory_space<vmem>>, vector<16xi32>,
    tpu.vector_store %arg16[%swap3A_446], %add3A_445 {strides = array<i32>} : memref<112xi32, #tpu.memory_space<vmem>>, vector<16xi32>,
    %get3A_448 = arith.constant 96 : index
    %get3A_449 = tpu.vector_load %arg13[%get3A_448] {strides = array<i32>} : memref<112xi32, #tpu.memory_space<vmem>>, vector<16xi32>,
    %jit3A_450 = arith.constant 10 : i32
    %eq3A_451 = arith.constant 0 : i32
    %eq3A_452 = arith.cmpi eq, %jit3A_450, %eq3A_451 : i32
    %jit3A_453 = arith.constant 1 : i32
    %select_n3A_454 = arith.select %eq3A_452, %jit3A_453, %jit3A_450 : i32
    %rem3A_455 = vector.broadcast %select_n3A_454 : i32 to vector<16xi32>
    %rem3A_456 = arith.remsi %get3A_449, %rem3A_455 : vector<16xi32>
    %ne3A_457 = arith.constant 0 : i32
    %ne3A_458 = vector.broadcast %ne3A_457 : i32 to vector<16xi32>
    %ne3A_459 = arith.cmpi ne, %rem3A_456, %ne3A_458 : vector<16xi32>
    %lt3A_460 = arith.constant 0 : i32
    %lt3A_461 = vector.broadcast %lt3A_460 : i32 to vector<16xi32>
    %lt3A_462 = arith.cmpi slt, %rem3A_456, %lt3A_461 : vector<16xi32>
    %lt3A_463 = arith.constant 0 : i32
    %lt3A_464 = arith.cmpi slt, %select_n3A_454, %lt3A_463 : i32
    %ne3A_465 = vector.broadcast %lt3A_464 : i1 to vector<16xi1>
    %ne3A_466 = vector.broadcast %ne3A_465 : vector<16xi1> to vector<16xi1>
    %ne3A_467 = arith.xori %lt3A_462, %ne3A_466 : vector<16xi1>
    %and3A_468 = arith.andi %ne3A_467, %ne3A_459 : vector<16xi1>
    %add3A_469 = vector.broadcast %select_n3A_454 : i32 to vector<16xi32>
    %add3A_470 = arith.addi %rem3A_456, %add3A_469 : vector<16xi32>
    %select_n3A_471 = arith.select %and3A_468, %add3A_470, %rem3A_456 : vector<16xi1>, vector<16xi32>
    %swap3A_472 = arith.constant 96 : index
    %swap3A_473 = tpu.vector_load %arg15[%swap3A_472] {strides = array<i32>} : memref<112xi32, #tpu.memory_space<vmem>>, vector<16xi32>,
    tpu.vector_store %arg15[%swap3A_472], %select_n3A_471 {strides = array<i32>} : memref<112xi32, #tpu.memory_space<vmem>>, vector<16xi32>,
    %mul3A_474 = arith.constant 2000 : i32
    %mul3A_475 = arith.muli %add3A, %mul3A_474 : i32
    %jit3A_476 = arith.constant 10 : i32
    %div3A_477 = vector.broadcast %jit3A_476 : i32 to vector<16xi32>
    %div3A_478 = arith.divsi %get3A_449, %div3A_477 : vector<16xi32>
    %sign3A_479 = arith.constant 0 : i32
    %sign3A_480 = vector.broadcast %sign3A_479 : i32 to vector<16xi32>
    %sign3A_481 = arith.cmpi sgt, %get3A_449, %sign3A_480 : vector<16xi32>
    %sign3A_482 = arith.extui %sign3A_481 : vector<16xi1> to vector<16xi32>
    %sign3A_483 = arith.constant 0 : i32
    %sign3A_484 = vector.broadcast %sign3A_483 : i32 to vector<16xi32>
    %sign3A_485 = arith.cmpi slt, %get3A_449, %sign3A_484 : vector<16xi32>
    %sign3A_486 = arith.extui %sign3A_485 : vector<16xi1> to vector<16xi32>
    %sign3A_487 = arith.subi %sign3A_482, %sign3A_486 : vector<16xi32>
    %sign3A_488 = arith.constant 0 : i32
    %sign3A_489 = arith.cmpi sgt, %jit3A_476, %sign3A_488 : i32
    %sign3A_490 = arith.extui %sign3A_489 : i1 to i32
    %sign3A_491 = arith.constant 0 : i32
    %sign3A_492 = arith.cmpi slt, %jit3A_476, %sign3A_491 : i32
    %sign3A_493 = arith.extui %sign3A_492 : i1 to i32
    %sign3A_494 = arith.subi %sign3A_490, %sign3A_493 : i32
    %ne3A_495 = vector.broadcast %sign3A_494 : i32 to vector<16xi32>
    %ne3A_496 = arith.cmpi ne, %sign3A_487, %ne3A_495 : vector<16xi32>
    %rem3A_497 = vector.broadcast %jit3A_476 : i32 to vector<16xi32>
    %rem3A_498 = arith.remsi %get3A_449, %rem3A_497 : vector<16xi32>
    %ne3A_499 = arith.constant 0 : i32
    %ne3A_500 = vector.broadcast %ne3A_499 : i32 to vector<16xi32>
    %ne3A_501 = arith.cmpi ne, %rem3A_498, %ne3A_500 : vector<16xi32>
    %and3A_502 = arith.andi %ne3A_496, %ne3A_501 : vector<16xi1>
    %sub3A_503 = arith.constant 1 : i32
    %sub3A_504 = vector.broadcast %sub3A_503 : i32 to vector<16xi32>
    %sub3A_505 = arith.subi %div3A_478, %sub3A_504 : vector<16xi32>
    %select_n3A_506 = arith.select %and3A_502, %sub3A_505, %div3A_478 : vector<16xi1>, vector<16xi32>
    %add3A_507 = vector.broadcast %mul3A_475 : i32 to vector<16xi32>
    %add3A_508 = arith.addi %add3A_507, %select_n3A_506 : vector<16xi32>
    %swap3A_509 = arith.constant 96 : index
    %swap3A_510 = tpu.vector_load %arg16[%swap3A_509] {strides = array<i32>} : memref<112xi32, #tpu.memory_space<vmem>>, vector<16xi32>,
    tpu.vector_store %arg16[%swap3A_509], %add3A_508 {strides = array<i32>} : memref<112xi32, #tpu.memory_space<vmem>>, vector<16xi32>,
    %dma_start3A_511 = arith.constant 0 : i32
    %dma_start3A_512 = arith.constant 0 : i32
    %dma_start3A_513 = tpu.memref_slice %arg4[%dma_start3A_511, %dma_start3A_512] : memref<64000x40xf32, #tpu.memory_space<hbm>> -> memref<64000x40xf32, #tpu.memory_space<hbm>>
    tpu.enqueue_indirect_dma source(%dma_start3A_513 : memref<64000x40xf32, #tpu.memory_space<hbm>>) target(%arg18 : memref<112x40xf32, #tpu.memory_space<vmem>>) offsets(%arg16 : memref<112xi32, #tpu.memory_space<vmem>>) semaphore(%arg22 : memref<!tpu.dma_semaphore, #tpu.memory_space<semaphore_mem>>)
    %dma_wait3A = tpu.memref_slice %arg3[%mul3A_6] : memref<256000xf32, #tpu.memory_space<hbm>> -> memref<8000xf32, #tpu.memory_space<hbm>>
    %dma_wait3A_514 = tpu.memref_slice %arg3[%mul3A_6] : memref<256000xf32, #tpu.memory_space<hbm>> -> memref<8000xf32, #tpu.memory_space<hbm>>
    tpu.wait_dma2 semaphore(%arg21 : memref<!tpu.dma_semaphore, #tpu.memory_space<semaphore_mem>>) src(%dma_wait3A_514 : memref<8000xf32, #tpu.memory_space<hbm>>) dst(%arg17 : memref<8000xf32, #tpu.memory_space<vmem>>)
    %scan3A_515 = arith.constant 0 : i32
    %scan3A_516 = arith.constant 0 : i32
    %scan3A_517 = arith.constant 28 : i32
    %scan3A_518 = arith.addi %scan3A_516, %scan3A_517 : i32
    %scan3A_519 = arith.constant 1 : i32
    scf.for %scan3A_542 = %scan3A_516 to %scan3A_518 step %scan3A_519  : i32 {
      %mul3A_543 = arith.constant 16 : i32
      %mul3A_544 = arith.muli %scan3A_542, %mul3A_543 : i32
      %multiple_of3A = tpu.assume_multiple %mul3A_544, 16 : i32
      %add3A_545 = vector.broadcast %multiple_of3A : i32 to vector<16xi32>
      %add3A_546 = arith.addi %add3A_545, %iota3A : vector<16xi32>
      %jit3A_547 = arith.constant 4 : i32
      %eq3A_548 = arith.constant 0 : i32
      %eq3A_549 = arith.cmpi eq, %jit3A_547, %eq3A_548 : i32
      %jit3A_550 = arith.constant 1 : i32
      %select_n3A_551 = arith.select %eq3A_549, %jit3A_550, %jit3A_547 : i32
      %rem3A_552 = vector.broadcast %select_n3A_551 : i32 to vector<16xi32>
      %rem3A_553 = arith.remsi %add3A_546, %rem3A_552 : vector<16xi32>
      %ne3A_554 = arith.constant 0 : i32
      %ne3A_555 = vector.broadcast %ne3A_554 : i32 to vector<16xi32>
      %ne3A_556 = arith.cmpi ne, %rem3A_553, %ne3A_555 : vector<16xi32>
      %lt3A_557 = arith.constant 0 : i32
      %lt3A_558 = vector.broadcast %lt3A_557 : i32 to vector<16xi32>
      %lt3A_559 = arith.cmpi slt, %rem3A_553, %lt3A_558 : vector<16xi32>
      %lt3A_560 = arith.constant 0 : i32
      %lt3A_561 = arith.cmpi slt, %select_n3A_551, %lt3A_560 : i32
      %ne3A_562 = vector.broadcast %lt3A_561 : i1 to vector<16xi1>
      %ne3A_563 = vector.broadcast %ne3A_562 : vector<16xi1> to vector<16xi1>
      %ne3A_564 = arith.xori %lt3A_559, %ne3A_563 : vector<16xi1>
      %and3A_565 = arith.andi %ne3A_564, %ne3A_556 : vector<16xi1>
      %add3A_566 = vector.broadcast %select_n3A_551 : i32 to vector<16xi32>
      %add3A_567 = arith.addi %rem3A_553, %add3A_566 : vector<16xi32>
      %select_n3A_568 = arith.select %and3A_565, %add3A_567, %rem3A_553 : vector<16xi1>, vector<16xi32>
      %jit3A_569 = arith.constant 4 : i32
      %div3A_570 = vector.broadcast %jit3A_569 : i32 to vector<16xi32>
      %div3A_571 = arith.divsi %add3A_546, %div3A_570 : vector<16xi32>
      %sign3A_572 = arith.constant 0 : i32
      %sign3A_573 = vector.broadcast %sign3A_572 : i32 to vector<16xi32>
      %sign3A_574 = arith.cmpi sgt, %add3A_546, %sign3A_573 : vector<16xi32>
      %sign3A_575 = arith.extui %sign3A_574 : vector<16xi1> to vector<16xi32>
      %sign3A_576 = arith.constant 0 : i32
      %sign3A_577 = vector.broadcast %sign3A_576 : i32 to vector<16xi32>
      %sign3A_578 = arith.cmpi slt, %add3A_546, %sign3A_577 : vector<16xi32>
      %sign3A_579 = arith.extui %sign3A_578 : vector<16xi1> to vector<16xi32>
      %sign3A_580 = arith.subi %sign3A_575, %sign3A_579 : vector<16xi32>
      %sign3A_581 = arith.constant 0 : i32
      %sign3A_582 = arith.cmpi sgt, %jit3A_569, %sign3A_581 : i32
      %sign3A_583 = arith.extui %sign3A_582 : i1 to i32
      %sign3A_584 = arith.constant 0 : i32
      %sign3A_585 = arith.cmpi slt, %jit3A_569, %sign3A_584 : i32
      %sign3A_586 = arith.extui %sign3A_585 : i1 to i32
      %sign3A_587 = arith.subi %sign3A_583, %sign3A_586 : i32
      %ne3A_588 = vector.broadcast %sign3A_587 : i32 to vector<16xi32>
      %ne3A_589 = arith.cmpi ne, %sign3A_580, %ne3A_588 : vector<16xi32>
      %rem3A_590 = vector.broadcast %jit3A_569 : i32 to vector<16xi32>
      %rem3A_591 = arith.remsi %add3A_546, %rem3A_590 : vector<16xi32>
      %ne3A_592 = arith.constant 0 : i32
      %ne3A_593 = vector.broadcast %ne3A_592 : i32 to vector<16xi32>
      %ne3A_594 = arith.cmpi ne, %rem3A_591, %ne3A_593 : vector<16xi32>
      %and3A_595 = arith.andi %ne3A_589, %ne3A_594 : vector<16xi1>
      %sub3A_596 = arith.constant 1 : i32
      %sub3A_597 = vector.broadcast %sub3A_596 : i32 to vector<16xi32>
      %sub3A_598 = arith.subi %div3A_571, %sub3A_597 : vector<16xi32>
      %select_n3A_599 = arith.select %and3A_595, %sub3A_598, %div3A_571 : vector<16xi1>, vector<16xi32>
      %gather3A = tpu.vector_load_idx %arg13[%select_n3A_599] : memref<112xi32, #tpu.memory_space<vmem>>[vector<16xi32>], vector<16xi32>,
      %jit3A_600 = arith.constant 10 : i32
      %div3A_601 = vector.broadcast %jit3A_600 : i32 to vector<16xi32>
      %div3A_602 = arith.divsi %gather3A, %div3A_601 : vector<16xi32>
      %sign3A_603 = arith.constant 0 : i32
      %sign3A_604 = vector.broadcast %sign3A_603 : i32 to vector<16xi32>
      %sign3A_605 = arith.cmpi sgt, %gather3A, %sign3A_604 : vector<16xi32>
      %sign3A_606 = arith.extui %sign3A_605 : vector<16xi1> to vector<16xi32>
      %sign3A_607 = arith.constant 0 : i32
      %sign3A_608 = vector.broadcast %sign3A_607 : i32 to vector<16xi32>
      %sign3A_609 = arith.cmpi slt, %gather3A, %sign3A_608 : vector<16xi32>
      %sign3A_610 = arith.extui %sign3A_609 : vector<16xi1> to vector<16xi32>
      %sign3A_611 = arith.subi %sign3A_606, %sign3A_610 : vector<16xi32>
      %sign3A_612 = arith.constant 0 : i32
      %sign3A_613 = arith.cmpi sgt, %jit3A_600, %sign3A_612 : i32
      %sign3A_614 = arith.extui %sign3A_613 : i1 to i32
      %sign3A_615 = arith.constant 0 : i32
      %sign3A_616 = arith.cmpi slt, %jit3A_600, %sign3A_615 : i32
      %sign3A_617 = arith.extui %sign3A_616 : i1 to i32
      %sign3A_618 = arith.subi %sign3A_614, %sign3A_617 : i32
      %ne3A_619 = vector.broadcast %sign3A_618 : i32 to vector<16xi32>
      %ne3A_620 = arith.cmpi ne, %sign3A_611, %ne3A_619 : vector<16xi32>
      %rem3A_621 = vector.broadcast %jit3A_600 : i32 to vector<16xi32>
      %rem3A_622 = arith.remsi %gather3A, %rem3A_621 : vector<16xi32>
      %ne3A_623 = arith.constant 0 : i32
      %ne3A_624 = vector.broadcast %ne3A_623 : i32 to vector<16xi32>
      %ne3A_625 = arith.cmpi ne, %rem3A_622, %ne3A_624 : vector<16xi32>
      %and3A_626 = arith.andi %ne3A_620, %ne3A_625 : vector<16xi1>
      %sub3A_627 = arith.constant 1 : i32
      %sub3A_628 = vector.broadcast %sub3A_627 : i32 to vector<16xi32>
      %sub3A_629 = arith.subi %div3A_602, %sub3A_628 : vector<16xi32>
      %select_n3A_630 = arith.select %and3A_626, %sub3A_629, %div3A_602 : vector<16xi1>, vector<16xi32>
      %mul3A_631 = arith.constant 4 : i32
      %mul3A_632 = vector.broadcast %mul3A_631 : i32 to vector<16xi32>
      %mul3A_633 = arith.muli %select_n3A_630, %mul3A_632 : vector<16xi32>
      %jit3A_634 = arith.constant 2 : i32
      %eq3A_635 = arith.constant 0 : i32
      %eq3A_636 = arith.cmpi eq, %jit3A_634, %eq3A_635 : i32
      %jit3A_637 = arith.constant 1 : i32
      %select_n3A_638 = arith.select %eq3A_636, %jit3A_637, %jit3A_634 : i32
      %rem3A_639 = vector.broadcast %select_n3A_638 : i32 to vector<16xi32>
      %rem3A_640 = arith.remsi %select_n3A_568, %rem3A_639 : vector<16xi32>
      %ne3A_641 = arith.constant 0 : i32
      %ne3A_642 = vector.broadcast %ne3A_641 : i32 to vector<16xi32>
      %ne3A_643 = arith.cmpi ne, %rem3A_640, %ne3A_642 : vector<16xi32>
      %lt3A_644 = arith.constant 0 : i32
      %lt3A_645 = vector.broadcast %lt3A_644 : i32 to vector<16xi32>
      %lt3A_646 = arith.cmpi slt, %rem3A_640, %lt3A_645 : vector<16xi32>
      %lt3A_647 = arith.constant 0 : i32
      %lt3A_648 = arith.cmpi slt, %select_n3A_638, %lt3A_647 : i32
      %ne3A_649 = vector.broadcast %lt3A_648 : i1 to vector<16xi1>
      %ne3A_650 = vector.broadcast %ne3A_649 : vector<16xi1> to vector<16xi1>
      %ne3A_651 = arith.xori %lt3A_646, %ne3A_650 : vector<16xi1>
      %and3A_652 = arith.andi %ne3A_651, %ne3A_643 : vector<16xi1>
      %add3A_653 = vector.broadcast %select_n3A_638 : i32 to vector<16xi32>
      %add3A_654 = arith.addi %rem3A_640, %add3A_653 : vector<16xi32>
      %select_n3A_655 = arith.select %and3A_652, %add3A_654, %rem3A_640 : vector<16xi1>, vector<16xi32>
      %add3A_656 = arith.addi %mul3A_633, %select_n3A_655 : vector<16xi32>
      %gather3A_657 = tpu.vector_load_idx %arg17[%add3A_656] : memref<8000xf32, #tpu.memory_space<vmem>>[vector<16xi32>], vector<16xf32>,
      %mul3A_658 = arith.constant 4 : i32
      %mul3A_659 = vector.broadcast %mul3A_658 : i32 to vector<16xi32>
      %mul3A_660 = arith.muli %select_n3A_630, %mul3A_659 : vector<16xi32>
      %add3A_661 = arith.constant 2 : i32
      %add3A_662 = vector.broadcast %add3A_661 : i32 to vector<16xi32>
      %add3A_663 = arith.addi %mul3A_660, %add3A_662 : vector<16xi32>
      %jit3A_664 = arith.constant 2 : i32
      %eq3A_665 = arith.constant 0 : i32
      %eq3A_666 = arith.cmpi eq, %jit3A_664, %eq3A_665 : i32
      %jit3A_667 = arith.constant 1 : i32
      %select_n3A_668 = arith.select %eq3A_666, %jit3A_667, %jit3A_664 : i32
      %rem3A_669 = vector.broadcast %select_n3A_668 : i32 to vector<16xi32>
      %rem3A_670 = arith.remsi %select_n3A_568, %rem3A_669 : vector<16xi32>
      %ne3A_671 = arith.constant 0 : i32
      %ne3A_672 = vector.broadcast %ne3A_671 : i32 to vector<16xi32>
      %ne3A_673 = arith.cmpi ne, %rem3A_670, %ne3A_672 : vector<16xi32>
      %lt3A_674 = arith.constant 0 : i32
      %lt3A_675 = vector.broadcast %lt3A_674 : i32 to vector<16xi32>
      %lt3A_676 = arith.cmpi slt, %rem3A_670, %lt3A_675 : vector<16xi32>
      %lt3A_677 = arith.constant 0 : i32
      %lt3A_678 = arith.cmpi slt, %select_n3A_668, %lt3A_677 : i32
      %ne3A_679 = vector.broadcast %lt3A_678 : i1 to vector<16xi1>
      %ne3A_680 = vector.broadcast %ne3A_679 : vector<16xi1> to vector<16xi1>
      %ne3A_681 = arith.xori %lt3A_676, %ne3A_680 : vector<16xi1>
      %and3A_682 = arith.andi %ne3A_681, %ne3A_673 : vector<16xi1>
      %add3A_683 = vector.broadcast %select_n3A_668 : i32 to vector<16xi32>
      %add3A_684 = arith.addi %rem3A_670, %add3A_683 : vector<16xi32>
      %select_n3A_685 = arith.select %and3A_682, %add3A_684, %rem3A_670 : vector<16xi1>, vector<16xi32>
      %add3A_686 = arith.addi %add3A_663, %select_n3A_685 : vector<16xi32>
      %gather3A_687 = tpu.vector_load_idx %arg17[%add3A_686] : memref<8000xf32, #tpu.memory_space<vmem>>[vector<16xi32>], vector<16xf32>,
      %lt3A_688 = arith.constant 2 : i32
      %lt3A_689 = vector.broadcast %lt3A_688 : i32 to vector<16xi32>
      %lt3A_690 = arith.cmpi slt, %select_n3A_568, %lt3A_689 : vector<16xi32>
      %jit3A_691 = arith.constant -5.000000e-01 : f32
      %jit3A_692 = arith.constant 5.000000e-01 : f32
      %broadcast_in_dim3A_693 = vector.broadcast %jit3A_691 : f32 to vector<16xf32>
      %broadcast_in_dim3A_694 = vector.broadcast %jit3A_692 : f32 to vector<16xf32>
      %select_n3A_695 = arith.select %lt3A_690, %broadcast_in_dim3A_693, %broadcast_in_dim3A_694 : vector<16xi1>, vector<16xf32>
      %mul3A_696 = arith.mulf %select_n3A_695, %gather3A_687 : vector<16xf32>
      %add3A_697 = arith.addf %gather3A_657, %mul3A_696 : vector<16xf32>
      %jit3A_698 = arith.constant 2 : i32
      %eq3A_699 = arith.constant 0 : i32
      %eq3A_700 = arith.cmpi eq, %jit3A_698, %eq3A_699 : i32
      %jit3A_701 = arith.constant 1 : i32
      %select_n3A_702 = arith.select %eq3A_700, %jit3A_701, %jit3A_698 : i32
      %rem3A_703 = vector.broadcast %select_n3A_702 : i32 to vector<16xi32>
      %rem3A_704 = arith.remsi %select_n3A_568, %rem3A_703 : vector<16xi32>
      %ne3A_705 = arith.constant 0 : i32
      %ne3A_706 = vector.broadcast %ne3A_705 : i32 to vector<16xi32>
      %ne3A_707 = arith.cmpi ne, %rem3A_704, %ne3A_706 : vector<16xi32>
      %lt3A_708 = arith.constant 0 : i32
      %lt3A_709 = vector.broadcast %lt3A_708 : i32 to vector<16xi32>
      %lt3A_710 = arith.cmpi slt, %rem3A_704, %lt3A_709 : vector<16xi32>
      %lt3A_711 = arith.constant 0 : i32
      %lt3A_712 = arith.cmpi slt, %select_n3A_702, %lt3A_711 : i32
      %ne3A_713 = vector.broadcast %lt3A_712 : i1 to vector<16xi1>
      %ne3A_714 = vector.broadcast %ne3A_713 : vector<16xi1> to vector<16xi1>
      %ne3A_715 = arith.xori %lt3A_710, %ne3A_714 : vector<16xi1>
      %and3A_716 = arith.andi %ne3A_715, %ne3A_707 : vector<16xi1>
      %add3A_717 = vector.broadcast %select_n3A_702 : i32 to vector<16xi32>
      %add3A_718 = arith.addi %rem3A_704, %add3A_717 : vector<16xi32>
      %select_n3A_719 = arith.select %and3A_716, %add3A_718, %rem3A_704 : vector<16xi1>, vector<16xi32>
      %eq3A_720 = arith.constant 0 : i32
      %eq3A_721 = vector.broadcast %eq3A_720 : i32 to vector<16xi32>
      %eq3A_722 = arith.cmpi eq, %select_n3A_719, %eq3A_721 : vector<16xi32>
      %jit3A_723 = arith.constant 3.000000e+01 : f32
      %jit3A_724 = arith.constant 6.000000e+01 : f32
      %broadcast_in_dim3A_725 = vector.broadcast %jit3A_723 : f32 to vector<16xf32>
      %broadcast_in_dim3A_726 = vector.broadcast %jit3A_724 : f32 to vector<16xf32>
      %select_n3A_727 = arith.select %eq3A_722, %broadcast_in_dim3A_725, %broadcast_in_dim3A_726 : vector<16xi1>, vector<16xf32>
      %mul3A_728 = arith.mulf %add3A_697, %select_n3A_727 : vector<16xf32>
      %jit3A_729 = arith.constant -1.500000e+01 : f32
      %jit3A_730 = arith.constant -3.000000e+01 : f32
      %broadcast_in_dim3A_731 = vector.broadcast %jit3A_729 : f32 to vector<16xf32>
      %broadcast_in_dim3A_732 = vector.broadcast %jit3A_730 : f32 to vector<16xf32>
      %select_n3A_733 = arith.select %eq3A_722, %broadcast_in_dim3A_731, %broadcast_in_dim3A_732 : vector<16xi1>, vector<16xf32>
      %add3A_734 = arith.addf %mul3A_728, %select_n3A_733 : vector<16xf32>
      %mul3A_735 = arith.constant 16 : i32
      %mul3A_736 = arith.muli %scan3A_542, %mul3A_735 : i32
      %multiple_of3A_737 = tpu.assume_multiple %mul3A_736, 16 : i32
      %swap3A_738 = arith.index_cast %multiple_of3A_737 : i32 to index
      %swap3A_739 = tpu.vector_load %arg19[%swap3A_738] {strides = array<i32>} : memref<448xf32, #tpu.memory_space<vmem>>, vector<16xf32>,
      tpu.vector_store %arg19[%swap3A_738], %add3A_734 {strides = array<i32>} : memref<448xf32, #tpu.memory_space<vmem>>, vector<16xf32>,
    }
    %scan3A_520 = arith.constant 28 : i32
    %dma_wait3A_521 = arith.constant 0 : i32
    %dma_wait3A_522 = arith.constant 0 : i32
    %dma_wait3A_523 = tpu.memref_slice %arg4[%dma_wait3A_521, %dma_wait3A_522] : memref<64000x40xf32, #tpu.memory_space<hbm>> -> memref<64000x40xf32, #tpu.memory_space<hbm>>
    tpu.wait_indirect_dma semaphore(%arg22 : memref<!tpu.dma_semaphore, #tpu.memory_space<semaphore_mem>>) src(%dma_wait3A_523 : memref<64000x40xf32, #tpu.memory_space<hbm>>) dst(%arg18 : memref<112x40xf32, #tpu.memory_space<vmem>>)
    %scan3A_524 = arith.constant 0 : i32
    %scan3A_525 = arith.constant 0 : i32
    %scan3A_526 = arith.constant 280 : i32
    %scan3A_527 = arith.addi %scan3A_525, %scan3A_526 : i32
    %scan3A_528 = arith.constant 1 : i32
    scf.for %scan3A_542 = %scan3A_525 to %scan3A_527 step %scan3A_528  : i32 {
      %mul3A_543 = arith.constant 16 : i32
      %mul3A_544 = arith.muli %scan3A_542, %mul3A_543 : i32
      %multiple_of3A = tpu.assume_multiple %mul3A_544, 16 : i32
      %add3A_545 = vector.broadcast %multiple_of3A : i32 to vector<16xi32>
      %add3A_546 = arith.addi %add3A_545, %iota3A : vector<16xi32>
      %jit3A_547 = arith.constant 40 : i32
      %eq3A_548 = arith.constant 0 : i32
      %eq3A_549 = arith.cmpi eq, %jit3A_547, %eq3A_548 : i32
      %jit3A_550 = arith.constant 1 : i32
      %select_n3A_551 = arith.select %eq3A_549, %jit3A_550, %jit3A_547 : i32
      %rem3A_552 = vector.broadcast %select_n3A_551 : i32 to vector<16xi32>
      %rem3A_553 = arith.remsi %add3A_546, %rem3A_552 : vector<16xi32>
      %ne3A_554 = arith.constant 0 : i32
      %ne3A_555 = vector.broadcast %ne3A_554 : i32 to vector<16xi32>
      %ne3A_556 = arith.cmpi ne, %rem3A_553, %ne3A_555 : vector<16xi32>
      %lt3A_557 = arith.constant 0 : i32
      %lt3A_558 = vector.broadcast %lt3A_557 : i32 to vector<16xi32>
      %lt3A_559 = arith.cmpi slt, %rem3A_553, %lt3A_558 : vector<16xi32>
      %lt3A_560 = arith.constant 0 : i32
      %lt3A_561 = arith.cmpi slt, %select_n3A_551, %lt3A_560 : i32
      %ne3A_562 = vector.broadcast %lt3A_561 : i1 to vector<16xi1>
      %ne3A_563 = vector.broadcast %ne3A_562 : vector<16xi1> to vector<16xi1>
      %ne3A_564 = arith.xori %lt3A_559, %ne3A_563 : vector<16xi1>
      %and3A_565 = arith.andi %ne3A_564, %ne3A_556 : vector<16xi1>
      %add3A_566 = vector.broadcast %select_n3A_551 : i32 to vector<16xi32>
      %add3A_567 = arith.addi %rem3A_553, %add3A_566 : vector<16xi32>
      %select_n3A_568 = arith.select %and3A_565, %add3A_567, %rem3A_553 : vector<16xi1>, vector<16xi32>
      %jit3A_569 = arith.constant 40 : i32
      %div3A_570 = vector.broadcast %jit3A_569 : i32 to vector<16xi32>
      %div3A_571 = arith.divsi %add3A_546, %div3A_570 : vector<16xi32>
      %sign3A_572 = arith.constant 0 : i32
      %sign3A_573 = vector.broadcast %sign3A_572 : i32 to vector<16xi32>
      %sign3A_574 = arith.cmpi sgt, %add3A_546, %sign3A_573 : vector<16xi32>
      %sign3A_575 = arith.extui %sign3A_574 : vector<16xi1> to vector<16xi32>
      %sign3A_576 = arith.constant 0 : i32
      %sign3A_577 = vector.broadcast %sign3A_576 : i32 to vector<16xi32>
      %sign3A_578 = arith.cmpi slt, %add3A_546, %sign3A_577 : vector<16xi32>
      %sign3A_579 = arith.extui %sign3A_578 : vector<16xi1> to vector<16xi32>
      %sign3A_580 = arith.subi %sign3A_575, %sign3A_579 : vector<16xi32>
      %sign3A_581 = arith.constant 0 : i32
      %sign3A_582 = arith.cmpi sgt, %jit3A_569, %sign3A_581 : i32
      %sign3A_583 = arith.extui %sign3A_582 : i1 to i32
      %sign3A_584 = arith.constant 0 : i32
      %sign3A_585 = arith.cmpi slt, %jit3A_569, %sign3A_584 : i32
      %sign3A_586 = arith.extui %sign3A_585 : i1 to i32
      %sign3A_587 = arith.subi %sign3A_583, %sign3A_586 : i32
      %ne3A_588 = vector.broadcast %sign3A_587 : i32 to vector<16xi32>
      %ne3A_589 = arith.cmpi ne, %sign3A_580, %ne3A_588 : vector<16xi32>
      %rem3A_590 = vector.broadcast %jit3A_569 : i32 to vector<16xi32>
      %rem3A_591 = arith.remsi %add3A_546, %rem3A_590 : vector<16xi32>
      %ne3A_592 = arith.constant 0 : i32
      %ne3A_593 = vector.broadcast %ne3A_592 : i32 to vector<16xi32>
      %ne3A_594 = arith.cmpi ne, %rem3A_591, %ne3A_593 : vector<16xi32>
      %and3A_595 = arith.andi %ne3A_589, %ne3A_594 : vector<16xi1>
      %sub3A_596 = arith.constant 1 : i32
      %sub3A_597 = vector.broadcast %sub3A_596 : i32 to vector<16xi32>
      %sub3A_598 = arith.subi %div3A_571, %sub3A_597 : vector<16xi32>
      %select_n3A_599 = arith.select %and3A_595, %sub3A_598, %div3A_571 : vector<16xi1>, vector<16xi32>
      %gather3A = tpu.vector_load_idx %arg18[%select_n3A_599, %select_n3A_568] : memref<112x40xf32, #tpu.memory_space<vmem>>[vector<16xi32>, vector<16xi32>], vector<16xf32>,
      %jit3A_600 = arith.constant 2 : i32
      %eq3A_601 = arith.constant 0 : i32
      %eq3A_602 = arith.cmpi eq, %jit3A_600, %eq3A_601 : i32
      %jit3A_603 = arith.constant 1 : i32
      %select_n3A_604 = arith.select %eq3A_602, %jit3A_603, %jit3A_600 : i32
      %rem3A_605 = vector.broadcast %select_n3A_604 : i32 to vector<16xi32>
      %rem3A_606 = arith.remsi %select_n3A_568, %rem3A_605 : vector<16xi32>
      %ne3A_607 = arith.constant 0 : i32
      %ne3A_608 = vector.broadcast %ne3A_607 : i32 to vector<16xi32>
      %ne3A_609 = arith.cmpi ne, %rem3A_606, %ne3A_608 : vector<16xi32>
      %lt3A_610 = arith.constant 0 : i32
      %lt3A_611 = vector.broadcast %lt3A_610 : i32 to vector<16xi32>
      %lt3A_612 = arith.cmpi slt, %rem3A_606, %lt3A_611 : vector<16xi32>
      %lt3A_613 = arith.constant 0 : i32
      %lt3A_614 = arith.cmpi slt, %select_n3A_604, %lt3A_613 : i32
      %ne3A_615 = vector.broadcast %lt3A_614 : i1 to vector<16xi1>
      %ne3A_616 = vector.broadcast %ne3A_615 : vector<16xi1> to vector<16xi1>
      %ne3A_617 = arith.xori %lt3A_612, %ne3A_616 : vector<16xi1>
      %and3A_618 = arith.andi %ne3A_617, %ne3A_609 : vector<16xi1>
      %add3A_619 = vector.broadcast %select_n3A_604 : i32 to vector<16xi32>
      %add3A_620 = arith.addi %rem3A_606, %add3A_619 : vector<16xi32>
      %select_n3A_621 = arith.select %and3A_618, %add3A_620, %rem3A_606 : vector<16xi1>, vector<16xi32>
      %eq3A_622 = arith.constant 0 : i32
      %eq3A_623 = vector.broadcast %eq3A_622 : i32 to vector<16xi32>
      %eq3A_624 = arith.cmpi eq, %select_n3A_621, %eq3A_623 : vector<16xi32>
      %jit3A_625 = arith.constant 3.000000e+01 : f32
      %jit3A_626 = arith.constant 6.000000e+01 : f32
      %broadcast_in_dim3A_627 = vector.broadcast %jit3A_625 : f32 to vector<16xf32>
      %broadcast_in_dim3A_628 = vector.broadcast %jit3A_626 : f32 to vector<16xf32>
      %select_n3A_629 = arith.select %eq3A_624, %broadcast_in_dim3A_627, %broadcast_in_dim3A_628 : vector<16xi1>, vector<16xf32>
      %mul3A_630 = arith.mulf %gather3A, %select_n3A_629 : vector<16xf32>
      %jit3A_631 = arith.constant -1.500000e+01 : f32
      %jit3A_632 = arith.constant -3.000000e+01 : f32
      %broadcast_in_dim3A_633 = vector.broadcast %jit3A_631 : f32 to vector<16xf32>
      %broadcast_in_dim3A_634 = vector.broadcast %jit3A_632 : f32 to vector<16xf32>
      %select_n3A_635 = arith.select %eq3A_624, %broadcast_in_dim3A_633, %broadcast_in_dim3A_634 : vector<16xi1>, vector<16xf32>
      %add3A_636 = arith.addf %mul3A_630, %select_n3A_635 : vector<16xf32>
      %mul3A_637 = arith.constant 16 : i32
      %mul3A_638 = arith.muli %scan3A_542, %mul3A_637 : i32
      %multiple_of3A_639 = tpu.assume_multiple %mul3A_638, 16 : i32
      %swap3A_640 = arith.index_cast %multiple_of3A_639 : i32 to index
      %swap3A_641 = tpu.vector_load %arg20[%swap3A_640] {strides = array<i32>} : memref<4480xf32, #tpu.memory_space<vmem>>, vector<16xf32>,
      tpu.vector_store %arg20[%swap3A_640], %add3A_636 {strides = array<i32>} : memref<4480xf32, #tpu.memory_space<vmem>>, vector<16xf32>,
    }
    %scan3A_529 = arith.constant 280 : i32
    %mul3A_530 = arith.constant 112 : i32
    %mul3A_531 = arith.muli %add3A, %mul3A_530 : i32
    %mul3A_532 = arith.constant 4 : i32
    %mul3A_533 = arith.muli %mul3A_531, %mul3A_532 : i32
    "tpu.region"() ({
      %run_scoped3A = tpu.sem_alloc : memref<!tpu.dma_semaphore, #tpu.memory_space<semaphore_mem>>
      %dma_start3A_542 = tpu.memref_slice %arg5[%mul3A_533] : memref<14336xf32, #tpu.memory_space<hbm>> -> memref<448xf32, #tpu.memory_space<hbm>>
      %dma_start3A_543 = tpu.memref_slice %arg5[%mul3A_533] : memref<14336xf32, #tpu.memory_space<hbm>> -> memref<448xf32, #tpu.memory_space<hbm>>
      tpu.enqueue_dma source(%arg19 : memref<448xf32, #tpu.memory_space<vmem>>) target(%dma_start3A_543 : memref<448xf32, #tpu.memory_space<hbm>>) target_semaphore(%run_scoped3A : memref<!tpu.dma_semaphore, #tpu.memory_space<semaphore_mem>>)
      %dma_wait3A_544 = tpu.memref_slice %arg5[%mul3A_533] : memref<14336xf32, #tpu.memory_space<hbm>> -> memref<448xf32, #tpu.memory_space<hbm>>
      %dma_wait3A_545 = tpu.memref_slice %arg5[%mul3A_533] : memref<14336xf32, #tpu.memory_space<hbm>> -> memref<448xf32, #tpu.memory_space<hbm>>
      tpu.wait_dma2 semaphore(%run_scoped3A : memref<!tpu.dma_semaphore, #tpu.memory_space<semaphore_mem>>) src(%arg19 : memref<448xf32, #tpu.memory_space<vmem>>) dst(%dma_wait3A_545 : memref<448xf32, #tpu.memory_space<hbm>>)
      tpu.yield
    }) : () -> ()
    %mul3A_534 = arith.constant 112 : i32
    %mul3A_535 = arith.muli %add3A, %mul3A_534 : i32
    "tpu.region"() ({
      %run_scoped3A = tpu.sem_alloc : memref<!tpu.dma_semaphore, #tpu.memory_space<semaphore_mem>>
      %dma_start3A_542 = tpu.memref_slice %arg6[%mul3A_535] : memref<3584xf32, #tpu.memory_space<hbm>> -> memref<112xf32, #tpu.memory_space<hbm>>
      %dma_start3A_543 = tpu.memref_slice %arg6[%mul3A_535] : memref<3584xf32, #tpu.memory_space<hbm>> -> memref<112xf32, #tpu.memory_space<hbm>>
      tpu.enqueue_dma source(%arg14 : memref<112xf32, #tpu.memory_space<vmem>>) target(%dma_start3A_543 : memref<112xf32, #tpu.memory_space<hbm>>) target_semaphore(%run_scoped3A : memref<!tpu.dma_semaphore, #tpu.memory_space<semaphore_mem>>)
      %dma_wait3A_544 = tpu.memref_slice %arg6[%mul3A_535] : memref<3584xf32, #tpu.memory_space<hbm>> -> memref<112xf32, #tpu.memory_space<hbm>>
      %dma_wait3A_545 = tpu.memref_slice %arg6[%mul3A_535] : memref<3584xf32, #tpu.memory_space<hbm>> -> memref<112xf32, #tpu.memory_space<hbm>>
      tpu.wait_dma2 semaphore(%run_scoped3A : memref<!tpu.dma_semaphore, #tpu.memory_space<semaphore_mem>>) src(%arg14 : memref<112xf32, #tpu.memory_space<vmem>>) dst(%dma_wait3A_545 : memref<112xf32, #tpu.memory_space<hbm>>)
      tpu.yield
    }) : () -> ()
    %mul3A_536 = arith.constant 112 : i32
    %mul3A_537 = arith.muli %add3A, %mul3A_536 : i32
    "tpu.region"() ({
      %run_scoped3A = tpu.sem_alloc : memref<!tpu.dma_semaphore, #tpu.memory_space<semaphore_mem>>
      %dma_start3A_542 = tpu.memref_slice %arg7[%mul3A_537] : memref<3584xi32, #tpu.memory_space<hbm>> -> memref<112xi32, #tpu.memory_space<hbm>>
      %dma_start3A_543 = tpu.memref_slice %arg7[%mul3A_537] : memref<3584xi32, #tpu.memory_space<hbm>> -> memref<112xi32, #tpu.memory_space<hbm>>
      tpu.enqueue_dma source(%arg15 : memref<112xi32, #tpu.memory_space<vmem>>) target(%dma_start3A_543 : memref<112xi32, #tpu.memory_space<hbm>>) target_semaphore(%run_scoped3A : memref<!tpu.dma_semaphore, #tpu.memory_space<semaphore_mem>>)
      %dma_wait3A_544 = tpu.memref_slice %arg7[%mul3A_537] : memref<3584xi32, #tpu.memory_space<hbm>> -> memref<112xi32, #tpu.memory_space<hbm>>
      %dma_wait3A_545 = tpu.memref_slice %arg7[%mul3A_537] : memref<3584xi32, #tpu.memory_space<hbm>> -> memref<112xi32, #tpu.memory_space<hbm>>
      tpu.wait_dma2 semaphore(%run_scoped3A : memref<!tpu.dma_semaphore, #tpu.memory_space<semaphore_mem>>) src(%arg15 : memref<112xi32, #tpu.memory_space<vmem>>) dst(%dma_wait3A_545 : memref<112xi32, #tpu.memory_space<hbm>>)
      tpu.yield
    }) : () -> ()
    %mul3A_538 = arith.constant 112 : i32
    %mul3A_539 = arith.muli %add3A, %mul3A_538 : i32
    %mul3A_540 = arith.constant 40 : i32
    %mul3A_541 = arith.muli %mul3A_539, %mul3A_540 : i32
    "tpu.region"() ({
      %run_scoped3A = tpu.sem_alloc : memref<!tpu.dma_semaphore, #tpu.memory_space<semaphore_mem>>
      %dma_start3A_542 = tpu.memref_slice %arg8[%mul3A_541] : memref<143360xf32, #tpu.memory_space<hbm>> -> memref<4480xf32, #tpu.memory_space<hbm>>
      %dma_start3A_543 = tpu.memref_slice %arg8[%mul3A_541] : memref<143360xf32, #tpu.memory_space<hbm>> -> memref<4480xf32, #tpu.memory_space<hbm>>
      tpu.enqueue_dma source(%arg20 : memref<4480xf32, #tpu.memory_space<vmem>>) target(%dma_start3A_543 : memref<4480xf32, #tpu.memory_space<hbm>>) target_semaphore(%run_scoped3A : memref<!tpu.dma_semaphore, #tpu.memory_space<semaphore_mem>>)
      %dma_wait3A_544 = tpu.memref_slice %arg8[%mul3A_541] : memref<143360xf32, #tpu.memory_space<hbm>> -> memref<4480xf32, #tpu.memory_space<hbm>>
      %dma_wait3A_545 = tpu.memref_slice %arg8[%mul3A_541] : memref<143360xf32, #tpu.memory_space<hbm>> -> memref<4480xf32, #tpu.memory_space<hbm>>
      tpu.wait_dma2 semaphore(%run_scoped3A : memref<!tpu.dma_semaphore, #tpu.memory_space<semaphore_mem>>) src(%arg20 : memref<4480xf32, #tpu.memory_space<vmem>>) dst(%dma_wait3A_545 : memref<4480xf32, #tpu.memory_space<hbm>>)
      tpu.yield
    }) : () -> ()
    return
  }
}

</mosaic_0001>

<sc_bundles>
// kernel: kernel.3.cloned.1.call-start
scs
__scs_entry_jumppad:
0x0: {  	(pc) =	sbr.rel $0x88, $3  }
0x1: {  	(tag) =	ssettag $0x0;
	lr =	simm.s32 $0x1  }
0x2: {  	[smem:$0x3F9E] =	sst lr;
	_ =	strace $0xD0000000  }
0x3: {  	_ = 	snop  }
0x4: {  	_ = 	snop  }
0x5: {  	_ = 	snop  }
0x6: {  	_ = 	snop  }
0x7: {  	_ = 	snop  }
__scs_overlays_trampoline_lowered:
0x8: {  	[smem:$0x3FAD] =	sst s0  }
0x9: {  	[smem:$0x3FAE] =	sst s1  }
0xa: {  	[smem:$0x3FAF] =	sst s2  }
0xb: {  	[smem:$0x3FB0] =	sst s3  }
0xc: {  	[smem:$0x3FB1] =	sst s4  }
0xd: {  	[smem:$0x3FB2] =	sst s5  }
0xe: {  	[smem:$0x3FB3] =	sst s6  }
0xf: {  	[smem:$0x3FB4] =	sst s7  }
0x10: {  	[smem:$0x3FB5] =	sst s8  }
0x11: {  	[smem:$0x3FB6] =	sst s9;
	s0 =	simm.s32 @!p0 $0x0  }
0x12: {  	s1 =	sld [smem:$0x3F9C];
	s0 =	simm.s32 @p0 $0x1  }
0x13: {  	[smem:$0x3FB7] =	sst s0;
	s0 =	simm.s32 @!p1 $0x0  }
0x14: {  	s2 =	sld [smem:$0x3F9B];
	s0 =	simm.s32 @p1 $0x1  }
0x15: {  	[smem:$0x3FB8] =	sst s0;
	s0 =	simm.s32 @!p2 $0x0  }
0x16: {  	s3 =	sld [smem:$0x3FDB];
	s0 =	simm.s32 @p2 $0x1  }
0x17: {  	s4 =	simm.s32 $0x1BF5;
	[smem:$0x3FBA] =	sst s0  }
0x18: {  	s0 =	sld [smem:$0x3F9D];
	_ =	swait.ge [sflag:s4], $0x0  }
0x19: {  	s7 =	sld [smem:$0x3F9E]  }
0x1a: {  	s8 =	sadd.s32 $0xFFFFE003, lr  }
0x1b: {  	s9 =	sadd.s32 $0xFFFFFEF7, lr;
	s5 =	simm.s32 $0xFFFFFFFF;
	p2 =	slt.u32 s8, $0xFFFFF086  }
0x1c: {  	p1 =	slt.u32 s9, $0xF7A;
	s5 =	simm.s32 @!p2 $0x0  }
0x1d: {  	s5 =	simm.s32 @p1 $0x1;
	p0 =	seq.s32 s7, s2  }
0x1e: {  	s7 =	smul.u32 @!p0 $0xF7A, s2;
	p2 =	seq.s32 @!p0 s5, $0x0  }
0x1f: {  	s9 =	smul.u32 $0xF7A, s1;
	s8 =	simm.s32 @!p0 $0x1BF5;
	p2 =	por !p2, p0  }
0x20: {  	[sflag:s8] =	ssyncset.s32 @!p0 $0xFFFFF086;
	s6 =	sadd.s32 @!p0 s3, s7;
	s7 =	simm.s32 @!p0 $0x108  }
0x21: {  	s3 =	sadd.s32 s3, s9;
	s6 =	sadd.s32 @!p0 $0x88, s6;
	s7 =	simm.s32 @p2 $0x1082  }
0x22: {  	[simem:s7], [sflag:s8] =	dma.local @!p0 [hbm:s6], $0xF7A  }
0x23: {  	s9 =	sor.u32 $0xD0000000, s2;
	s6 =	simm.s32 $0x108;
	_ =	swait.ge @!p0 [sflag:s8], $0x0  }
0x24: {  	s3 =	sadd.s32 $0x88, s3;
	s6 =	simm.s32 @!p1 $0x1082;
	[sflag:s4] =	ssyncset.s32 $0xFFFFF086  }
0x25: {  	[simem:s6], [sflag:s4] =	dma.local [hbm:s3], $0xF7A  }
0x26: {  	[smem:$0x3F9E] =	sst s1;
	(tag) =	ssettag s2;
	_ =	strace s9  }
0x27: {  	s1 =	sld [smem:$0x3FAE]  }
0x28: {  	s2 =	sld [smem:$0x3FAF]  }
0x29: {  	s4 =	sld [smem:$0x3FB1]  }
0x2a: {  	p0 =	seq.s32 s5, $0x0;
	s5 =	sld [smem:$0x3FB2]  }
0x2b: {  	s6 =	sld [smem:$0x3FB3]  }
0x2c: {  	s7 =	sld [smem:$0x3FB4]  }
0x2d: {  	s3 =	simm.s32 $0x108;
	s8 =	sld [smem:$0x3FB5]  }
0x2e: {  	s3 =	simm.s32 @!p0 $0x1082;
	s9 =	sld [smem:$0x3FB6]  }
0x2f: {  	lr =	sadd.s32 s0, s3;
	s0 =	sld [smem:$0x3FAD]  }
0x30: {  	s3 =	sld [smem:$0x3FB0]  }
0x31: {  	[smem:$0x3FB9] =	sst s10  }
0x32: {  	s10 =	sld [smem:$0x3FB7];
	_ =	sdelay $0x3  }
0x33: {  	p0 =	seq.s32 s10, $0x1;
	s10 =	sld [smem:$0x3FB9];
	_ =	sdelay $0x3  }
0x34: {  	[smem:$0x3FB9] =	sst s10  }
0x35: {  	s10 =	sld [smem:$0x3FB8];
	_ =	sdelay $0x3  }
0x36: {  	p1 =	seq.s32 s10, $0x1;
	s10 =	sld [smem:$0x3FB9];
	_ =	sdelay $0x3  }
0x37: {  	[smem:$0x3FB9] =	sst s10  }
0x38: {  	s10 =	sld [smem:$0x3FBA]  }
0x39: {  	_ = 	snop;
	(pc) =	sbr.ind lr, $3  }
0x3a: {  	_ = 	snop  }
0x3b: {  	_ = 	snop  }
0x3c: {  	p2 =	seq.s32 s10, $0x1;
	s10 =	sld [smem:$0x3FB9]  }
0x3d: {  	_ =	shalt  }
0x3e: {  	_ =	shalt  }
0x3f: {  	_ =	shalt  }
0x40: {  	_ =	shalt  }
0x41: {  	_ =	shalt  }
0x42: {  	_ =	shalt  }
0x43: {  	_ =	shalt  }
0x44: {  	_ =	shalt  }
0x45: {  	_ =	shalt  }
0x46: {  	_ =	shalt  }
0x47: {  	_ =	shalt  }
0x48: {  	_ =	shalt  }
0x49: {  	_ =	shalt  }
0x4a: {  	_ =	shalt  }
0x4b: {  	_ =	shalt  }
0x4c: {  	_ =	shalt  }
0x4d: {  	_ =	shalt  }
0x4e: {  	_ =	shalt  }
0x4f: {  	_ =	shalt  }
0x50: {  	_ =	shalt  }
0x51: {  	_ =	shalt  }
0x52: {  	_ =	shalt  }
0x53: {  	_ =	shalt  }
0x54: {  	_ =	shalt  }
0x55: {  	_ =	shalt  }
0x56: {  	_ =	shalt  }
0x57: {  	_ =	shalt  }
0x58: {  	_ =	shalt  }
0x59: {  	_ =	shalt  }
0x5a: {  	_ =	shalt  }
0x5b: {  	_ =	shalt  }
0x5c: {  	_ =	shalt  }
0x5d: {  	_ =	shalt  }
0x5e: {  	_ =	shalt  }
0x5f: {  	_ =	shalt  }
0x60: {  	_ =	shalt  }
0x61: {  	_ =	shalt  }
0x62: {  	_ =	shalt  }
0x63: {  	_ =	shalt  }
0x64: {  	_ =	shalt  }
0x65: {  	_ =	shalt  }
0x66: {  	_ =	shalt  }
0x67: {  	_ =	shalt  }
0x68: {  	_ =	shalt  }
0x69: {  	_ =	shalt  }
0x6a: {  	_ =	shalt  }
0x6b: {  	_ =	shalt  }
0x6c: {  	_ =	shalt  }
0x6d: {  	_ =	shalt  }
0x6e: {  	_ =	shalt  }
0x6f: {  	_ =	shalt  }
0x70: {  	_ =	shalt  }
0x71: {  	_ =	shalt  }
0x72: {  	_ =	shalt  }
0x73: {  	_ =	shalt  }
0x74: {  	_ =	shalt  }
0x75: {  	_ =	shalt  }
0x76: {  	_ =	shalt  }
0x77: {  	_ =	shalt  }
0x78: {  	_ =	shalt  }
0x79: {  	_ =	shalt  }
0x7a: {  	_ =	shalt  }
0x7b: {  	_ =	shalt  }
0x7c: {  	_ =	shalt  }
0x7d: {  	_ =	shalt  }
0x7e: {  	_ =	shalt  }
0x7f: {  	_ =	shalt  }
0x80: {  	_ =	shalt  }
0x81: {  	_ =	shalt  }
0x82: {  	_ =	shalt  }
0x83: {  	_ =	shalt  }
0x84: {  	_ =	shalt  }
0x85: {  	_ =	shalt  }
0x86: {  	_ =	shalt  }
0x87: {  	_ =	shalt  }
.Lfunc_end0:
.L_simem_size_0:
called_computation_lowered:
.L_overlay_start_0:
0x88: {  	s2 =	sld [smem:$0x3FD9]  }
0x89: {  	s3 =	sld [smem:$0x3FFE];
	_ =	sdelay $0x1  }
0x8a: {  	s1 =	srdreg.scid  }
0x8b: {  	s0 =	sand.u32 $0x1, s1  }
0x8c: {  	s14 =	sshll.u32 s0, $0xA;
	s2 =	sadd.s32 s3, s2  }
0x8d: {  	s2 =	sadd.s32 s2, s14  }
0x8e: {  	[smem:$0x3FC5] =	sst s2  }
0x8f: {  	_ = 	snop  }
0x90: {  	s2 =	sld [smem:$0x3FD0];
	_ =	sdelay $0x2  }
0x91: {  	s15 =	simm.s32 $0xA;
	s4 =	simm.s32 $0x10  }
0x92: {  	[smem:s4], [sflag:s15] =	dma.local [hbm:s2], $0x1  }
0x93: {  	_ =	swait.eq [sflag:s15], $0x1  }
0x94: {  	s16 =	sld [smem:$0x10];
	[sflag:s15] =	ssyncset.done $0x0  }
0x95: {  	s17 =	sld [smem:$0x12];
	[sflag:s15] =	ssyncadd.s32 $0xFFFFFFFF  }
0x96: {  	s18 =	sld [smem:$0x13];
	(tm) =	ssettm $0x1  }
0x97: {  	s5 =	sld [smem:$0x3FFB];
	_ =	sdelay $0x3  }
0x98: {  	_ =	strace s5  }
0x99: {  	s5 =	sld [smem:$0x3FFC];
	_ =	sdelay $0x3  }
0x9a: {  	_ =	strace s5  }
0x9b: {  	s5 =	sld [smem:$0x3FFD];
	_ =	sdelay $0x3  }
0x9c: {  	_ =	strace s5  }
0x9d: {  	_ =	strace $0x8FFFFFFF  }
0x9e: {  	s19 =	sld [smem:$0x3FDB];
	_ =	sdelay $0x1  }
0x9f: {  	s6 =	simm.s32 $_scs_section_size  }
0xa0: {  	s7 =	simm.s32 $_size__tile_overlayer_lowered;
	s8 =	simm.s32 $_tile_overlayer_lowered  }
0xa1: {  	s22 =	simm.s32 $0x1BFF;
	s21 =	sshll.u32 s8, $0x1;
	s5 =	sadd.s32 s6, s19  }
0xa2: {  	s9 =	simm.s32 $0x0;
	s20 =	sshll.u32 s7, $0x1;
	s7 =	sadd.s32 s21, s5  }
0xa3: {  	[timem:s9], [sflag:s22] =	dma.local [hbm:s7], s20  }
0xa4: {  	_ =	swait.ge [sflag:s22], s20  }
0xa5: {  	s6 =	ssub.s32 $0x0, s20;
	[sflag:s22] =	ssyncset.done $0x0  }
0xa6: {  	[sflag:s22] =	ssyncadd.s32 s6;
	_ =	sdelay $0x1  }
0xa7: {  	s23 =	simm.s32 $0x1B8B  }
0xa8: {  	_ =	swait.ge [sflag:s23], $0x1  }
0xa9: {  	[sflag:s23] =	ssyncset.done $0x0  }
0xaa: {  	s25 =	simm.s32 $0x1B8E;
	s24 =	sld [smem:$0x3FFE];
	[sflag:s23] =	ssyncadd.s32 $0xFFFFFFFF  }
0xab: {  	s26 =	simm.s32 $execute0_lowered;
	[smem:$0x3FD2] =	sst s25  }
0xac: {  	s7 =	sshll.u32 s26, $0x1;
	_ =	strace $0x80000046;
	[dreg:$0x1] =	wrdreg $0xFFFFFFFF  }
0xad: {  	s28 =	simm.s32 $_size_execute0_lowered;
	s5 =	sadd.s32 s5, s7;
	[dreg:$0x0] =	wrdreg $0x0  }
0xae: {  	s7 =	sshll.u32 s28, $0x1;
	[dreg:$0x2] =	wrdreg s5  }
0xaf: {  	[dreg:$0x3] =	wrdreg s7  }
0xb0: {  	[dreg:$0x4] =	wrdreg $0xC0  }
0xb1: {  	_ =	task [dreg:s9], $0x5FFFF  }
0xb2: {  	[dreg:$0x1] =	wrdreg $0xFFFFFFFF  }
0xb3: {  	[dreg:$0x0] =	wrdreg $0x60  }
0xb4: {  	[dreg:$0x2] =	wrdreg s24  }
0xb5: {  	[dreg:$0x3] =	wrdreg s16  }
0xb6: {  	[dreg:$0x4] =	wrdreg s17  }
0xb7: {  	[dreg:$0x5] =	wrdreg s18  }
0xb8: {  	[dreg:$0x6] =	wrdreg $0x9  }
0xb9: {  	_ =	task.clear_ibuf [dreg:s9], $0x7FFFF;
	_ =	strace $0x90000046  }
0xba: {  	s29 =	simm.s32 $0x9;
	_ =	strace $0x80000048  }
0xbb: {  	_ =	swait.ge [sflag:s29], $0x1  }
0xbc: {  	[sflag:s29] =	ssyncadd.s32 $0xFFFFFFFF  }
0xbd: {  	_ =	strace $0x90000048  }
0xbe: {  	_ =	sfence  }
0xbf: {  	s30 =	sld [smem:$0x0];
	_ =	sdelay $0x2  }
0xc0: {  	s31 =	sshll.u32 s1, $0xD;
	s1 =	sshrl.u32 s1, $0x2  }
0xc1: {  	s3 =	sand.u32 $0x4000, s31;
	s1 =	sadd.s32 s1, s30  }
0xc2: {  	s0 =	sor.u32 s3, s0;
	s1 =	sshll.u32 s1, $0x11  }
0xc3: {  	s0 =	sor.u32 s1, s0  }
0xc4: {  	s0 =	sadd.s32 $0x8F2B, s0  }
0xc5: {  	[sflag:s0] =	ssyncadd.remote.s32 $0x1  }
0xc6: {  	_ =	sfence.sel $0xFFFF  }
0xc7: {  	[dreg:$0x0] =	wrdreg $0xFFFFFFFF;
	(pc) =	sbr.abs _section_cstart, $3  }
0xc8: {  	[dreg:$0x1] =	wrdreg $0xFFFFFFFF  }
0xc9: {  	_ =	task.clear_ibuf [dreg:s9], $0x2FFFF;
	_ =	strace $0x9FFFFFFF  }
0xca: {  	(tm) =	ssettm $0x7FFFFFFF  }
0xcb: {  	_ =	shalt  }
tec
execute0_lowered:
.L_overlay_start_1:
0x0: {  	(tag) =	ssettag $0x1  }
0x1: {  	v2 =	vimm.s32 $0x80000010  }
0x2: {  	vm0 =	vcmask $0x300;
	v1 =	vlaneseq.u32;
	vm1 =	vcmask $0x704  }
0x3: {  	vm2 =	vcmask $0xB08;
	vm4 =	vcmask $0x1310;
	v8 =	vimm.s32 $0xECA86420  }
0x4: {  	vm9 =	vmmov $0x1f;
	vm7 =	vcmask $0x1B18;
	vm6 =	vcmask $0x2320  }
0x5: {  	vm8 =	vcmask $0x2B28;
	vm10 =	vcmask $0x3330;
	vm3 =	vcmask $0xF04  }
0x6: {  	vm13 =	vcmask $0x3B38;
	vm12 =	vmmov $0xff;
	v11 =	vimm.f32 $5.000000000e-01  }
0x7: {  	s28 =	rddreg [dreg:$0x0];
	vm5 =	vcmask $0x700;
	v12 =	vimm.f32 $-3.000000000e+01;
	v18 =	vimm.s32 $0x0  }
0x8: {  	s0 =	srdreg.scid;
	s3 =	rddreg [dreg:$0x1];
	v3 =	vsel vm0, $0x80000000, v2;
	v2 =	vmul.u32 $0x500, v1;
	v7 =	vor.u32 $0x60, v1  }
0x9: {  	s2 =	stileid.u32;
	s4 =	rddreg [dreg:$0x2];
	v9 =	vunpack.c.l.s4.s8 v8;
	v8 =	vimm.s32 $0x0;
	v10 =	vmul.u32 $0x2, v1  }
0xa: {  	s11 =	simm.s32 $0x0;
	s1 =	sand.u32 $0x1, s0;
	s25 =	sshll.u32 s2, $0x1;
	v13 =	vsel vm5, $0xBF000000, v11;
	v11 =	vimm.f32 $6.000000000e+01;
	v15 =	vsel vm0, $0xC1700000, v12  }
0xb: {  	[smem:$0x7FF] =	sst s11;
	v18 =	vsel vm9, $0xFFFFFFFF, v18;
	s0 =	sor.u32 s1, s25;
	v4 =	vsel vm1, $0x80000001, v3;
	v3 =	vor.u32 $0x80000000, v1  }
0xc: {  	s5 =	rddreg [dreg:$0x3];
	vm1 =	vcmask $0xF0C;
	_ =	strace $0x80000047;
	v14 =	vsel vm0, $0x41F00000, v11;
	v15 =	vsel vm2, $0xC1700000, v15;
	s26 =	smul.u32 $0x7D0, s0  }
0xd: {  	[tilespmem:$0x1FFE0] =	vst v18;
	v18 =	vimm.s32 $0x0;
	v5 =	vsel vm2, $0x80000002, v4;
	v4 =	vmul.u32 $0x10, v1;
	s6 =	smul.u32 $0x9C4, s0  }
0xe: {  	s16 =	simm.s32 $0x60F0;
	s9 =	sadd.s32 $0x1CA00, s28;
	v9 =	vunpack.c.0.s8.s32 v9;
	s7 =	smul.u32 $0x3E8, s0;
	v14 =	vsel vm2, $0x41F00000, v14;
	v15 =	vsel vm4, $0xC1700000, v15  }
0xf: {  	s19 =	simm.s32 $0x5F30;
	[dreg:$0x9] =	wrdreg s9;
	s10 =	smul.u32 $0x38, s0;
	v6 =	vsel vm1, $0x80000003, v5;
	v5 =	vimm.f32 $-1.000000000e+00;
	vm1 =	vcmask $0x1F14  }
0x10: {  	s1 =	ssub.s32 $0x2, s1;
	s9 =	simm.s32 $0x5FA0;
	s8 =	smul.u32 $0xE, s0;
	v14 =	vsel vm4, $0x41F00000, v14;
	v15 =	vsel vm7, $0xC1700000, v15;
	v0 =	vmov s26  }
0x11: {  	s29 =	sshrl.u32 s1, $0x1;
	s0 =	smul.u32 $0x230, s0;
	v6 =	vsel vm4, $0x80000004, v6;
	vm1 =	vmor vm3, vm1;
	vm3 =	vcmask $0x2F24;
	s3 =	sadd.s32 s3, s10  }
0x12: {  	s1 =	ssub.s32 s1, s29;
	s30 =	sadd.s32 s4, s8;
	v14 =	vsel vm7, $0x41F00000, v14;
	v15 =	vsel vm6, $0xC1700000, v15;
	vm1 =	vmor vm1, vm3;
	[dreg:$0xc] =	wrdreg s3  }
0x13: {  	s6 =	sadd.s32 s6, s28;
	s0 =	sadd.s32 s5, s0;
	vm3 =	vcmask $0x3F34;
	[dreg:$0xd] =	wrdreg s30;
	v14 =	vsel vm6, $0x41F00000, v14;
	v15 =	vsel vm8, $0xC1700000, v15  }
0x14: {  	s7 =	sadd.s32 s7, s28;
	s31 =	smax.u32 s1, $0x1;
	[dreg:$0xf] =	wrdreg s0;
	vm11 =	vmor vm1, vm3;
	vm1 =	vcmask $0x1710;
	v16 =	vsel vm8, $0x41F00000, v14  }
0x15: {  	s2 =	sadd.s32 s8, s28;
	s7 =	sadd.s32 $0x14C00, s7;
	[dreg:$0x10] =	wrdreg s31;
	v14 =	vand.u32 $0x1, v1;
	v17 =	vsel vm10, $0xC1700000, v15;
	v13 =	vsel vm1, $0xBF000000, v13  }
0x16: {  	s8 =	simm.s32 $0x4E20;
	s6 =	sadd.s32 $0x1200, s6;
	[dreg:$0xa] =	wrdreg s7;
	vm1 =	vcmask $0x2720;
	v16 =	vsel vm10, $0x41F00000, v16;
	v15 =	vor.u32 $0x2, v14  }
0x17: {  	s1 =	simm.s32 $0x0;
	s2 =	sadd.s32 $0x6AC00, s2;
	[dreg:$0xb] =	wrdreg s6;
	v18 =	vsel vm11, $0xFFFFFFFF, v18;
	v13 =	vsel vm1, $0xBF000000, v13;
	vm1 =	vcmask $0x3730  }
0x18: {  	[dreg:$0xe] =	wrdreg s2;
	s2 =	simm.s32 $0x3;
	s7 =	simm.s32 $0x5E20;
	v17 =	vsel vm13, $0xC1700000, v17;
	v16 =	vsel vm13, $0x41F00000, v16;
	[tilespmem:$0x1FFF0] =	vst v18;
	v13 =	vsel vm1, $0xBF000000, v13  }
.LBB2_1:
0x19: {  	[dreg:$0x11] =	wrdreg s1;
	s15 =	simm.s32 $0x0  }
0x1a: {  	s0 =	rddreg [dreg:$0xa];
	s17 =	simm.s32 $0x1;
	s18 =	simm.s32 $0x2;
	v18 =	vadd.s32 s15, v2  }
0x1b: {  	[tilespmem:s16], [sflag:$0x1] =	stream.linear.gather [hbm4b:s0+s11], $0x1F40, $0x38;
	v19 =	vadd.s32 s17, v2;
	vm1 =	vlt.s32 v18, $0x4E1F;
	[tilespmem:$0xA4F0] =	vst v63  }
0x1c: {  	s14 =	rddreg [dreg:$0xb];
	s20 =	simm.s32 $0x3;
	s21 =	simm.s32 $0x4;
	v20 =	vadd.s32 s18, v2;
	vm3 =	vlt.s32 v19, $0x4E1F;
	v21 =	vnsel vm1, $0x4E1F, v18  }
0x1d: {  	v22 =	vadd.s32 s20, v2;
	[tilespmem:s11], [sflag:$0x3] =	stream.linear.gather [hbm4b:s14+s11], $0x4E20, $0x38;
	vm1 =	vlt.s32 v20, $0x4E1F;
	v23 =	vnsel vm3, $0x4E1F, v19;
	[tilespmem:$0xA4F0] =	vst v63  }
0x1e: {  	v24 =	vadd.s32 s21, v2;
	vm3 =	vlt.s32 v22, $0x4E1F;
	_ =	swait.ge [sflag:s2], $0x4E20;
	v25 =	vnsel vm1, $0x4E1F, v20  }
0x1f: {  	v26 =	vnsel vm3, $0x4E1F, v22;
	vm1 =	vlt.s32 v24, $0x4E1F;
	[sflag:s2] =	ssyncset.done $0x0  }
0x20: {  	v27 =	vnsel vm1, $0x4E1F, v24;
	[sflag:s2] =	ssyncadd.s32 $0xFFFFB1E0  }
0x21: {  	s22 =	simm.s32 $0x9;
	s23 =	simm.s32 $0x6;
	v21 =	vld.idx.msk [tilespmem:v21+s11+$0x0], $0xffff  }
0x22: {  	s24 =	simm.s32 $0x7;
	s3 =	simm.s32 $0x8;
	v28 =	vadd.s32 s22, v2;
	v29 =	vadd.s32 s23, v2;
	v23 =	vld.idx.msk [tilespmem:v23+s11+$0x0], $0xffff  }
0x23: {  	s25 =	simm.s32 $0x5;
	v30 =	vadd.s32 s24, v2;
	v31 =	vadd.s32 s3, v2;
	vm0 =	vlt.u32 v24, $0x4E20;
	v24 =	vld.idx.msk [tilespmem:v25+s11+$0x0], $0xffff  }
0x24: {  	v32 =	vadd.s32 s25, v2;
	vm6 =	vlt.u32 v20, $0x4E20;
	vm9 =	vlt.u32 v22, $0x4E20;
	v25 =	vld.idx.msk [tilespmem:v26+s11+$0x0], $0xffff  }
0x25: {  	vm8 =	vlt.s32 v31, $0x4E1F;
	vm14 =	vlt.u32 v18, $0x4E20;
	vm15 =	vlt.u32 v19, $0x4E20;
	v20 =	vld.idx.msk [tilespmem:v27+s11+$0x0], $0xffff  }
0x26: {  	vm5 =	vlt.s32 v30, $0x4E1F;
	vm3 =	vlt.s32 v29, $0x4E1F;
	v18 =	vmax.f32 v21, $-1.000000000e+00  }
0x27: {  	vm1 =	vlt.s32 v32, $0x4E1F;
	v19 =	vnsel vm15, $0xBF800000, v23;
	v18 =	vnsel vm14, $0xBF800000, v18  }
0x28: {  	v21 =	vnsel vm1, $0x4E1F, v32;
	v18 =	vmax.f32 v18, v19;
	v19 =	vnsel vm6, $0xBF800000, v24  }
0x29: {  	v22 =	vnsel vm3, $0x4E1F, v29;
	v18 =	vmax.f32 v18, v19;
	v19 =	vnsel vm9, $0xBF800000, v25  }
0x2a: {  	v25 =	vnsel vm5, $0x4E1F, v30;
	v18 =	vmax.f32 v18, v19;
	v19 =	vnsel vm0, $0xBF800000, v20  }
0x2b: {  	v26 =	vnsel vm8, $0x4E1F, v31;
	vm1 =	vlt.s32 v28, $0x4E1F;
	v18 =	vmax.f32 v18, v19  }
0x2c: {  	v27 =	vnsel vm1, $0x4E1F, v28;
	[tilespmem:s8+$0x0] =	vst v18  }
0x2d: {  	v24 =	vld.idx.msk [tilespmem:v21+s11+$0x0], $0xffff  }
0x2e: {  	vm3 =	vlt.u32 v28, $0x4E20;
	vm15 =	vlt.u32 v31, $0x4E20;
	v23 =	vld.idx.msk [tilespmem:v22+s11+$0x0], $0xffff  }
0x2f: {  	s26 =	simm.s32 $0xE;
	s28 =	simm.s32 $0xB;
	s30 =	simm.s32 $0xD;
	vm1 =	vlt.u32 v29, $0x4E20;
	vm6 =	vlt.u32 v30, $0x4E20;
	vm5 =	vlt.u32 v32, $0x4E20;
	v25 =	vld.idx.msk [tilespmem:v25+s11+$0x0], $0xffff  }
0x30: {  	s29 =	simm.s32 $0xC;
	s31 =	simm.s32 $0xA;
	v20 =	vadd.s32 s28, v2;
	v19 =	vadd.s32 s30, v2;
	v18 =	vadd.s32 s26, v2;
	v26 =	vld.idx.msk [tilespmem:v26+s11+$0x0], $0xffff  }
0x31: {  	s1 =	simm.s32 $0x4E20;
	s2 =	simm.s32 $0x13;
	vm14 =	vlt.s32 v19, $0x4E1F;
	v21 =	vadd.s32 s29, v2;
	v22 =	vadd.s32 s31, v2;
	v27 =	vld.idx.msk [tilespmem:v27+s11+$0x0], $0xffff  }
.LBB2_2:
0x32: {  	p0 =	sne.s32 s2, $0x4FF;
	vm0 =	vlt.s32 v20, $0x4E1F;
	vm8 =	vlt.s32 v21, $0x4E1F;
	v24 =	vmax.f32 v24, $-1.000000000e+00  }
0x33: {  	vm9 =	vlt.s32 v22, $0x4E1F;
	v23 =	vnsel vm1, $0xBF800000, v23;
	v24 =	vnsel vm5, $0xBF800000, v24  }
0x34: {  	v28 =	vnsel vm9, $0x4E1F, v22;
	v23 =	vmax.f32 v24, v23;
	v24 =	vnsel vm6, $0xBF800000, v25  }
0x35: {  	v25 =	vnsel vm0, $0x4E1F, v20;
	v23 =	vmax.f32 v23, v24;
	v24 =	vnsel vm15, $0xBF800000, v26  }
0x36: {  	v26 =	vnsel vm8, $0x4E1F, v21;
	v23 =	vmax.f32 v23, v24;
	v24 =	vnsel vm3, $0xBF800000, v27  }
0x37: {  	s1 =	sadd.s32 $0x10, s1;
	vm0 =	vlt.s32 v18, $0x4E1F;
	v27 =	vnsel vm14, $0x4E1F, v19;
	v23 =	vmax.f32 v23, v24  }
0x38: {  	s0 =	simm.s32 $0x0;
	v29 =	vnsel vm0, $0x4E1F, v18;
	[tilespmem:s1+$0x0] =	vst v23  }
0x39: {  	v24 =	vld.idx.msk [tilespmem:v28+s0+$0x0], $0xffff  }
.Ltmp0:
0x3a: {  	v23 =	vld.idx.msk [tilespmem:v25+s0+$0x0], $0xffff;
	(pc) =	sbr.rel @p0 .LBB2_2-.Ltmp0, $4  }
0x3b: {  	s3 =	sadd.s32 $0xFFFFFFFD, s2;
	s4 =	sadd.s32 $0xFFFFFFFE, s2;
	s5 =	sadd.s32 $0xFFFFFFFF, s2;
	vm3 =	vlt.u32 v18, $0x4E20;
	v18 =	vadd.s32 s2, v2;
	v25 =	vld.idx.msk [tilespmem:v26+s0+$0x0], $0xffff  }
0x3c: {  	s6 =	sadd.s32 $0xFFFFFFFC, s2;
	v30 =	vadd.s32 s4, v2;
	v31 =	vadd.s32 s5, v2;
	v28 =	vadd.s32 s3, v2;
	v26 =	vld.idx.msk [tilespmem:v27+s0+$0x0], $0xffff  }
0x3d: {  	v32 =	vadd.s32 s6, v2;
	vm6 =	vlt.u32 v21, $0x4E20;
	vm15 =	vlt.u32 v19, $0x4E20;
	v21 =	vmovc v30;
	v19 =	vmovc v31;
	v27 =	vld.idx.msk [tilespmem:v29+s0+$0x0], $0xffff  }
0x3e: {  	vm1 =	vlt.u32 v20, $0x4E20;
	vm5 =	vlt.u32 v22, $0x4E20;
	v22 =	vmovc v32;
	s2 =	sadd.s32 $0x5, s2;
	vm14 =	vlt.s32 v19, $0x4E1F;
	v20 =	vmovc v28  }
0x3f: {  	vm0 =	vlt.s32 v20, $0x4E1F;
	vm8 =	vlt.s32 v21, $0x4E1F;
	v24 =	vmax.f32 v24, $-1.000000000e+00  }
0x40: {  	vm9 =	vlt.s32 v22, $0x4E1F;
	v23 =	vnsel vm1, $0xBF800000, v23;
	v24 =	vnsel vm5, $0xBF800000, v24  }
0x41: {  	v28 =	vnsel vm9, $0x4E1F, v22;
	v56 =	vnsel vm6, $0xBF800000, v25;
	v23 =	vmax.f32 v24, v23  }
0x42: {  	v57 =	vnsel vm0, $0x4E1F, v20;
	v58 =	vnsel vm15, $0xBF800000, v26;
	v23 =	vmax.f32 v23, v56  }
0x43: {  	v59 =	vnsel vm8, $0x4E1F, v21;
	v60 =	vnsel vm3, $0xBF800000, v27;
	v23 =	vmax.f32 v23, v58  }
0x44: {  	v61 =	vnsel vm14, $0x4E1F, v19;
	s1 =	sadd.s32 $0x10, s1;
	vm0 =	vlt.s32 v18, $0x4E1F;
	v23 =	vmax.f32 v23, v60  }
0x45: {  	v62 =	vnsel vm0, $0x4E1F, v18;
	[tilespmem:s1+$0x0] =	vst v23  }
0x46: {  	v23 =	vld.idx.msk [tilespmem:v28+s0+$0x0], $0xffff  }
0x47: {  	v25 =	vld.idx.msk [tilespmem:v57+s0+$0x0], $0xffff  }
0x48: {  	v26 =	vld.idx.msk [tilespmem:v59+s0+$0x0], $0xffff  }
0x49: {  	v27 =	vld.idx.msk [tilespmem:v61+s0+$0x0], $0xffff  }
0x4a: {  	v24 =	vld.idx.msk [tilespmem:v62+s0+$0x0], $0xffff  }
0x4b: {  	vm1 =	vlt.u32 v20, $0x4E20;
	vm0 =	vlt.u32 v22, $0x4E20;
	v20 =	vmax.f32 v23, $-1.000000000e+00  }
0x4c: {  	vm3 =	vlt.u32 v21, $0x4E20;
	v63 =	vnsel vm1, $0xBF800000, v25;
	v20 =	vnsel vm0, $0xBF800000, v20  }
0x4d: {  	vm0 =	vlt.u32 v19, $0x4E20;
	v19 =	vmax.f32 v20, v63;
	v20 =	vnsel vm3, $0xBF800000, v26  }
0x4e: {  	p0 =	por $0x1, $0x1;
	vm1 =	vlt.u32 v18, $0x4E20;
	v18 =	vmax.f32 v19, v20;
	v19 =	vnsel vm0, $0xBF800000, v27  }
.Ltmp1:
0x4f: {  	v18 =	vmax.f32 v18, v19;
	v19 =	vnsel vm1, $0xBF800000, v24;
	(pc) =	sbr.rel @!p0 .LBB2_5-.Ltmp1, $4  }
0x50: {  	s1 =	sadd.s32 $0x10, s1;
	v18 =	vmax.f32 v18, v19  }
0x51: {  	[tilespmem:s1+$0x0] =	vst v18;
	s1 =	simm.s32 $0x4EA0  }
0x52: {  	v18 =	vld [tilespmem:s1+$0xFFFFFF90]  }
0x53: {  	s2 =	simm.s32 $0x40;
	v19 =	vld [tilespmem:s1+$0xFFFFFF80]  }
.LBB2_4:
0x54: {  	p0 =	sne.s32 s2, $0x3C0;
	v20 =	vld [tilespmem:s1+$0xFFFFFFA0]  }
0x55: {  	v21 =	vld [tilespmem:s1+$0xFFFFFFB0]  }
0x56: {  	v22 =	vld [tilespmem:s1+$0xFFFFFFC0]  }
0x57: {  	v23 =	vld [tilespmem:s1+$0xFFFFFFD0]  }
0x58: {  	v18 =	vmax.f32 v19, v18;
	v19 =	vld [tilespmem:s1+$0xFFFFFFE0]  }
0x59: {  	v18 =	vmax.f32 v18, v20;
	v20 =	vld [tilespmem:s1+$0xFFFFFFF0]  }
0x5a: {  	v18 =	vmax.f32 v18, v21;
	v21 =	vld [tilespmem:s1+$0x0]  }
0x5b: {  	v18 =	vmax.f32 v18, v22;
	v22 =	vld [tilespmem:s1+$0x10]  }
0x5c: {  	v18 =	vmax.f32 v18, v23;
	v23 =	vld [tilespmem:s1+$0x20]  }
0x5d: {  	v18 =	vmax.f32 v18, v19;
	v19 =	vld [tilespmem:s1+$0x30]  }
0x5e: {  	v18 =	vmax.f32 v18, v20;
	v20 =	vld [tilespmem:s1+$0x40]  }
0x5f: {  	v18 =	vmax.f32 v18, v21;
	v21 =	vld [tilespmem:s1+$0x50]  }
0x60: {  	v18 =	vmax.f32 v18, v22;
	v22 =	vld [tilespmem:s1+$0x60]  }
0x61: {  	v18 =	vmax.f32 v18, v23;
	v23 =	vld [tilespmem:s1+$0x70]  }
0x62: {  	v18 =	vmax.f32 v18, v19  }
0x63: {  	v18 =	vmax.f32 v18, v20  }
0x64: {  	v18 =	vmax.f32 v18, v21  }
.Ltmp2:
0x65: {  	v18 =	vmax.f32 v18, v22;
	(pc) =	sbr.rel @p0 .LBB2_4-.Ltmp2, $4  }
0x66: {  	s3 =	sshra.s32 s0, $0x2;
	s0 =	smov.u32 s2;
	v18 =	vmax.f32 v18, v23  }
0x67: {  	s1 =	sadd.s32 $0x100, s1;
	[tilespmem:s3+$0x5E20] =	vst v18  }
0x68: {  	v18 =	vld [tilespmem:s1+$0xFFFFFF90]  }
0x69: {  	s2 =	sadd.s32 $0x40, s2;
	v19 =	vld [tilespmem:s1+$0xFFFFFF80]  }
.LBB2_5:
0x6a: {  	v20 =	vld [tilespmem:s1+$0xFFFFFFA0]  }
0x6b: {  	v21 =	vld [tilespmem:s1+$0xFFFFFFB0]  }
0x6c: {  	v22 =	vld [tilespmem:s1+$0xFFFFFFC0]  }
0x6d: {  	v23 =	vld [tilespmem:s1+$0xFFFFFFD0]  }
0x6e: {  	v18 =	vmax.f32 v19, v18;
	v19 =	vld [tilespmem:s1+$0xFFFFFFE0]  }
0x6f: {  	v18 =	vmax.f32 v18, v20;
	v20 =	vld [tilespmem:s1+$0xFFFFFFF0]  }
0x70: {  	v49 =	vld [tilespmem:s1+$0x0];
	v18 =	vmax.f32 v18, v21  }
0x71: {  	v50 =	vld [tilespmem:s1+$0x10];
	v18 =	vmax.f32 v18, v22  }
0x72: {  	v51 =	vld [tilespmem:s1+$0x20];
	v18 =	vmax.f32 v18, v23  }
0x73: {  	v18 =	vmax.f32 v18, v19;
	v19 =	vld [tilespmem:s1+$0x30]  }
0x74: {  	v18 =	vmax.f32 v18, v20;
	v20 =	vld [tilespmem:s1+$0x40]  }
0x75: {  	v52 =	vld [tilespmem:s1+$0x50];
	v18 =	vmax.f32 v18, v49  }
0x76: {  	v53 =	vld [tilespmem:s1+$0x60];
	v18 =	vmax.f32 v18, v50  }
0x77: {  	v54 =	vld [tilespmem:s1+$0x70];
	v18 =	vmax.f32 v18, v51  }
0x78: {  	v18 =	vmax.f32 v18, v19  }
0x79: {  	v18 =	vmax.f32 v18, v20  }
0x7a: {  	v18 =	vmax.f32 v18, v52  }
0x7b: {  	v18 =	vmax.f32 v18, v53  }
0x7c: {  	s0 =	sshra.s32 s0, $0x2;
	v18 =	vmax.f32 v18, v54  }
0x7d: {  	[tilespmem:s0+$0x5E20] =	vst v18  }
0x7e: {  	v18 =	vld [tilespmem:$0x5E20]  }
0x7f: {  	v19 =	vld [tilespmem:$0x5E30]  }
0x80: {  	v20 =	vld [tilespmem:$0x5E40]  }
0x81: {  	v55 =	vld [tilespmem:$0x5E50]  }
0x82: {  	v56 =	vld [tilespmem:$0x5E60]  }
0x83: {  	v57 =	vld [tilespmem:$0x5E70]  }
0x84: {  	v18 =	vmax.f32 v18, v19;
	v19 =	vld [tilespmem:$0x5E80]  }
0x85: {  	v18 =	vmax.f32 v18, v20;
	v20 =	vld [tilespmem:$0x5E90]  }
0x86: {  	v58 =	vld [tilespmem:$0x5EA0];
	v18 =	vmax.f32 v18, v55  }
0x87: {  	v59 =	vld [tilespmem:$0x5EB0];
	v18 =	vmax.f32 v18, v56  }
0x88: {  	v60 =	vld [tilespmem:$0x5EC0];
	v18 =	vmax.f32 v18, v57  }
0x89: {  	v18 =	vmax.f32 v18, v19;
	v19 =	vld [tilespmem:$0x5ED0]  }
0x8a: {  	v18 =	vmax.f32 v18, v20;
	v20 =	vld [tilespmem:$0x5EE0]  }
0x8b: {  	v61 =	vld [tilespmem:$0x5EF0];
	v18 =	vmax.f32 v18, v58  }
0x8c: {  	v62 =	vld [tilespmem:$0x5F00];
	v18 =	vmax.f32 v18, v59  }
0x8d: {  	v63 =	vld [tilespmem:$0x5F10];
	v18 =	vmax.f32 v18, v60  }
0x8e: {  	v18 =	vmax.f32 v18, v19;
	v19 =	vld [tilespmem:$0x1FFE0]  }
0x8f: {  	v18 =	vmax.f32 v18, v20  }
0x90: {  	v18 =	vmax.f32 v18, v61  }
0x91: {  	vm11 =	vcmask $0x704;
	vm9 =	vcmask $0xF0C;
	v18 =	vmax.f32 v18, v62  }
0x92: {  	vm14 =	vcmask $0x2320;
	vm1 =	vcmask $0x2B28;
	v18 =	vmax.f32 v18, v63  }
0x93: {  	vm5 =	vcmask $0x1F1C;
	vm6 =	vcmask $0x2724;
	s0 =	simm.s32 $0x0;
	[tilespmem:$0x5F20] =	vst v18;
	vm8 =	vnez.u8 v19  }
.LBB2_6:
0x94: {  	(xrf0) =	vmax.scan.msk.f32 $0xffff, v18;
	_ =	sdelay $0x5  }
0x95: {  	v19, _, _ =	vpop (xrf0)  }
0x96: {  	v19 =	vbroadcast v19, $0xF;
	_ =	sdelay $0x1  }
0x97: {  	vm0 =	veq.f32 v18, v19  }
0x98: {  	v20 =	vnsel vm0, $0x80000010, v3  }
0x99: {  	(xrf0) =	vmin.scan.msk.u32 $0xffff, v20;
	_ =	sdelay $0x5  }
0x9a: {  	v20, _, _ =	vpop (xrf0)  }
0x9b: {  	(v2sf) =	vpush v20, $0xF;
	_ =	sdelay $0xe  }
0x9c: {  	s1 =	spop (v2sf)  }
0x9d: {  	s1 =	sxor.u32 $0x80000000, s1  }
0x9e: {  	v20 =	vadd.s32 s1, v4;
	_ =	sdelay $0x4  }
0x9f: {  	v21 =	vld.idx.msk [tilespmem:v20+s7+$0x0], $0xffff;
	_ =	sdelay $0x4  }
0xa0: {  	vm0 =	veq.f32 v21, v19  }
0xa1: {  	v21 =	vnsel vm0, $0x80000010, v3  }
0xa2: {  	(xrf0) =	vmin.scan.msk.u32 $0xffff, v21;
	_ =	sdelay $0x5  }
0xa3: {  	v21, _, _ =	vpop (xrf0)  }
0xa4: {  	(v2sf) =	vpush v21, $0xF;
	_ =	sdelay $0xe  }
0xa5: {  	s2 =	spop (v2sf)  }
0xa6: {  	s2 =	sshll.u32 s2, $0x4  }
0xa7: {  	v57 =	vmov s2  }
0xa8: {  	v21 =	vshll.u32 v57, $0x4  }
0xa9: {  	v21 =	vadd.s32 v21, v20;
	_ =	sdelay $0x4  }
0xaa: {  	v22 =	vld.idx.msk [tilespmem:v21+s8+$0x0], $0xffff;
	_ =	sdelay $0x4  }
0xab: {  	vm0 =	veq.f32 v22, v19  }
0xac: {  	v22 =	vnsel vm0, $0x80000010, v3  }
0xad: {  	(xrf0) =	vmin.scan.msk.u32 $0xffff, v22;
	_ =	sdelay $0x5  }
0xae: {  	v22, _, _ =	vpop (xrf0)  }
0xaf: {  	(v2sf) =	vpush v22, $0xF;
	_ =	sdelay $0xe  }
0xb0: {  	s3 =	spop (v2sf)  }
0xb1: {  	s3 =	sadd.s32 s3, s2  }
0xb2: {  	s4 =	smul.u32 $0x500, s1;
	s3 =	sadd.s32 $0x80000000, s3  }
0xb3: {  	s5 =	smul.u32 $0x5, s3;
	_ =	sdelay $0x1  }
0xb4: {  	s4 =	sadd.s32 s4, s5  }
0xb5: {  	v58 =	vadd.s32 s4, v1  }
0xb6: {  	vm0 =	vlt.s32 v58, $0x4E1F  }
0xb7: {  	v23 =	vnsel vm0, $0x4E1F, v58;
	_ =	sdelay $0x4  }
0xb8: {  	v23 =	vld.idx.msk [tilespmem:v23+s11+$0x0], $0xffff;
	_ =	sdelay $0x3  }
0xb9: {  	vm0 =	vlt.s32 v58, $0x4E20  }
0xba: {  	v22 =	vnsel vm0, $0xBF800000, v23  }
0xbb: {  	vm0 =	veq.f32 v22, v19  }
0xbc: {  	v59 =	vnsel vm0, $0x80000010, v6  }
0xbd: {  	(xrf0) =	vmin.scan.msk.u32 $0xffff, v59;
	_ =	sdelay $0x5  }
0xbe: {  	v23, _, _ =	vpop (xrf0)  }
0xbf: {  	(v2sf) =	vpush v23, $0xF;
	_ =	sdelay $0xe  }
0xc0: {  	s31 =	spop (v2sf)  }
0xc1: {  	s5 =	sxor.u32 $0x80000000, s31  }
0xc2: {  	v60 =	vmov s0;
	v24 =	vmov s5  }
0xc3: {  	s4 =	sadd.s32 s4, s5;
	vm0 =	vne.s32 v24, v1  }
0xc4: {  	v61 =	vmov s4;
	vm0 =	vmand vm0, vm8  }
0xc5: {  	v22 =	vnsel vm0, $0xBF800000, v22  }
0xc6: {  	(xrf0) =	vmax.scan.msk.f32 $0xffff, v22  }
0xc7: {  	[tilespmem:v60+s9+$0x0] =	vst.idx.msk $0x1, v19  }
0xc8: {  	s3 =	sshll.u32 s3, $0x6;
	[tilespmem:v60+s19+$0x0] =	vst.idx.msk $0x1, v61  }
0xc9: {  	s3 =	sshra.s32 s3, $0x2;
	[tilespmem:v61+s11+$0x0] =	vst.idx.msk $0x1, v5  }
0xca: {  	v19 =	vld [tilespmem:s3+$0x4E20];
	_ =	sdelay $0x1  }
0xcb: {  	v22, _, _ =	vpop (xrf0)  }
0xcc: {  	v62 =	vmov s1;
	v22 =	vbroadcast v22, $0xF  }
0xcd: {  	vm0 =	veq.s32 v62, v1  }
0xce: {  	v19 =	vsel vm0, v22, v19  }
0xcf: {  	[tilespmem:s3+$0x4E20] =	vst v19  }
0xd0: {  	v19 =	vld.idx.msk [tilespmem:v21+s8+$0x0], $0xffff;
	_ =	sdelay $0x4  }
0xd1: {  	(xrf0) =	vmax.scan.msk.f32 $0xffff, v19;
	_ =	sdelay $0x3  }
0xd2: {  	v19 =	vld [tilespmem:s2+$0x5E20];
	_ =	sdelay $0x1  }
0xd3: {  	v63, _, _ =	vpop (xrf0)  }
0xd4: {  	v21 =	vbroadcast v63, $0xF;
	_ =	sdelay $0x1  }
0xd5: {  	v19 =	vsel vm0, v21, v19  }
0xd6: {  	[tilespmem:s2+$0x5E20] =	vst v19  }
0xd7: {  	v19 =	vld.idx.msk [tilespmem:v20+s7+$0x0], $0xffff;
	_ =	sdelay $0x4  }
0xd8: {  	(xrf0) =	vmax.scan.msk.f32 $0xffff, v19;
	_ =	sdelay $0x4  }
0xd9: {  	p0 =	sne.s32 s0, $0x63  }
.Ltmp3:
0xda: {  	v19, _, _ =	vpop (xrf0);
	(pc) =	sbr.rel @p0 .LBB2_6-.Ltmp3, $3  }
0xdb: {  	v19 =	vbroadcast v19, $0xF;
	_ =	sdelay $0x1  }
0xdc: {  	v18 =	vsel vm0, v19, v18  }
0xdd: {  	s0 =	sadd.s32 $0x1, s0;
	[tilespmem:$0x5F20] =	vst v18  }
0xde: {  	vm0 =	vcmask $0x3F10;
	_ =	sdelay $0x5  }
0xdf: {  	[tilespmem:v7+s19+$0x0] =	vst.idx.msk vm0, v8  }
0xe0: {  	v22 =	vld [tilespmem:$0x5F30];
	_ =	sdelay $0x4  }
0xe1: {  	(v2sf) =	vpush v22, $0xD;
	_ =	sdelay $0x1  }
0xe2: {  	(v2sf) =	vpush v22, $0xC;
	_ =	sdelay $0x1  }
0xe3: {  	(v2sf) =	vpush v22, $0xE;
	_ =	sdelay $0x1  }
0xe4: {  	(v2sf) =	vpush v22, $0xF;
	_ =	sdelay $0x1  }
0xe5: {  	(v2sf) =	vpush v22, $0x9;
	_ =	sdelay $0x1  }
0xe6: {  	(v2sf) =	vpush v22, $0x8;
	_ =	sdelay $0x1  }
0xe7: {  	(v2sf) =	vpush v22, $0xA;
	_ =	sdelay $0x1  }
0xe8: {  	(v2sf) =	vpush v22, $0xB  }
0xe9: {  	s0 =	spop (v2sf)  }
0xea: {  	(v2sf) =	vpush v22, $0x0;
	s1 =	smulhi.u32 $0x66666667, s0;
	s0 =	sshra.s32 s0, $0x1F  }
0xeb: {  	(v2sf) =	vpush v22, $0x1;
	s31 =	spop (v2sf);
	s14 =	smul.u32 $0x66666667, s0  }
0xec: {  	(v2sf) =	vpush v22, $0x2;
	s13 =	smulhi.u32 $0x66666667, s31  }
0xed: {  	s0 =	sshra.s32 s31, $0x1F;
	[smem:$0x766] =	sst s1;
	s1 =	spop (v2sf)  }
0xee: {  	s17 =	smul.u32 $0x66666667, s0;
	s0 =	sshra.s32 s1, $0x1F  }
0xef: {  	s2 =	spop (v2sf);
	s21 =	smul.u32 $0x66666667, s0  }
0xf0: {  	(v2sf) =	vpush v22, $0x3;
	s18 =	smulhi.u32 $0x66666667, s2;
	s0 =	sshra.s32 s2, $0x1F  }
0xf1: {  	s3 =	spop (v2sf);
	s23 =	smul.u32 $0x66666667, s0  }
0xf2: {  	(v2sf) =	vpush v22, $0x4;
	s22 =	smulhi.u32 $0x66666667, s3;
	s0 =	sshra.s32 s3, $0x1F  }
0xf3: {  	s4 =	spop (v2sf);
	(v2sf) =	vpush v22, $0x5;
	s25 =	smul.u32 $0x66666667, s0  }
0xf4: {  	v20 =	vld [tilespmem:$0x5F40];
	s24 =	smulhi.u32 $0x66666667, s4;
	s0 =	sshra.s32 s4, $0x1F  }
0xf5: {  	s5 =	spop (v2sf);
	(v2sf) =	vpush v22, $0x6;
	s26 =	smul.u32 $0x66666667, s0  }
0xf6: {  	s28 =	smulhi.u32 $0x66666667, s5;
	s0 =	sshra.s32 s5, $0x1F;
	(v2sf) =	vpush v22, $0x7  }
0xf7: {  	s6 =	spop (v2sf);
	s30 =	smul.u32 $0x66666667, s0  }
0xf8: {  	s29 =	smulhi.u32 $0x66666667, s6;
	s0 =	sshra.s32 s6, $0x1F  }
0xf9: {  	s7 =	spop (v2sf);
	(v2sf) =	vpush v20, $0xD;
	s0 =	smul.u32 $0x66666667, s0  }
0xfa: {  	s31 =	smulhi.u32 $0x66666667, s7;
	s8 =	spop (v2sf)  }
0xfb: {  	s9 =	smulhi.u32 $0x66666667, s8;
	s10 =	spop (v2sf)  }
0xfc: {  	(v2sf) =	vpush v20, $0xC;
	[smem:$0x767] =	sst s0;
	s0 =	sshra.s32 s7, $0x1F;
	s11 =	smulhi.u32 $0x66666667, s10  }
0xfd: {  	s20 =	smul.u32 $0x66666667, s0;
	s0 =	sshra.s32 s8, $0x1F  }
0xfe: {  	[smem:$0x768] =	sst s9;
	s8 =	smul.u32 $0x66666667, s0;
	s0 =	sshra.s32 s10, $0x1F  }
0xff: {  	(v2sf) =	vpush v20, $0xE;
	s10 =	smul.u32 $0x66666667, s0;
	s12 =	spop (v2sf)  }
0x100: {  	[smem:$0x769] =	sst s11;
	s2 =	smulhi.u32 $0x66666667, s12;
	s0 =	sshra.s32 s12, $0x1F  }
0x101: {  	s3 =	spop (v2sf);
	s9 =	smul.u32 $0x66666667, s0  }
0x102: {  	(v2sf) =	vpush v20, $0xF;
	s4 =	smulhi.u32 $0x66666667, s3;
	s0 =	sshra.s32 s3, $0x1F;
	s5 =	spop (v2sf)  }
0x103: {  	[smem:$0x76A] =	sst s2;
	s7 =	smul.u32 $0x66666667, s0  }
0x104: {  	(v2sf) =	vpush v20, $0x9;
	s6 =	smulhi.u32 $0x66666667, s5;
	s11 =	spop (v2sf)  }
0x105: {  	s0 =	sshra.s32 s5, $0x1F;
	s12 =	smulhi.u32 $0x66666667, s11;
	s2 =	spop (v2sf)  }
0x106: {  	(v2sf) =	vpush v20, $0x8;
	[smem:$0x76C] =	sst s6;
	s6 =	smul.u32 $0x66666667, s0  }
0x107: {  	[smem:$0x76B] =	sst s4;
	s0 =	sshra.s32 s11, $0x1F;
	s3 =	smulhi.u32 $0x66666667, s2  }
0x108: {  	s4 =	spop (v2sf);
	s5 =	smul.u32 $0x66666667, s0;
	s0 =	sshra.s32 s2, $0x1F  }
0x109: {  	(v2sf) =	vpush v20, $0xA;
	[smem:$0x76E] =	sst s3;
	s3 =	smul.u32 $0x66666667, s0;
	s0 =	sshra.s32 s4, $0x1F  }
0x10a: {  	[smem:$0x76D] =	sst s12;
	s0 =	smul.u32 $0x66666667, s0  }
0x10b: {  	s11 =	smulhi.u32 $0x66666667, s4;
	s12 =	spop (v2sf)  }
0x10c: {  	s2 =	smulhi.u32 $0x66666667, s12;
	[smem:$0x770] =	sst s0;
	s0 =	sshra.s32 s12, $0x1F  }
0x10d: {  	s0 =	smul.u32 $0x66666667, s0  }
0x10e: {  	(v2sf) =	vpush v20, $0xB;
	s4 =	spop (v2sf);
	[smem:$0x76F] =	sst s11  }
0x10f: {  	(v2sf) =	vpush v20, $0x0;
	s11 =	smulhi.u32 $0x66666667, s4;
	[smem:$0x772] =	sst s0;
	s0 =	sshra.s32 s4, $0x1F  }
0x110: {  	s0 =	smul.u32 $0x66666667, s0  }
0x111: {  	[smem:$0x771] =	sst s2;
	s12 =	spop (v2sf)  }
0x112: {  	(v2sf) =	vpush v20, $0x1;
	[smem:$0x774] =	sst s0;
	s2 =	smulhi.u32 $0x66666667, s12;
	s0 =	sshra.s32 s12, $0x1F  }
0x113: {  	s4 =	spop (v2sf);
	s0 =	smul.u32 $0x66666667, s0  }
0x114: {  	(v2sf) =	vpush v20, $0x2;
	[smem:$0x773] =	sst s11;
	s11 =	smulhi.u32 $0x66666667, s4  }
0x115: {  	s12 =	spop (v2sf);
	[smem:$0x775] =	sst s2  }
0x116: {  	(v2sf) =	vpush v20, $0x3;
	s2 =	smulhi.u32 $0x66666667, s12;
	[smem:$0x776] =	sst s0;
	s0 =	sshra.s32 s4, $0x1F  }
0x117: {  	s0 =	smul.u32 $0x66666667, s0  }
0x118: {  	[smem:$0x777] =	sst s11;
	s4 =	spop (v2sf)  }
0x119: {  	(v2sf) =	vpush v20, $0x4;
	s11 =	smulhi.u32 $0x66666667, s4;
	[smem:$0x778] =	sst s0;
	s0 =	sshra.s32 s12, $0x1F  }
0x11a: {  	[smem:$0x779] =	sst s2;
	s0 =	smul.u32 $0x66666667, s0  }
0x11b: {  	[smem:$0x77B] =	sst s11  }
0x11c: {  	s15 =	smulhi.u32 $0x66666667, s1;
	[smem:$0x77A] =	sst s0;
	s0 =	sshra.s32 s4, $0x1F  }
0x11d: {  	(v2sf) =	vpush v20, $0x5;
	s12 =	spop (v2sf);
	s0 =	smul.u32 $0x66666667, s0  }
0x11e: {  	s2 =	smulhi.u32 $0x66666667, s12;
	s4 =	spop (v2sf)  }
0x11f: {  	s11 =	smulhi.u32 $0x66666667, s4;
	[smem:$0x77C] =	sst s0;
	s0 =	sshra.s32 s12, $0x1F  }
0x120: {  	[smem:$0x77D] =	sst s2;
	s0 =	smul.u32 $0x66666667, s0  }
0x121: {  	(v2sf) =	vpush v20, $0x6;
	[smem:$0x77F] =	sst s11;
	s12 =	spop (v2sf)  }
0x122: {  	s2 =	smulhi.u32 $0x66666667, s12;
	[smem:$0x77E] =	sst s0;
	s0 =	sshra.s32 s4, $0x1F  }
0x123: {  	s11 =	spop (v2sf);
	s4 =	smul.u32 $0x66666667, s0  }
0x124: {  	v21 =	vld [tilespmem:$0x5F50];
	[smem:$0x780] =	sst s2;
	s0 =	sshra.s32 s12, $0x1F;
	s12 =	smulhi.u32 $0x66666667, s11  }
0x125: {  	(v2sf) =	vpush v20, $0x7;
	s2 =	smul.u32 $0x66666667, s0;
	s0 =	sshra.s32 s11, $0x1F;
	s11 =	spop (v2sf)  }
0x126: {  	[smem:$0x781] =	sst s12;
	s12 =	smulhi.u32 $0x66666667, s11  }
0x127: {  	s1 =	smul.u32 $0x66666667, s0  }
0x128: {  	[smem:$0x782] =	sst s12;
	s12 =	spop (v2sf)  }
0x129: {  	(v2sf) =	vpush v21, $0xD;
	s0 =	sshra.s32 s11, $0x1F;
	s11 =	smulhi.u32 $0x66666667, s12;
	s12 =	sshra.s32 s12, $0x1F  }
0x12a: {  	s12 =	smul.u32 $0x66666667, s12;
	_ =	sdelay $0x1  }
0x12b: {  	[smem:$0x784] =	sst s12;
	s12 =	spop (v2sf)  }
0x12c: {  	[smem:$0x783] =	sst s11;
	s11 =	smulhi.u32 $0x66666667, s12;
	s12 =	sshra.s32 s12, $0x1F  }
0x12d: {  	(v2sf) =	vpush v21, $0xC;
	s12 =	smul.u32 $0x66666667, s12;
	_ =	sdelay $0x1  }
0x12e: {  	[smem:$0x786] =	sst s12;
	s12 =	spop (v2sf)  }
0x12f: {  	[smem:$0x785] =	sst s11;
	s11 =	smulhi.u32 $0x66666667, s12;
	s12 =	sshra.s32 s12, $0x1F  }
0x130: {  	(v2sf) =	vpush v21, $0xE;
	s12 =	smul.u32 $0x66666667, s12;
	_ =	sdelay $0x1  }
0x131: {  	[smem:$0x788] =	sst s12;
	s12 =	spop (v2sf)  }
0x132: {  	[smem:$0x787] =	sst s11;
	s11 =	smulhi.u32 $0x66666667, s12;
	s12 =	sshra.s32 s12, $0x1F  }
0x133: {  	(v2sf) =	vpush v21, $0xF;
	s12 =	smul.u32 $0x66666667, s12;
	_ =	sdelay $0x1  }
0x134: {  	(v2sf) =	vpush v21, $0x9;
	[smem:$0x78A] =	sst s12;
	s12 =	spop (v2sf)  }
0x135: {  	(v2sf) =	vpush v21, $0x8;
	[smem:$0x789] =	sst s11;
	s11 =	smulhi.u32 $0x66666667, s12;
	s12 =	sshra.s32 s12, $0x1F  }
0x136: {  	(v2sf) =	vpush v21, $0xA;
	s12 =	smul.u32 $0x66666667, s12  }
0x137: {  	(v2sf) =	vpush v21, $0xB;
	[smem:$0x78B] =	sst s11  }
0x138: {  	(v2sf) =	vpush v21, $0x0;
	[smem:$0x78C] =	sst s12  }
0x139: {  	s12 =	spop (v2sf)  }
0x13a: {  	s11 =	smulhi.u32 $0x66666667, s12;
	s12 =	sshra.s32 s12, $0x1F  }
0x13b: {  	s12 =	smul.u32 $0x66666667, s12;
	_ =	sdelay $0x1  }
0x13c: {  	[smem:$0x78E] =	sst s12;
	s12 =	spop (v2sf)  }
0x13d: {  	[smem:$0x78D] =	sst s11;
	s11 =	smulhi.u32 $0x66666667, s12;
	s12 =	sshra.s32 s12, $0x1F  }
0x13e: {  	s12 =	smul.u32 $0x66666667, s12;
	_ =	sdelay $0x1  }
0x13f: {  	[smem:$0x790] =	sst s12;
	s12 =	spop (v2sf)  }
0x140: {  	[smem:$0x78F] =	sst s11;
	s11 =	smulhi.u32 $0x66666667, s12;
	s12 =	sshra.s32 s12, $0x1F  }
0x141: {  	s12 =	smul.u32 $0x66666667, s12;
	_ =	sdelay $0x1  }
0x142: {  	[smem:$0x792] =	sst s12;
	s12 =	spop (v2sf)  }
0x143: {  	[smem:$0x791] =	sst s11;
	s11 =	smulhi.u32 $0x66666667, s12;
	s12 =	sshra.s32 s12, $0x1F  }
0x144: {  	s12 =	smul.u32 $0x66666667, s12;
	_ =	sdelay $0x1  }
0x145: {  	[smem:$0x794] =	sst s12;
	s12 =	spop (v2sf)  }
0x146: {  	(v2sf) =	vpush v21, $0x1;
	[smem:$0x793] =	sst s11;
	s11 =	smulhi.u32 $0x66666667, s12;
	s12 =	sshra.s32 s12, $0x1F  }
0x147: {  	s12 =	smul.u32 $0x66666667, s12;
	_ =	sdelay $0x1  }
0x148: {  	[smem:$0x796] =	sst s12;
	s12 =	spop (v2sf)  }
0x149: {  	(v2sf) =	vpush v21, $0x2;
	[smem:$0x795] =	sst s11;
	s11 =	smulhi.u32 $0x66666667, s12;
	s12 =	sshra.s32 s12, $0x1F  }
0x14a: {  	s12 =	smul.u32 $0x66666667, s12;
	_ =	sdelay $0x1  }
0x14b: {  	[smem:$0x798] =	sst s12;
	s12 =	spop (v2sf)  }
0x14c: {  	(v2sf) =	vpush v21, $0x3;
	[smem:$0x797] =	sst s11;
	s11 =	smulhi.u32 $0x66666667, s12;
	s12 =	sshra.s32 s12, $0x1F  }
0x14d: {  	s12 =	smul.u32 $0x66666667, s12;
	_ =	sdelay $0x1  }
0x14e: {  	s13 =	sadd.s32 s17, s13;
	[smem:$0x79A] =	sst s12;
	s12 =	spop (v2sf)  }
0x14f: {  	(v2sf) =	vpush v21, $0x4;
	[smem:$0x799] =	sst s11;
	s11 =	smulhi.u32 $0x66666667, s12;
	s12 =	sshra.s32 s12, $0x1F  }
0x150: {  	s21 =	sadd.s32 s21, s15;
	[smem:$0x7BC] =	sst s13;
	s12 =	smul.u32 $0x66666667, s12  }
0x151: {  	[smem:$0x7BD] =	sst s21  }
0x152: {  	s23 =	sadd.s32 s23, s18;
	[smem:$0x79C] =	sst s12;
	s12 =	spop (v2sf)  }
0x153: {  	[smem:$0x79B] =	sst s11;
	s11 =	smulhi.u32 $0x66666667, s12;
	s12 =	sshra.s32 s12, $0x1F  }
0x154: {  	s18 =	sadd.s32 s25, s22;
	[smem:$0x7BF] =	sst s23;
	s12 =	smul.u32 $0x66666667, s12  }
0x155: {  	[smem:$0x7C1] =	sst s18;
	(v2sf) =	vpush v21, $0x5  }
0x156: {  	s22 =	sadd.s32 s26, s24;
	v19 =	vld [tilespmem:$0x5F60];
	(v2sf) =	vpush v21, $0x6;
	[smem:$0x79E] =	sst s12;
	s12 =	spop (v2sf)  }
0x157: {  	[smem:$0x79D] =	sst s11;
	s11 =	smulhi.u32 $0x66666667, s12;
	s12 =	sshra.s32 s12, $0x1F  }
0x158: {  	s26 =	sadd.s32 s30, s28;
	[smem:$0x7C3] =	sst s22;
	(v2sf) =	vpush v21, $0x7;
	s12 =	smul.u32 $0x66666667, s12  }
0x159: {  	[smem:$0x7C4] =	sst s26  }
0x15a: {  	[smem:$0x7A0] =	sst s12;
	s12 =	spop (v2sf)  }
0x15b: {  	(v2sf) =	vpush v19, $0xD;
	[smem:$0x79F] =	sst s11;
	s11 =	smulhi.u32 $0x66666667, s12;
	s12 =	sshra.s32 s12, $0x1F  }
0x15c: {  	s30 =	sld [smem:$0x767];
	s12 =	smul.u32 $0x66666667, s12  }
0x15d: {  	s26 =	sld [smem:$0x769]  }
0x15e: {  	[smem:$0x7A2] =	sst s12;
	s12 =	spop (v2sf)  }
0x15f: {  	[smem:$0x7A1] =	sst s11;
	s11 =	smulhi.u32 $0x66666667, s12  }
0x160: {  	s10 =	sadd.s32 s10, s26;
	s26 =	sld [smem:$0x76F]  }
0x161: {  	s12 =	sshra.s32 s12, $0x1F;
	[smem:$0x7A3] =	sst s11  }
0x162: {  	(v2sf) =	vpush v19, $0xC;
	s12 =	smul.u32 $0x66666667, s12;
	s11 =	sld [smem:$0x766]  }
0x163: {  	[smem:$0x7C5] =	sst s10  }
0x164: {  	[smem:$0x7A4] =	sst s12;
	s12 =	spop (v2sf)  }
0x165: {  	s17 =	spop (v2sf);
	s11 =	sadd.s32 s14, s11;
	s14 =	smulhi.u32 $0x66666667, s12  }
0x166: {  	s12 =	sshra.s32 s12, $0x1F;
	s15 =	smulhi.u32 $0x66666667, s17;
	[smem:$0x7BB] =	sst s11  }
0x167: {  	s13 =	smul.u32 $0x66666667, s12;
	s12 =	sshra.s32 s17, $0x1F;
	s17 =	spop (v2sf)  }
0x168: {  	s11 =	sadd.s32 s30, s29;
	s30 =	sld [smem:$0x76B];
	s21 =	smulhi.u32 $0x66666667, s17  }
0x169: {  	s23 =	smul.u32 $0x66666667, s12;
	[smem:$0x7C6] =	sst s11  }
0x16a: {  	s12 =	sshra.s32 s17, $0x1F;
	s25 =	spop (v2sf);
	[smem:$0x7A5] =	sst s21  }
0x16b: {  	s24 =	smul.u32 $0x66666667, s12;
	s21 =	sadd.s32 s20, s31;
	s20 =	sld [smem:$0x76D]  }
0x16c: {  	(v2sf) =	vpush v19, $0xE;
	s13 =	sadd.s32 s13, s14;
	s7 =	sadd.s32 s7, s30;
	s30 =	sld [smem:$0x771]  }
0x16d: {  	(v2sf) =	vpush v19, $0xF;
	s28 =	smulhi.u32 $0x66666667, s25;
	[smem:$0x7E9] =	sst s13  }
0x16e: {  	[smem:$0x7A6] =	sst s24  }
0x16f: {  	(v2sf) =	vpush v19, $0x9;
	[smem:$0x7A7] =	sst s28  }
0x170: {  	[smem:$0x7C0] =	sst s21  }
0x171: {  	s12 =	sshra.s32 s25, $0x1F;
	s18 =	spop (v2sf);
	s24 =	sld [smem:$0x768]  }
0x172: {  	s17 =	smul.u32 $0x66666667, s12;
	s28 =	sld [smem:$0x76A]  }
0x173: {  	s22 =	smulhi.u32 $0x66666667, s18;
	[smem:$0x7C8] =	sst s7  }
0x174: {  	[smem:$0x7A8] =	sst s17  }
0x175: {  	[smem:$0x7A9] =	sst s22  }
0x176: {  	s17 =	sld [smem:$0x76C]  }
0x177: {  	s22 =	sld [smem:$0x76E]  }
0x178: {  	s5 =	sadd.s32 s5, s20;
	s20 =	sld [smem:$0x774]  }
0x179: {  	[smem:$0x7CA] =	sst s5  }
0x17a: {  	s8 =	sadd.s32 s8, s24;
	s9 =	sadd.s32 s9, s28;
	s28 =	sld [smem:$0x770]  }
0x17b: {  	(v2sf) =	vpush v19, $0x8;
	s25 =	spop (v2sf);
	[smem:$0x7C2] =	sst s8  }
0x17c: {  	s12 =	sshra.s32 s18, $0x1F;
	s29 =	spop (v2sf);
	[smem:$0x7C7] =	sst s9  }
0x17d: {  	s6 =	sadd.s32 s6, s17;
	s3 =	sadd.s32 s3, s22;
	s22 =	sld [smem:$0x775]  }
0x17e: {  	(v2sf) =	vpush v19, $0xA;
	s8 =	sshra.s32 s25, $0x1F;
	s18 =	spop (v2sf);
	[smem:$0x7C9] =	sst s6  }
0x17f: {  	s31 =	sshra.s32 s29, $0x1F;
	s10 =	smul.u32 $0x66666667, s8;
	[smem:$0x7BE] =	sst s3  }
0x180: {  	s8 =	smul.u32 $0x66666667, s31;
	s31 =	sld [smem:$0x772]  }
0x181: {  	s7 =	smulhi.u32 $0x66666667, s18;
	s21 =	sshra.s32 s18, $0x1F;
	s18 =	sld [smem:$0x773]  }
0x182: {  	s5 =	sadd.s32 s28, s26;
	s26 =	sld [smem:$0x777]  }
0x183: {  	s24 =	smul.u32 $0x66666667, s21;
	s28 =	sld [smem:$0x778]  }
0x184: {  	(v2sf) =	vpush v19, $0xB;
	[smem:$0x7CB] =	sst s5  }
0x185: {  	[smem:$0x7AA] =	sst s24  }
0x186: {  	s24 =	sld [smem:$0x776]  }
0x187: {  	s5 =	sadd.s32 s31, s30;
	s30 =	sld [smem:$0x779]  }
0x188: {  	s11 =	smulhi.u32 $0x66666667, s25;
	s31 =	sld [smem:$0x77A]  }
0x189: {  	(v2sf) =	vpush v19, $0x0;
	s9 =	smulhi.u32 $0x66666667, s29;
	[smem:$0x7CC] =	sst s5  }
0x18a: {  	s25 =	spop (v2sf);
	s5 =	sadd.s32 s20, s18;
	s18 =	sld [smem:$0x77B]  }
0x18b: {  	s29 =	smulhi.u32 $0x66666667, s25;
	s20 =	sld [smem:$0x77C]  }
0x18c: {  	[smem:$0x7CD] =	sst s5  }
0x18d: {  	s3 =	sshra.s32 s25, $0x1F;
	s17 =	spop (v2sf);
	[smem:$0x7AB] =	sst s29  }
0x18e: {  	s3 =	smul.u32 $0x66666667, s3;
	s5 =	sadd.s32 s24, s22;
	s22 =	sld [smem:$0x77D]  }
0x18f: {  	s21 =	smulhi.u32 $0x66666667, s17;
	s24 =	sld [smem:$0x77E]  }
0x190: {  	[smem:$0x7AC] =	sst s3  }
0x191: {  	(v2sf) =	vpush v19, $0x1;
	[smem:$0x7AD] =	sst s21  }
0x192: {  	[smem:$0x7CE] =	sst s5  }
0x193: {  	s25 =	spop (v2sf);
	s5 =	sadd.s32 s28, s26;
	s26 =	sld [smem:$0x77F]  }
0x194: {  	s29 =	smulhi.u32 $0x66666667, s25;
	[smem:$0x7CF] =	sst s5  }
0x195: {  	s5 =	sadd.s32 s31, s30;
	s31 =	sld [smem:$0x781]  }
0x196: {  	s3 =	sshra.s32 s17, $0x1F;
	[smem:$0x7AF] =	sst s29  }
0x197: {  	(v2sf) =	vpush v19, $0x2;
	s3 =	smul.u32 $0x66666667, s3;
	[smem:$0x7D1] =	sst s5  }
0x198: {  	s17 =	spop (v2sf);
	s29 =	sld [smem:$0x780]  }
0x199: {  	(v2sf) =	vpush v19, $0x3;
	s21 =	smulhi.u32 $0x66666667, s17;
	s5 =	sadd.s32 s20, s18;
	[smem:$0x7AE] =	sst s3  }
0x19a: {  	[smem:$0x7D3] =	sst s5  }
0x19b: {  	[smem:$0x7B1] =	sst s21  }
0x19c: {  	s21 =	sld [smem:$0x783]  }
0x19d: {  	s5 =	sadd.s32 s24, s22;
	s22 =	sld [smem:$0x784]  }
0x19e: {  	s4 =	sadd.s32 s4, s26;
	s26 =	sld [smem:$0x786]  }
0x19f: {  	s3 =	sshra.s32 s25, $0x1F;
	[smem:$0x7D5] =	sst s5  }
0x1a0: {  	s25 =	spop (v2sf);
	[smem:$0x7D2] =	sst s4;
	s1 =	sadd.s32 s1, s31  }
0x1a1: {  	(v2sf) =	vpush v19, $0x4;
	s3 =	smul.u32 $0x66666667, s3;
	[smem:$0x7D6] =	sst s1  }
0x1a2: {  	s28 =	smulhi.u32 $0x66666667, s25;
	s2 =	sadd.s32 s2, s29;
	s29 =	sld [smem:$0x787]  }
0x1a3: {  	[smem:$0x7B0] =	sst s3  }
0x1a4: {  	[smem:$0x7B2] =	sst s28  }
0x1a5: {  	[smem:$0x7D4] =	sst s2  }
0x1a6: {  	s30 =	spop (v2sf);
	s3 =	sshra.s32 s17, $0x1F;
	s17 =	sld [smem:$0x782]  }
0x1a7: {  	s5 =	sshra.s32 s30, $0x1F;
	s2 =	sld [smem:$0x789]  }
0x1a8: {  	s20 =	spop (v2sf);
	s1 =	sadd.s32 s22, s21;
	s21 =	sld [smem:$0x78D]  }
0x1a9: {  	s18 =	smul.u32 $0x66666667, s5;
	s22 =	sld [smem:$0x78E]  }
0x1aa: {  	s24 =	smulhi.u32 $0x66666667, s20;
	[smem:$0x7D8] =	sst s1  }
0x1ab: {  	(v2sf) =	vpush v19, $0x5;
	s6 =	smul.u32 $0x66666667, s3;
	s3 =	sshra.s32 s25, $0x1F;
	s25 =	sld [smem:$0x785]  }
0x1ac: {  	s0 =	smul.u32 $0x66666667, s0;
	[smem:$0x7B4] =	sst s18  }
0x1ad: {  	s4 =	smul.u32 $0x66666667, s3;
	[smem:$0x7B5] =	sst s24  }
0x1ae: {  	s3 =	smulhi.u32 $0x66666667, s30;
	s30 =	sld [smem:$0x788]  }
0x1af: {  	s18 =	sld [smem:$0x78C]  }
0x1b0: {  	s28 =	spop (v2sf);
	s0 =	sadd.s32 s0, s17;
	s17 =	sld [smem:$0x78B]  }
0x1b1: {  	(v2sf) =	vpush v19, $0x6;
	s31 =	smulhi.u32 $0x66666667, s28;
	[smem:$0x7B3] =	sst s3  }
0x1b2: {  	[smem:$0x7D7] =	sst s0  }
0x1b3: {  	[smem:$0x7B7] =	sst s31  }
0x1b4: {  	s3 =	sld [smem:$0x78A]  }
0x1b5: {  	s1 =	sadd.s32 s26, s25;
	s25 =	sld [smem:$0x78F]  }
0x1b6: {  	v18 =	vld [tilespmem:$0x5F70];
	s26 =	sld [smem:$0x790]  }
0x1b7: {  	[smem:$0x7D9] =	sst s1  }
0x1b8: {  	s0 =	sshra.s32 s20, $0x1F;
	s1 =	sadd.s32 s30, s29;
	s29 =	sld [smem:$0x791]  }
0x1b9: {  	s0 =	smul.u32 $0x66666667, s0;
	s30 =	sld [smem:$0x792]  }
0x1ba: {  	(v2sf) =	vpush v19, $0x7;
	s5 =	spop (v2sf);
	[smem:$0x7DA] =	sst s1  }
0x1bb: {  	(v2sf) =	vpush v18, $0xD;
	s20 =	smulhi.u32 $0x66666667, s5;
	[smem:$0x7B6] =	sst s0;
	s1 =	sadd.s32 s3, s2  }
0x1bc: {  	[smem:$0x7D0] =	sst s1  }
0x1bd: {  	[smem:$0x7B9] =	sst s20  }
0x1be: {  	s1 =	sadd.s32 s18, s17;
	s17 =	sld [smem:$0x794]  }
0x1bf: {  	(v2sf) =	vpush v18, $0xC;
	s18 =	sld [smem:$0x795]  }
0x1c0: {  	s24 =	spop (v2sf);
	s2 =	sadd.s32 s23, s15;
	s20 =	sld [smem:$0x796]  }
0x1c1: {  	s0 =	sshra.s32 s28, $0x1F;
	s28 =	smulhi.u32 $0x66666667, s24;
	[smem:$0x7EA] =	sst s2  }
0x1c2: {  	[smem:$0x7DB] =	sst s1  }
0x1c3: {  	[smem:$0x7BA] =	sst s28  }
0x1c4: {  	s0 =	smul.u32 $0x66666667, s0;
	s1 =	sadd.s32 s22, s21;
	s22 =	sld [smem:$0x797]  }
0x1c5: {  	s28 =	sld [smem:$0x79A]  }
0x1c6: {  	[smem:$0x7B8] =	sst s0  }
0x1c7: {  	[smem:$0x7DC] =	sst s1  }
0x1c8: {  	s0 =	sshra.s32 s5, $0x1F;
	s5 =	sld [smem:$0x793]  }
0x1c9: {  	s3 =	spop (v2sf);
	s1 =	sadd.s32 s26, s25;
	s25 =	sld [smem:$0x798]  }
0x1ca: {  	s21 =	spop (v2sf);
	s26 =	sld [smem:$0x799]  }
0x1cb: {  	s31 =	smul.u32 $0x66666667, s0;
	[smem:$0x7DD] =	sst s1;
	s1 =	sadd.s32 s30, s29  }
0x1cc: {  	s0 =	sshra.s32 s24, $0x1F;
	s30 =	smulhi.u32 $0x66666667, s3;
	[smem:$0x7DE] =	sst s1  }
0x1cd: {  	(v2sf) =	vpush v18, $0xE;
	s29 =	smul.u32 $0x66666667, s0;
	s1 =	sadd.s32 s17, s5;
	s5 =	sld [smem:$0x79B]  }
0x1ce: {  	s0 =	sshra.s32 s3, $0x1F;
	s3 =	spop (v2sf);
	s17 =	sld [smem:$0x79C]  }
0x1cf: {  	(v2sf) =	vpush v18, $0xF;
	s24 =	smul.u32 $0x66666667, s0;
	[smem:$0x7DF] =	sst s1  }
0x1d0: {  	(v2sf) =	vpush v18, $0x9;
	s0 =	sshra.s32 s21, $0x1F;
	s1 =	sadd.s32 s20, s18;
	s18 =	sld [smem:$0x79D]  }
0x1d1: {  	(v2sf) =	vpush v18, $0x8;
	s20 =	smul.u32 $0x66666667, s0;
	[smem:$0x7E1] =	sst s1  }
0x1d2: {  	s1 =	sadd.s32 s25, s22;
	s25 =	smulhi.u32 $0x66666667, s21;
	s21 =	sld [smem:$0x79E]  }
0x1d3: {  	s0 =	sshra.s32 s3, $0x1F;
	s30 =	sadd.s32 s24, s30;
	[smem:$0x7E3] =	sst s1  }
0x1d4: {  	s1 =	sadd.s32 s28, s26;
	s26 =	smulhi.u32 $0x66666667, s3;
	s3 =	sld [smem:$0x79F]  }
0x1d5: {  	[smem:$0x7F4] =	sst s30  }
0x1d6: {  	[smem:$0x7E5] =	sst s1  }
0x1d7: {  	s1 =	sadd.s32 s17, s5;
	s5 =	sld [smem:$0x7A0]  }
0x1d8: {  	s17 =	sld [smem:$0x7A1]  }
0x1d9: {  	s28 =	smul.u32 $0x66666667, s0;
	[smem:$0x7E2] =	sst s1  }
0x1da: {  	s25 =	sadd.s32 s20, s25;
	s1 =	sadd.s32 s21, s18;
	s21 =	sld [smem:$0x7A2]  }
0x1db: {  	[dreg:$0x1e] =	wrdreg s25  }
0x1dc: {  	s22 =	spop (v2sf);
	s28 =	sadd.s32 s28, s26;
	[smem:$0x7E4] =	sst s1  }
0x1dd: {  	s0 =	sshra.s32 s22, $0x1F;
	s18 =	smulhi.u32 $0x66666667, s22;
	[dreg:$0x1d] =	wrdreg s28  }
0x1de: {  	(v2sf) =	vpush v18, $0xA;
	s22 =	spop (v2sf);
	s1 =	sadd.s32 s5, s3;
	s3 =	sld [smem:$0x7A3]  }
0x1df: {  	s14 =	spop (v2sf);
	s5 =	sld [smem:$0x7A4]  }
0x1e0: {  	s23 =	smulhi.u32 $0x66666667, s14;
	s13 =	spop (v2sf)  }
0x1e1: {  	(v2sf) =	vpush v18, $0xB;
	[smem:$0x7E6] =	sst s1;
	s1 =	sadd.s32 s21, s17;
	s17 =	smul.u32 $0x66666667, s0  }
0x1e2: {  	s21 =	smulhi.u32 $0x66666667, s22;
	s0 =	sshra.s32 s22, $0x1F;
	[smem:$0x7E7] =	sst s1  }
0x1e3: {  	s22 =	smul.u32 $0x66666667, s0;
	s1 =	sadd.s32 s5, s3;
	s3 =	sld [smem:$0x7A5]  }
0x1e4: {  	s0 =	sshra.s32 s14, $0x1F;
	s14 =	smulhi.u32 $0x66666667, s13;
	s5 =	sld [smem:$0x7A6]  }
0x1e5: {  	s15 =	smul.u32 $0x66666667, s0;
	s0 =	sshra.s32 s13, $0x1F;
	s13 =	sld [smem:$0x7A9]  }
0x1e6: {  	(v2sf) =	vpush v18, $0x0;
	[smem:$0x7E8] =	sst s1  }
0x1e7: {  	s1 =	sadd.s32 s5, s3;
	s3 =	sld [smem:$0x7A7]  }
0x1e8: {  	s28 =	sadd.s32 s15, s23;
	s5 =	sld [smem:$0x7A8]  }
0x1e9: {  	[dreg:$0x1b] =	wrdreg s28  }
0x1ea: {  	[smem:$0x7E0] =	sst s1  }
0x1eb: {  	s1 =	sadd.s32 s5, s3;
	s3 =	sadd.s32 s10, s11;
	s11 =	sld [smem:$0x7AA]  }
0x1ec: {  	s12 =	smul.u32 $0x66666667, s12;
	(v2sf) =	vpush v18, $0x1;
	[smem:$0x7EB] =	sst s1  }
0x1ed: {  	s2 =	spop (v2sf);
	s5 =	sadd.s32 s8, s9;
	[smem:$0x7ED] =	sst s3  }
0x1ee: {  	s1 =	sadd.s32 s12, s13;
	s13 =	smul.u32 $0x66666667, s0;
	[smem:$0x7EE] =	sst s5  }
0x1ef: {  	s12 =	smulhi.u32 $0x66666667, s2;
	s0 =	sshra.s32 s2, $0x1F;
	s2 =	sld [smem:$0x7AB]  }
0x1f0: {  	s8 =	spop (v2sf);
	s3 =	sld [smem:$0x7AC]  }
0x1f1: {  	s10 =	smulhi.u32 $0x66666667, s8;
	[smem:$0x7EC] =	sst s1  }
0x1f2: {  	s9 =	smul.u32 $0x66666667, s0;
	s0 =	sshra.s32 s8, $0x1F;
	s8 =	sld [smem:$0x7AD]  }
0x1f3: {  	s1 =	sadd.s32 s11, s7;
	s11 =	sld [smem:$0x7AE]  }
0x1f4: {  	[smem:$0x7EF] =	sst s1  }
0x1f5: {  	s5 =	spop (v2sf);
	s1 =	sadd.s32 s3, s2;
	s3 =	sld [smem:$0x7AF]  }
0x1f6: {  	s7 =	smul.u32 $0x66666667, s0;
	s2 =	sld [smem:$0x7B1]  }
0x1f7: {  	s0 =	sshra.s32 s5, $0x1F;
	s9 =	sadd.s32 s9, s12;
	[smem:$0x7F0] =	sst s1  }
0x1f8: {  	(v2sf) =	vpush v18, $0x2;
	s1 =	sadd.s32 s11, s8;
	s8 =	smulhi.u32 $0x66666667, s5;
	s5 =	sld [smem:$0x7B0]  }
0x1f9: {  	[dreg:$0x1a] =	wrdreg s9  }
0x1fa: {  	[smem:$0x7F1] =	sst s1  }
0x1fb: {  	s11 =	spop (v2sf);
	s1 =	sadd.s32 s5, s3;
	s3 =	sld [smem:$0x7B2]  }
0x1fc: {  	(v2sf) =	vpush v18, $0x3;
	s5 =	smul.u32 $0x66666667, s0;
	s0 =	sshra.s32 s11, $0x1F;
	[smem:$0x7F2] =	sst s1  }
0x1fd: {  	s1 =	sadd.s32 s6, s2;
	s6 =	smulhi.u32 $0x66666667, s11;
	s11 =	sld [smem:$0x7B4]  }
0x1fe: {  	[smem:$0x7F3] =	sst s1  }
0x1ff: {  	s1 =	sadd.s32 s4, s3;
	s4 =	sld [smem:$0x7B3]  }
0x200: {  	s2 =	sld [smem:$0x7B5]  }
0x201: {  	(v2sf) =	vpush v18, $0x4;
	[smem:$0x7F5] =	sst s1  }
0x202: {  	s7 =	sadd.s32 s7, s10;
	s1 =	sadd.s32 s11, s4;
	s11 =	sld [smem:$0x7B6]  }
0x203: {  	(v2sf) =	vpush v18, $0x5;
	[dreg:$0x18] =	wrdreg s7  }
0x204: {  	v23 =	vld [tilespmem:$0x5F80];
	[smem:$0x7F6] =	sst s1  }
0x205: {  	(v2sf) =	vpush v18, $0x6;
	s3 =	smul.u32 $0x66666667, s0;
	s1 =	sadd.s32 s11, s2;
	s2 =	sld [smem:$0x7B7]  }
0x206: {  	(v2sf) =	vpush v18, $0x7;
	s5 =	sadd.s32 s5, s8;
	s11 =	sld [smem:$0x7B8]  }
0x207: {  	s0 =	spop (v2sf);
	[dreg:$0x19] =	wrdreg s5;
	s3 =	sadd.s32 s3, s6  }
0x208: {  	s4 =	smulhi.u32 $0x66666667, s0;
	[dreg:$0x17] =	wrdreg s3  }
0x209: {  	(v2sf) =	vpush v23, $0xD;
	s0 =	sshra.s32 s0, $0x1F;
	s2 =	sadd.s32 s11, s2;
	s11 =	sld [smem:$0x7B9]  }
0x20a: {  	(v2sf) =	vpush v23, $0xC;
	[smem:$0x7F7] =	sst s1;
	s1 =	smul.u32 $0x66666667, s0  }
0x20b: {  	s0 =	spop (v2sf);
	[smem:$0x7F8] =	sst s2  }
0x20c: {  	s2 =	smulhi.u32 $0x66666667, s0;
	s0 =	sshra.s32 s0, $0x1F;
	s11 =	sadd.s32 s31, s11  }
0x20d: {  	(v2sf) =	vpush v23, $0xE;
	s0 =	smul.u32 $0x66666667, s0;
	[smem:$0x7F9] =	sst s11  }
0x20e: {  	s1 =	sadd.s32 s1, s4;
	s11 =	sld [smem:$0x7BA]  }
0x20f: {  	[dreg:$0x16] =	wrdreg s1;
	s0 =	sadd.s32 s0, s2  }
0x210: {  	s31 =	spop (v2sf);
	[dreg:$0x15] =	wrdreg s0  }
0x211: {  	s11 =	sadd.s32 s29, s11;
	s29 =	smulhi.u32 $0x66666667, s31;
	s31 =	sshra.s32 s31, $0x1F  }
0x212: {  	s26 =	sadd.s32 s22, s21;
	s24 =	smul.u32 $0x66666667, s31;
	s31 =	spop (v2sf)  }
0x213: {  	[dreg:$0x1f] =	wrdreg s11;
	s20 =	smulhi.u32 $0x66666667, s31;
	s31 =	sshra.s32 s31, $0x1F  }
0x214: {  	s30 =	spop (v2sf);
	s25 =	smul.u32 $0x66666667, s31;
	s31 =	sadd.s32 s17, s18  }
0x215: {  	s17 =	smulhi.u32 $0x66666667, s30;
	s11 =	sshra.s32 s30, $0x1F;
	s22 =	spop (v2sf)  }
0x216: {  	s28 =	sadd.s32 s24, s29;
	s24 =	sld [smem:$0x7BF];
	s18 =	smul.u32 $0x66666667, s11  }
0x217: {  	[dreg:$0x1c] =	wrdreg s31;
	s15 =	smulhi.u32 $0x66666667, s22;
	s21 =	sshra.s32 s22, $0x1F  }
0x218: {  	s31 =	sadd.s32 s13, s14;
	s30 =	spop (v2sf);
	s13 =	smul.u32 $0x66666667, s21  }
0x219: {  	s9 =	smulhi.u32 $0x66666667, s30;
	s11 =	sshra.s32 s30, $0x1F;
	s14 =	spop (v2sf)  }
0x21a: {  	s29 =	sadd.s32 s25, s20;
	s20 =	sld [smem:$0x7BC];
	s7 =	smul.u32 $0x66666667, s11  }
0x21b: {  	s25 =	sld [smem:$0x7C0];
	s21 =	smulhi.u32 $0x66666667, s14;
	s22 =	sshra.s32 s14, $0x1F  }
0x21c: {  	s8 =	spop (v2sf);
	s30 =	sadd.s32 s18, s17;
	s23 =	smul.u32 $0x66666667, s22  }
0x21d: {  	s18 =	sld [smem:$0x7BB];
	s3 =	sshra.s32 s24, $0x2;
	s10 =	smulhi.u32 $0x66666667, s8  }
0x21e: {  	s12 =	sshra.s32 s8, $0x1F;
	s11 =	sadd.s32 s13, s15;
	s22 =	sld [smem:$0x7BD]  }
0x21f: {  	s8 =	sshrl.u32 s24, $0x1F;
	s24 =	sld [smem:$0x7C5];
	s15 =	sadd.s32 s7, s9  }
0x220: {  	[dreg:$0x14] =	wrdreg s15  }
0x221: {  	s14 =	smul.u32 $0x66666667, s12;
	s17 =	sadd.s32 s23, s21;
	s15 =	sld [smem:$0x7BE]  }
0x222: {  	s9 =	sshra.s32 s25, $0x2;
	s12 =	sshrl.u32 s25, $0x1F;
	[dreg:$0x13] =	wrdreg s17  }
0x223: {  	s13 =	sshra.s32 s25, $0x1F;
	s0 =	sadd.s32 s14, s10;
	s14 =	sld [smem:$0x7C1]  }
0x224: {  	s4 =	sshrl.u32 s18, $0x1F;
	s1 =	sshra.s32 s18, $0x2;
	s17 =	sld [smem:$0x7C2]  }
0x225: {  	s7 =	sshrl.u32 s22, $0x1F;
	s2 =	sshra.s32 s22, $0x2;
	s22 =	sld [smem:$0x7C3]  }
0x226: {  	s21 =	sshrl.u32 s20, $0x1F;
	s25 =	sshra.s32 s24, $0x2;
	[dreg:$0x12] =	wrdreg s0  }
0x227: {  	vm3 =	vcmask $0x300;
	v26 =	vmov s12;
	s0 =	sshra.s32 s20, $0x2;
	s23 =	sshra.s32 s15, $0x1F;
	s10 =	sshrl.u32 s14, $0x1F  }
0x228: {  	v26 =	vnsel vm3, $0x0, v26;
	v24 =	vmov s23;
	s5 =	sshra.s32 s14, $0x2;
	s20 =	sshrl.u32 s17, $0x1F;
	s23 =	sld [smem:$0x7C4]  }
0x229: {  	v25 =	vmov s21;
	s18 =	sshra.s32 s17, $0x2;
	s21 =	sshra.s32 s17, $0x1F;
	v24 =	vsel vm3, s9, v24;
	v26 =	vsel vm2, s20, v26;
	s20 =	sld [smem:$0x7C7]  }
0x22a: {  	s14 =	sshrl.u32 s24, $0x1F;
	s17 =	sshra.s32 s24, $0x1F;
	s24 =	sld [smem:$0x7C8];
	v24 =	vsel vm11, s13, v24  }
0x22b: {  	v25 =	vsel vm2, s4, v25;
	s12 =	sshrl.u32 s22, $0x1F;
	s4 =	sshra.s32 s22, $0x2;
	v24 =	vsel vm2, s18, v24;
	s18 =	sld [smem:$0x7C6]  }
0x22c: {  	s9 =	sshrl.u32 s23, $0x1F;
	s6 =	sshra.s32 s23, $0x2;
	v24 =	vsel vm9, s21, v24;
	s21 =	sshrl.u32 s20, $0x1F  }
0x22d: {  	vm8 =	vmmov vm11;
	v25 =	vsel vm4, s7, v25;
	s22 =	sshra.s32 s20, $0x2;
	s23 =	sshra.s32 s20, $0x1F;
	s20 =	sld [smem:$0x7C9]  }
0x22e: {  	vm11 =	vcmask $0x1714;
	v27 =	vsel vm4, s25, v24;
	v24 =	vsel vm7, s8, v25;
	s25 =	sshrl.u32 s24, $0x1F;
	s7 =	sshrl.u32 s18, $0x1F;
	s8 =	sshra.s32 s18, $0x2  }
0x22f: {  	v54 =	vmov s12;
	v52 =	vsel vm4, s14, v26;
	v53 =	vsel vm11, s17, v27;
	s17 =	sshra.s32 s24, $0x2;
	s18 =	sshra.s32 s24, $0x1F;
	s24 =	sld [smem:$0x7CA]  }
0x230: {  	v25 =	vsel vm7, s21, v52;
	v27 =	vsel vm2, s10, v54;
	v26 =	vsel vm7, s22, v53  }
0x231: {  	s12 =	sld [smem:$0x7CF];
	v25 =	vsel vm14, s25, v25;
	s21 =	sshrl.u32 s20, $0x1F;
	v27 =	vsel vm4, s9, v27;
	v26 =	vsel vm5, s23, v26  }
0x232: {  	v25 =	vsel vm1, s21, v25;
	v28 =	vsel vm14, s17, v26;
	s25 =	sshrl.u32 s24, $0x1F;
	v26 =	vsel vm7, s7, v27;
	s7 =	sld [smem:$0x7CE]  }
0x233: {  	s22 =	sshra.s32 s20, $0x2;
	v25 =	vsel vm10, s25, v25;
	v55 =	vsel vm6, s18, v28;
	s25 =	sld [smem:$0x7CD]  }
0x234: {  	v29 =	vmov s4;
	s23 =	sshra.s32 s20, $0x1F;
	s20 =	sshrl.u32 s15, $0x1F;
	v27 =	vsel vm1, s22, v55;
	s22 =	sld [smem:$0x7CB]  }
0x235: {  	vm0 =	vcmask $0x2F2C;
	v29 =	vsel vm2, s5, v29;
	v25 =	vsel vm13, s20, v25;
	s20 =	sld [smem:$0x7D2]  }
0x236: {  	vm15 =	vmmov vm9;
	v29 =	vsel vm4, s6, v29;
	s6 =	sshrl.u32 s12, $0x1F;
	s17 =	sshra.s32 s24, $0x2;
	v27 =	vsel vm0, s23, v27;
	s23 =	sld [smem:$0x7CC]  }
0x237: {  	v56 =	vmov s0;
	vm9 =	vcmask $0x3734;
	s21 =	sshra.s32 s15, $0x2;
	s18 =	sshra.s32 s24, $0x1F;
	v27 =	vsel vm10, s17, v27;
	s17 =	sld [smem:$0x7D1]  }
0x238: {  	v28 =	vsel vm2, s1, v56;
	s5 =	sshrl.u32 s7, $0x1F;
	s1 =	sshra.s32 s7, $0x2;
	v27 =	vsel vm9, s18, v27;
	s18 =	sld [smem:$0x7D0]  }
0x239: {  	v28 =	vsel vm4, s2, v28;
	s14 =	sshrl.u32 s25, $0x1F;
	s2 =	sshra.s32 s25, $0x2;
	s25 =	sld [smem:$0x7D4]  }
0x23a: {  	s13 =	sshrl.u32 s22, $0x1F;
	s0 =	sshra.s32 s22, $0x2;
	s22 =	sshra.s32 s20, $0x2  }
0x23b: {  	s24 =	sshrl.u32 s23, $0x1F;
	s4 =	sshra.s32 s23, $0x2;
	s15 =	sshra.s32 s18, $0x1F  }
0x23c: {  	v27 =	vsel vm13, s21, v27;
	s21 =	sshrl.u32 s20, $0x1F;
	s23 =	sshra.s32 s20, $0x1F;
	v30 =	vmov s24;
	s24 =	sld [smem:$0x7D3];
	v57 =	vmov s15  }
0x23d: {  	v31 =	vsel vm7, s8, v29;
	s7 =	sshrl.u32 s17, $0x1F;
	s8 =	sshra.s32 s17, $0x2;
	v29 =	vsel vm3, s22, v57;
	s22 =	sld [smem:$0x7D5]  }
0x23e: {  	s17 =	sshrl.u32 s25, $0x1F;
	s20 =	sshra.s32 s25, $0x2;
	v30 =	vsel vm2, s13, v30;
	v29 =	vsel vm8, s23, v29;
	s23 =	sld [smem:$0x7D6]  }
0x23f: {  	v32 =	vmov s21;
	s21 =	sshra.s32 s25, $0x1F;
	s25 =	sld [smem:$0x7D7];
	v30 =	vsel vm4, s14, v30;
	s10 =	sshrl.u32 s24, $0x1F  }
0x240: {  	v32 =	vnsel vm3, $0x0, v32;
	v33 =	vsel vm2, s20, v29;
	v29 =	vsel vm7, s5, v30;
	s13 =	sshrl.u32 s22, $0x1F;
	s5 =	sshra.s32 s22, $0x2;
	s22 =	sld [smem:$0x7D8]  }
0x241: {  	v32 =	vsel vm2, s17, v32;
	s9 =	sshra.s32 s24, $0x2;
	v59 =	vsel vm15, s21, v33;
	s24 =	sshrl.u32 s23, $0x1F;
	s15 =	sshra.s32 s23, $0x2  }
0x242: {  	s14 =	sshrl.u32 s25, $0x1F;
	s17 =	sshra.s32 s25, $0x1F;
	s21 =	sshra.s32 s23, $0x1F;
	v58 =	vsel vm4, s24, v32;
	v32 =	vsel vm4, s15, v59  }
0x243: {  	s24 =	sshra.s32 s25, $0x2;
	s25 =	sld [smem:$0x7D9];
	s23 =	sshrl.u32 s22, $0x1F;
	v32 =	vsel vm11, s21, v32  }
0x244: {  	s20 =	sshra.s32 s22, $0x2;
	s21 =	sshra.s32 s22, $0x1F;
	s22 =	sld [smem:$0x7DA];
	v32 =	vsel vm7, s24, v32  }
0x245: {  	v28 =	vsel vm7, s3, v28;
	s15 =	sshra.s32 s18, $0x2;
	v30 =	vsel vm7, s14, v58;
	v32 =	vsel vm5, s17, v32;
	s17 =	sshrl.u32 s18, $0x1F;
	s18 =	sld [smem:$0x7E0]  }
0x246: {  	s3 =	sshra.s32 s12, $0x2;
	v60 =	vmov s7;
	v30 =	vsel vm14, s23, v30;
	s12 =	sshrl.u32 s25, $0x1F;
	v32 =	vsel vm14, s20, v32;
	s20 =	sld [smem:$0x7DB]  }
0x247: {  	v33 =	vsel vm2, s6, v60;
	v30 =	vsel vm1, s12, v30;
	s23 =	sshrl.u32 s22, $0x1F;
	v32 =	vsel vm6, s21, v32;
	s21 =	sld [smem:$0x7DC]  }
0x248: {  	v33 =	vsel vm4, s10, v33;
	s24 =	sshra.s32 s25, $0x2;
	s25 =	sshra.s32 s25, $0x1F;
	v30 =	vsel vm10, s23, v30;
	s23 =	sld [smem:$0x7DD]  }
0x249: {  	v36 =	vsel vm7, s13, v33;
	s13 =	sshra.s32 s22, $0x2;
	s12 =	sshra.s32 s22, $0x1F;
	v32 =	vsel vm1, s24, v32;
	s24 =	sld [smem:$0x7DE]  }
0x24a: {  	v61 =	vmov s4;
	v33 =	vsel vm13, s17, v30;
	s10 =	sshra.s32 s18, $0x1F;
	s17 =	sshrl.u32 s20, $0x1F;
	v32 =	vsel vm0, s25, v32;
	s25 =	sld [smem:$0x7DF]  }
0x24b: {  	v34 =	vmov s8;
	v30 =	vsel vm2, s0, v61;
	s0 =	sshra.s32 s20, $0x2;
	s20 =	sld [smem:$0x7E2];
	s22 =	sshrl.u32 s21, $0x1F  }
0x24c: {  	v34 =	vsel vm2, s3, v34;
	v30 =	vsel vm4, s2, v30;
	s6 =	sshra.s32 s21, $0x2;
	s2 =	sshrl.u32 s23, $0x1F;
	s3 =	sshra.s32 s23, $0x2  }
0x24d: {  	v63 =	vsel vm10, s13, v32;
	s13 =	sld [smem:$0x7E1];
	s14 =	sshrl.u32 s24, $0x1F;
	s4 =	sshra.s32 s24, $0x2  }
0x24e: {  	v62 =	vsel vm4, s9, v34;
	v37 =	vmov s10;
	v42 =	vsel vm7, s1, v30;
	s24 =	sld [smem:$0x7E3];
	s1 =	sshrl.u32 s25, $0x1F;
	s21 =	sshra.s32 s20, $0x2  }
0x24f: {  	v44 =	vsel vm7, s5, v62;
	s5 =	sshra.s32 s25, $0x2;
	s23 =	sshra.s32 s20, $0x1F;
	s25 =	sld [smem:$0x7E4];
	v32 =	vsel vm3, s21, v37  }
0x250: {  	v38 =	vmov s22;
	s22 =	sshrl.u32 s20, $0x1F;
	v32 =	vsel vm8, s23, v32;
	s23 =	sld [smem:$0x7E6]  }
0x251: {  	v30 =	vsel vm9, s12, v63;
	s9 =	sshrl.u32 s13, $0x1F;
	v46 =	vmov s22;
	s22 =	sld [smem:$0x7E5];
	s12 =	sshrl.u32 s24, $0x1F  }
0x252: {  	v45 =	vsel vm2, s17, v38;
	s7 =	sshra.s32 s24, $0x2;
	v34 =	vnsel vm3, $0x0, v46;
	s17 =	sshra.s32 s25, $0x2;
	s20 =	sshrl.u32 s25, $0x1F  }
0x253: {  	s21 =	sshra.s32 s25, $0x1F;
	v34 =	vsel vm2, s20, v34;
	s20 =	sld [smem:$0x7E7];
	s24 =	sshrl.u32 s23, $0x1F  }
0x254: {  	v32 =	vsel vm2, s17, v32;
	s25 =	sshra.s32 s23, $0x2;
	s17 =	sshra.s32 s23, $0x1F;
	s23 =	sld [smem:$0x7E8]  }
0x255: {  	v40 =	vsel vm13, s15, v30;
	s8 =	sshra.s32 s13, $0x2;
	v30 =	vsel vm4, s2, v45;
	s2 =	sld [smem:$0x7EB];
	s13 =	sshrl.u32 s22, $0x1F;
	v32 =	vsel vm15, s21, v32  }
0x256: {  	s10 =	sshra.s32 s22, $0x2;
	v32 =	vsel vm4, s25, v32;
	s21 =	sshrl.u32 s20, $0x1F;
	s22 =	sshra.s32 s20, $0x2  }
0x257: {  	v30 =	vsel vm7, s14, v30;
	v34 =	vsel vm4, s24, v34;
	v32 =	vsel vm11, s17, v32;
	s14 =	sshra.s32 s20, $0x1F;
	s20 =	sld [smem:$0x7E9];
	s24 =	sshrl.u32 s23, $0x1F  }
0x258: {  	s25 =	sshra.s32 s23, $0x2;
	v32 =	vsel vm7, s22, v32;
	s15 =	sshra.s32 s23, $0x1F;
	s23 =	sld [smem:$0x7EA]  }
0x259: {  	v34 =	vsel vm7, s21, v34;
	v32 =	vsel vm5, s14, v32;
	s14 =	sshra.s32 s18, $0x2  }
0x25a: {  	v35 =	vmov s9;
	v34 =	vsel vm14, s24, v34;
	s21 =	sshrl.u32 s20, $0x1F;
	v32 =	vsel vm14, s25, v32;
	s25 =	sshrl.u32 s18, $0x1F;
	s18 =	sld [smem:$0x7EC]  }
0x25b: {  	v35 =	vsel vm2, s1, v35;
	s9 =	sshrl.u32 s2, $0x1F;
	s24 =	sshrl.u32 s23, $0x1F;
	v34 =	vsel vm1, s21, v34;
	s21 =	sld [smem:$0x7ED]  }
0x25c: {  	v47 =	vmov s6;
	v35 =	vsel vm4, s12, v35;
	s17 =	sshra.s32 s23, $0x2;
	s6 =	sshra.s32 s23, $0x1F;
	s23 =	sld [smem:$0x7EE]  }
0x25d: {  	s2 =	sshra.s32 s2, $0x2;
	v38 =	vsel vm7, s13, v35;
	s22 =	sshra.s32 s20, $0x2;
	v32 =	vsel vm6, s15, v32;
	v34 =	vsel vm10, s24, v34;
	s24 =	sld [smem:$0x7EF]  }
0x25e: {  	v35 =	vsel vm2, s0, v47;
	s13 =	sshra.s32 s20, $0x1F;
	v32 =	vsel vm1, s22, v32;
	s20 =	sshrl.u32 s18, $0x1F;
	v39 =	vsel vm13, s25, v34;
	s25 =	sld [smem:$0x7F0]  }
0x25f: {  	v48 =	vsel vm4, s3, v35;
	s3 =	sshra.s32 s18, $0x2;
	v32 =	vsel vm0, s13, v32;
	s18 =	sld [smem:$0x7F2];
	s22 =	sshrl.u32 s21, $0x1F  }
0x260: {  	s1 =	sshra.s32 s21, $0x2;
	s13 =	sshrl.u32 s23, $0x1F;
	v32 =	vsel vm10, s17, v32;
	v50 =	vmov s20;
	s17 =	sld [smem:$0x7F1]  }
0x261: {  	v49 =	vmov s8;
	s0 =	sshra.s32 s23, $0x2;
	s20 =	sld [smem:$0x7F3];
	v54 =	vmov s3;
	s3 =	sshra.s32 s26, $0x2;
	v35 =	vsel vm2, s9, v50  }
0x262: {  	v34 =	vsel vm2, s5, v49;
	s15 =	sshrl.u32 s24, $0x1F;
	s8 =	sshra.s32 s24, $0x2;
	v51 =	vsel vm4, s22, v35;
	s22 =	sld [smem:$0x7F4]  }
0x263: {  	v41 =	vsel vm7, s4, v48;
	v34 =	vsel vm4, s7, v34;
	v32 =	vsel vm9, s6, v32;
	s5 =	sshrl.u32 s25, $0x1F;
	s4 =	sshra.s32 s25, $0x2;
	s7 =	sshrl.u32 s18, $0x1F  }
0x264: {  	v47 =	vsel vm7, s10, v34;
	v45 =	vsel vm13, s14, v32;
	s10 =	sshra.s32 s18, $0x2;
	s14 =	sld [smem:$0x7F5];
	s21 =	sshrl.u32 s20, $0x1F  }
0x265: {  	s6 =	sshrl.u32 s17, $0x1F;
	v52 =	vmov s21;
	s21 =	sld [smem:$0x7F6];
	s23 =	sshra.s32 s22, $0x1F  }
0x266: {  	(v2sf) =	vpush v23, $0xF;
	s9 =	sshra.s32 s17, $0x2;
	s24 =	sshra.s32 s20, $0x2;
	s25 =	sshra.s32 s20, $0x1F;
	v37 =	vmov s5;
	v53 =	vmov s23  }
0x267: {  	(v2sf) =	vpush v23, $0x9;
	v37 =	vsel vm2, s15, v37;
	s18 =	sshrl.u32 s14, $0x1F;
	s20 =	sshra.s32 s14, $0x2;
	v35 =	vsel vm3, s24, v53;
	s24 =	sld [smem:$0x7F7]  }
0x268: {  	(v2sf) =	vpush v23, $0x8;
	v32 =	vnsel vm3, $0x0, v52;
	s12 =	sshra.s32 s14, $0x1F;
	v37 =	vsel vm4, s6, v37;
	s6 =	rddreg [dreg:$0x1f];
	s23 =	sshrl.u32 s21, $0x1F  }
0x269: {  	v34 =	vsel vm7, s13, v51;
	v32 =	vsel vm2, s18, v32;
	s13 =	sshra.s32 s21, $0x2;
	s14 =	sshra.s32 s21, $0x1F;
	s21 =	sld [smem:$0x7F8];
	v35 =	vsel vm8, s25, v35  }
0x26a: {  	v48 =	vsel vm7, s7, v37;
	v37 =	vsel vm2, s2, v54;
	s2 =	sshra.s32 s31, $0x2;
	v35 =	vsel vm2, s20, v35;
	s20 =	sshra.s32 s6, $0x1F;
	s25 =	sshrl.u32 s24, $0x1F  }
0x26b: {  	(v2sf) =	vpush v23, $0xA;
	v32 =	vsel vm4, s23, v32;
	s5 =	sshra.s32 s24, $0x2;
	s15 =	sshra.s32 s24, $0x1F;
	s24 =	sld [smem:$0x7F9]  }
0x26c: {  	(v2sf) =	vpush v23, $0xB;
	s23 =	sshrl.u32 s21, $0x1F;
	v35 =	vsel vm15, s12, v35;
	s12 =	sshra.s32 s21, $0x2;
	s18 =	sshra.s32 s21, $0x1F;
	v32 =	vsel vm7, s25, v32  }
0x26d: {  	(v2sf) =	vpush v23, $0x0;
	s21 =	sshrl.u32 s22, $0x1F;
	s22 =	sshra.s32 s22, $0x2;
	v35 =	vsel vm4, s13, v35;
	v32 =	vsel vm14, s23, v32;
	s23 =	sshrl.u32 s6, $0x1F  }
0x26e: {  	(v2sf) =	vpush v23, $0x1;
	v35 =	vsel vm11, s14, v35;
	s14 =	sshra.s32 s6, $0x2;
	s6 =	rddreg [dreg:$0x1c];
	s25 =	sshrl.u32 s24, $0x1F  }
0x26f: {  	(v2sf) =	vpush v23, $0x2;
	s13 =	sshra.s32 s24, $0x2;
	s17 =	sshra.s32 s24, $0x1F;
	v35 =	vsel vm7, s5, v35;
	s24 =	rddreg [dreg:$0x1e];
	v32 =	vsel vm1, s25, v32  }
0x270: {  	(v2sf) =	vpush v23, $0x3;
	s5 =	sshra.s32 s24, $0x2;
	v35 =	vsel vm5, s15, v35;
	s25 =	rddreg [dreg:$0x1d];
	v32 =	vsel vm10, s23, v32;
	s23 =	sshrl.u32 s24, $0x1F  }
0x271: {  	(v2sf) =	vpush v23, $0x4;
	s15 =	sshrl.u32 s25, $0x1F;
	s7 =	sshra.s32 s25, $0x2;
	v35 =	vsel vm14, s12, v35;
	s12 =	rddreg [dreg:$0x1b]  }
0x272: {  	(v2sf) =	vpush v23, $0x5;
	v24 =	vcombine.low v26, v24;
	s24 =	sshrl.u32 s6, $0x1F;
	s6 =	sshra.s32 s6, $0x2;
	s25 =	rddreg [dreg:$0x1a]  }
0x273: {  	v43 =	vmov s4;
	v32 =	vsel vm13, s21, v32;
	s21 =	sshrl.u32 s26, $0x1F;
	v35 =	vsel vm6, s18, v35;
	s18 =	sshrl.u32 s12, $0x1F;
	s4 =	sshra.s32 s12, $0x2  }
0x274: {  	v24 =	vperm.xlane v24, v9;
	v25 =	vperm.xlane v25, v10;
	v37 =	vsel vm4, s1, v37;
	s12 =	sshrl.u32 s31, $0x1F;
	s31 =	sshra.s32 s25, $0x2;
	s26 =	rddreg [dreg:$0x18]  }
0x275: {  	v43 =	vsel vm2, s8, v43;
	v49 =	vsel vm7, s0, v37;
	v35 =	vsel vm1, s13, v35;
	s13 =	sshrl.u32 s25, $0x1F;
	s0 =	sshra.s32 s26, $0x2;
	s25 =	rddreg [dreg:$0x17]  }
0x276: {  	v56 =	vmov s15;
	v60 =	vmov s12;
	s12 =	sshra.s32 s28, $0x2;
	v35 =	vsel vm0, s17, v35;
	s17 =	sshrl.u32 s26, $0x1F;
	[smem:$0x7FA] =	sst s0  }
0x277: {  	v28 =	vcombine.low v31, v28;
	v55 =	vsel vm4, s9, v43;
	v37 =	vsel vm2, s23, v56;
	s0 =	rddreg [dreg:$0x19];
	s9 =	sshrl.u32 s25, $0x1F;
	s15 =	sshra.s32 s25, $0x2  }
0x278: {  	v50 =	vsel vm7, s10, v55;
	v58 =	vsel vm4, s24, v37;
	s24 =	sshrl.u32 s28, $0x1F;
	s1 =	sshrl.u32 s0, $0x1F;
	v35 =	vsel vm10, s14, v35;
	s10 =	sshra.s32 s0, $0x2  }
0x279: {  	v24 =	vsel vm12, v25, v24;
	s14 =	sshra.s32 s0, $0x1F;
	s0 =	rddreg [dreg:$0x16];
	v35 =	vsel vm9, s20, v35;
	v57 =	vmov s1;
	s20 =	sshra.s32 s25, $0x1F  }
0x27a: {  	v28 =	vperm.xlane v28, v9;
	v27 =	vperm.xlane v27, v10;
	s8 =	sshrl.u32 s0, $0x1F;
	s23 =	sshra.s32 s0, $0x2;
	s1 =	rddreg [dreg:$0x15];
	v43 =	vnsel vm3, $0x0, v57  }
0x27b: {  	v33 =	vperm.xlane v33, v10;
	s25 =	sshra.s32 s0, $0x1F;
	s26 =	sshrl.u32 s1, $0x1F;
	v46 =	vsel vm13, s22, v35;
	s22 =	sshra.s32 s1, $0x2;
	v59 =	vsel vm2, s9, v43  }
0x27c: {  	v54 =	vsel vm12, v27, v28;
	v55 =	vcombine.low v36, v29;
	s9 =	sshra.s32 s1, $0x1F;
	s1 =	spop (v2sf);
	v37 =	vsel vm4, s8, v59;
	s8 =	sshra.s32 s28, $0x1F  }
0x27d: {  	v63 =	vmov s2;
	v35 =	vsel vm7, s21, v58;
	v43 =	vsel vm2, s18, v60;
	s18 =	smulhi.u32 $0x66666667, s1;
	s0 =	sshra.s32 s1, $0x1F;
	s1 =	sshra.s32 s11, $0x1F  }
0x27e: {  	s28 =	spop (v2sf);
	v43 =	vsel vm4, s13, v43;
	s13 =	sshrl.u32 s11, $0x1F;
	v37 =	vsel vm7, s26, v37;
	v51 =	vmov s1;
	s21 =	smul.u32 $0x66666667, s0  }
0x27f: {  	v25 =	vadd.s32 v24, v54;
	s26 =	sshrl.u32 s29, $0x1F;
	s0 =	sshra.s32 s28, $0x1F;
	v37 =	vsel vm14, s24, v37;
	v51 =	vsel vm3, s10, v51;
	s24 =	smulhi.u32 $0x66666667, s28  }
0x280: {  	v24 =	vperm.xlane v55, v9;
	s1 =	sshrl.u32 s30, $0x1F;
	v37 =	vsel vm1, s26, v37;
	v51 =	vsel vm8, s14, v51;
	s26 =	smul.u32 $0x66666667, s0;
	s14 =	spop (v2sf)  }
0x281: {  	v52 =	vmov s7;
	v43 =	vsel vm7, s17, v43;
	s17 =	sshra.s32 s29, $0x2;
	v51 =	vsel vm2, s15, v51;
	s15 =	smulhi.u32 $0x66666667, s14;
	s28 =	sshra.s32 s14, $0x1F  }
0x282: {  	v33 =	vsel vm12, v33, v24;
	v52 =	vsel vm2, s5, v52;
	s0 =	spop (v2sf);
	v51 =	vsel vm15, s20, v51;
	s20 =	sshra.s32 s29, $0x1F;
	s28 =	smul.u32 $0x66666667, s28  }
0x283: {  	v56 =	vcombine.low v44, v42;
	v62 =	vsel vm4, s6, v52;
	v37 =	vsel vm10, s1, v37;
	s1 =	sshra.s32 s0, $0x1F;
	s29 =	sshra.s32 s30, $0x2;
	s5 =	spop (v2sf)  }
0x284: {  	v57 =	vmul.u32 $0xFFFFFFF6, v25;
	v37 =	vsel vm13, s13, v37;
	s13 =	sshra.s32 s11, $0x2;
	s11 =	sadd.s32 s21, s18;
	v61 =	vsel vm4, s23, v51;
	s23 =	smulhi.u32 $0x66666667, s0  }
0x285: {  	v27 =	vsel vm7, s3, v62;
	v28 =	vperm.xlane v56, v9;
	v60 =	vperm.xlane v40, v10;
	s6 =	sadd.s32 s26, s24;
	s18 =	smulhi.u32 $0x66666667, s5;
	s0 =	rddreg [dreg:$0x14]  }
0x286: {  	(v2sf) =	vpush v23, $0x6;
	v59 =	vadd.s32 v22, v57;
	s7 =	sshra.s32 s5, $0x1F;
	s5 =	rddreg [dreg:$0x13];
	v26 =	vsel vm11, s25, v61;
	s25 =	sshra.s32 s30, $0x1F  }
0x287: {  	vm8 =	vmmov vm3;
	vm3 =	vlt.s32 v22, $0x1;
	v22 =	vsel vm12, v60, v28;
	s30 =	smul.u32 $0x66666667, s1;
	s14 =	sshrl.u32 s5, $0x1F;
	s1 =	rddreg [dreg:$0x12]  }
0x288: {  	v40 =	vadd.s32 v33, v22;
	s10 =	sshrl.u32 s0, $0x1F;
	s21 =	smul.u32 $0x66666667, s7;
	v26 =	vsel vm7, s22, v26;
	s2 =	sshrl.u32 s1, $0x1F;
	v22 =	vmov s14  }
0x289: {  	v58 =	vsel vm2, s4, v63;
	v26 =	vsel vm5, s9, v26;
	s9 =	spop (v2sf);
	s3 =	sadd.s32 s30, s23;
	v63 =	vsel vm2, s10, v22;
	s10 =	sshra.s32 s1, $0x2  }
0x28a: {  	v26 =	vsel vm14, s12, v26;
	s22 =	smulhi.u32 $0x66666667, s9;
	s26 =	sshra.s32 s9, $0x1F;
	s12 =	spop (v2sf)  }
0x28b: {  	v30 =	vcombine.low v38, v30;
	s9 =	sshrl.u32 s6, $0x1F;
	s1 =	sshra.s32 s3, $0x2;
	v26 =	vsel vm6, s8, v26;
	s8 =	sshrl.u32 s11, $0x1F  }
0x28c: {  	(v2sf) =	vpush v23, $0x7;
	s24 =	smul.u32 $0x66666667, s26;
	s26 =	sshra.s32 s12, $0x1F;
	[smem:$0x7FD] =	sst s1  }
0x28d: {  	v30 =	vperm.xlane v30, v9;
	[smem:$0x7FB] =	sst s8;
	s8 =	sadd.s32 s28, s15;
	s15 =	smulhi.u32 $0x66666667, s12  }
0x28e: {  	v47 =	vcombine.low v47, v41;
	v34 =	vcombine.low v48, v34;
	v26 =	vsel vm1, s17, v26;
	s17 =	smul.u32 $0x66666667, s26;
	s28 =	spop (v2sf);
	s26 =	sshrl.u32 s3, $0x1F  }
0x28f: {  	v32 =	vperm.xlane v32, v10;
	v35 =	vcombine.low v43, v35;
	v26 =	vsel vm0, s20, v26;
	s20 =	smulhi.u32 $0x66666667, s28;
	s12 =	sshra.s32 s28, $0x1F;
	s30 =	spop (v2sf)  }
0x290: {  	v24 =	vld [tilespmem:$0x5F90];
	v52 =	vperm.xlane v45, v10;
	v25 =	vadd.s32 v0, v25;
	s4 =	sshrl.u32 s8, $0x1F;
	[smem:$0x7FC] =	sst s26;
	v26 =	vsel vm10, s29, v26;
	s23 =	smul.u32 $0x66666667, s12  }
0x291: {  	v31 =	vsel vm4, s31, v58;
	v35 =	vperm.xlane v35, v9;
	s3 =	sld [smem:$0x7FB];
	s28 =	sshra.s32 s30, $0x1F;
	v26 =	vsel vm9, s25, v26;
	s25 =	smulhi.u32 $0x66666667, s30  }
0x292: {  	v62 =	vmul.u32 $0xFFFFFFF6, v40;
	v40 =	vadd.s32 v0, v40;
	v51 =	vperm.xlane v39, v10;
	s12 =	sadd.s32 s21, s18;
	s29 =	spop (v2sf);
	s18 =	smul.u32 $0x66666667, s28  }
0x293: {  	v37 =	vperm.xlane v37, v10;
	v61 =	vadd.s32 $0xA, v59;
	vm11 =	vcmask $0x704;
	s30 =	sld [smem:$0x7FA];
	s26 =	smulhi.u32 $0x66666667, s29;
	s21 =	sshra.s32 s29, $0x1F  }
0x294: {  	v33 =	vsel vm4, s2, v63;
	vm1 =	vlt.s32 v59, $0x0;
	s31 =	spop (v2sf);
	v28 =	vsel vm13, s13, v26;
	s13 =	sadd.s32 s24, s22;
	s24 =	smul.u32 $0x66666667, s21  }
0x295: {  	(v2sf) =	vpush v24, $0xD;
	vm0 =	vne.s32 v59, $0x0;
	v22 =	vsel vm1, v61, v59;
	s7 =	sshrl.u32 s12, $0x1F;
	s28 =	smulhi.u32 $0x66666667, s31;
	s22 =	sshra.s32 s31, $0x1F  }
0x296: {  	(v2sf) =	vpush v24, $0xC;
	vm1 =	vlt.s32 v20, $0x1;
	v61 =	vcombine.low v50, v49;
	s21 =	sadd.s32 s17, s15;
	s31 =	spop (v2sf);
	s14 =	sadd.s32 s23, s20  }
0x297: {  	v49 =	vperm.xlane v46, v10;
	vm0 =	vmand vm3, vm0;
	v53 =	vmov s4;
	s29 =	sshrl.u32 s13, $0x1F;
	s17 =	smulhi.u32 $0x66666667, s31;
	s15 =	sshra.s32 s31, $0x1F  }
0x298: {  	vm9 =	vmmov vm6;
	v42 =	vsel vm0, $0xFFFFFFFF, v8;
	s31 =	sshrl.u32 s14, $0x1F;
	s1 =	sshra.s32 s13, $0x2;
	v29 =	vsel vm7, s30, v31;
	s30 =	smul.u32 $0x66666667, s22  }
0x299: {  	(v2sf) =	vpush v24, $0xE;
	v39 =	vsel vm2, s9, v53;
	v38 =	vperm.xlane v61, v9;
	s13 =	sshra.s32 s13, $0x1F;
	s22 =	sadd.s32 s18, s25;
	s15 =	smul.u32 $0x66666667, s15  }
0x29a: {  	vm6 =	vmmov vm15;
	(v2sf) =	vpush v24, $0xF;
	s25 =	sadd.s32 s24, s26;
	v54 =	vmov s29;
	s29 =	sshra.s32 s6, $0x2;
	s6 =	sshra.s32 s8, $0x2  }
0x29b: {  	v26 =	vadd.s32 v42, v25;
	(v2sf) =	vpush v24, $0x9;
	v53 =	vsel vm12, v49, v38;
	s20 =	spop (v2sf);
	s2 =	sshrl.u32 s22, $0x1F;
	s4 =	sshrl.u32 s25, $0x1F  }
0x29c: {  	v28 =	vperm.xlane v28, v10;
	v31 =	vadd.s32 v20, v62;
	v20 =	vsel vm12, v51, v30;
	s23 =	smulhi.u32 $0x66666667, s20;
	s18 =	sshra.s32 s20, $0x1F;
	s30 =	sadd.s32 s30, s28  }
0x29d: {  	(v2sf) =	vpush v24, $0x8;
	vm0 =	vlt.s32 v31, $0x0;
	v44 =	vadd.s32 $0xA, v31;
	s28 =	sshrl.u32 s21, $0x1F;
	s24 =	sadd.s32 s15, s17;
	s20 =	sshra.s32 s5, $0x2  }
0x29e: {  	v57 =	vnsel vm8, $0x0, v54;
	(v2sf) =	vpush v24, $0xA;
	v61 =	vmov s6;
	s15 =	sshra.s32 s11, $0x2;
	s5 =	sld [smem:$0x7FC];
	s11 =	sshra.s32 s12, $0x2  }
0x29f: {  	v27 =	vcombine.low v29, v27;
	v25 =	vsel vm0, v44, v31;
	vm0 =	vne.s32 v31, $0x0;
	s12 =	sshra.s32 s21, $0x2;
	s21 =	sshra.s32 s21, $0x1F;
	s26 =	smul.u32 $0x66666667, s18  }
0x2a0: {  	v31 =	vperm.xlane v47, v9;
	(v2sf) =	vpush v24, $0xB;
	s17 =	sshrl.u32 s24, $0x1F;
	s18 =	sshra.s32 s0, $0x2;
	v59 =	vsel vm2, s28, v57;
	s0 =	sshra.s32 s14, $0x2  }
0x2a1: {  	v44 =	vsel vm12, v37, v35;
	vm3 =	vmand vm1, vm0;
	s28 =	sshra.s32 s22, $0x2;
	v60 =	vsel vm4, s31, v59;
	s31 =	sshra.s32 s30, $0x2;
	s26 =	sadd.s32 s26, s23  }
0x2a2: {  	(v2sf) =	vpush v24, $0x0;
	v55 =	vsel vm12, v52, v31;
	s23 =	sshrl.u32 s30, $0x1F;
	v56 =	vsel vm4, s5, v39;
	s5 =	sshra.s32 s14, $0x1F;
	s8 =	sshra.s32 s26, $0x1F  }
0x2a3: {  	v31 =	vsel vm7, s3, v33;
	v30 =	vsel vm7, s2, v60;
	s2 =	sshra.s32 s30, $0x1F;
	s14 =	sshra.s32 s24, $0x2;
	s9 =	sshrl.u32 s26, $0x1F;
	v62 =	vmov s8  }
0x2a4: {  	(v2sf) =	vpush v24, $0x1;
	v33 =	vsel vm7, s7, v56;
	s7 =	sshra.s32 s25, $0x2;
	s8 =	sshra.s32 s22, $0x1F;
	v39 =	vsel vm8, s1, v62;
	s22 =	spop (v2sf)  }
0x2a5: {  	vm1 =	vcmask $0x2B28;
	(v2sf) =	vpush v24, $0x2;
	s25 =	sshra.s32 s25, $0x1F;
	v39 =	vsel vm11, s13, v39;
	s30 =	smulhi.u32 $0x66666667, s22;
	s1 =	sshra.s32 s22, $0x1F  }
0x2a6: {  	v54 =	vmov s20;
	v63 =	vsel vm3, $0xFFFFFFFF, v8;
	v39 =	vsel vm2, s12, v39;
	s12 =	sshra.s32 s24, $0x1F;
	s24 =	spop (v2sf);
	s1 =	smul.u32 $0x66666667, s1  }
0x2a7: {  	vm3 =	vcmask $0x1714;
	v30 =	vsel vm14, s4, v30;
	(v2sf) =	vpush v24, $0x3;
	s22 =	sshra.s32 s26, $0x2;
	s13 =	smulhi.u32 $0x66666667, s24;
	s4 =	sshra.s32 s24, $0x1F  }
0x2a8: {  	v20 =	vadd.s32 v20, v55;
	(v2sf) =	vpush v24, $0x4;
	v39 =	vsel vm15, s21, v39;
	s21 =	sadd.s32 s1, s30;
	s30 =	smul.u32 $0x66666667, s4;
	s4 =	spop (v2sf)  }
0x2a9: {  	v38 =	vsel vm2, s18, v54;
	v58 =	vmul.u32 $0xFFFFFFF6, v20;
	(v2sf) =	vpush v24, $0x5;
	s24 =	sshrl.u32 s21, $0x1F;
	s26 =	smulhi.u32 $0x66666667, s4;
	s3 =	sshra.s32 s4, $0x1F  }
0x2aa: {  	v30 =	vsel vm1, s23, v30;
	v39 =	vsel vm4, s0, v39;
	s1 =	sadd.s32 s30, s13;
	s3 =	smul.u32 $0x66666667, s3;
	s30 =	spop (v2sf);
	(v2sf) =	vpush v24, $0x6  }
0x2ab: {  	v30 =	vsel vm10, s17, v30;
	v48 =	vsel vm3, s5, v39;
	s17 =	sshrl.u32 s1, $0x1F;
	s5 =	smulhi.u32 $0x66666667, s30;
	s4 =	sshra.s32 s30, $0x1F;
	(v2sf) =	vpush v24, $0x7  }
0x2ac: {  	v59 =	vsel vm4, s10, v38;
	v20 =	vadd.s32 v0, v20;
	vm1 =	vlt.s32 v21, $0x1;
	s23 =	spop (v2sf);
	s1 =	sshra.s32 s1, $0x2;
	s13 =	smul.u32 $0x66666667, s4  }
0x2ad: {  	v31 =	vcombine.low v33, v31;
	v36 =	vadd.s32 v21, v58;
	v50 =	vsel vm13, s9, v30;
	s3 =	sadd.s32 s3, s26;
	s9 =	smulhi.u32 $0x66666667, s23;
	s30 =	sshra.s32 s23, $0x1F  }
0x2ae: {  	v21 =	vperm.xlane v34, v9;
	vm0 =	vne.s32 v36, $0x0;
	v52 =	vadd.s32 $0xA, v36;
	s23 =	spop (v2sf);
	s4 =	sadd.s32 s13, s5;
	s13 =	smul.u32 $0x66666667, s30  }
0x2af: {  	v31 =	vperm.xlane v31, v9;
	vm0 =	vmand vm1, vm0;
	v51 =	vsel vm7, s28, v48;
	s26 =	sshrl.u32 s3, $0x1F;
	s28 =	smulhi.u32 $0x66666667, s23;
	s5 =	sshra.s32 s23, $0x1F  }
0x2b0: {  	vm1 =	vlt.s32 v36, $0x0;
	v21 =	vsel vm12, v32, v21;
	v30 =	vsel vm5, s8, v51;
	s30 =	smul.u32 $0x66666667, s5;
	s8 =	sadd.s32 s13, s9;
	s9 =	spop (v2sf)  }
0x2b1: {  	v47 =	vperm.xlane v50, v10;
	v55 =	vsel vm0, $0xFFFFFFFF, v8;
	v34 =	vadd.s32 v21, v53;
	s23 =	smulhi.u32 $0x66666667, s9;
	s5 =	sshra.s32 s9, $0x1F;
	s13 =	spop (v2sf)  }
0x2b2: {  	v21 =	vsel vm1, v52, v36;
	v36 =	vsel vm7, s15, v59;
	v57 =	vsel vm14, s7, v30;
	s7 =	sadd.s32 s30, s28;
	s0 =	smul.u32 $0x66666667, s5;
	s28 =	spop (v2sf)  }
0x2b3: {  	vm0 =	vcmask $0x2B28;
	vm15 =	vcmask $0x2F2C;
	v60 =	vsel vm9, s25, v57;
	s25 =	smulhi.u32 $0x66666667, s13;
	s5 =	sshra.s32 s13, $0x1F;
	s13 =	spop (v2sf)  }
0x2b4: {  	v56 =	vmul.u32 $0xFFFFFFF6, v34;
	v20 =	vadd.s32 v55, v20;
	v38 =	vsel vm0, s31, v60;
	s5 =	smul.u32 $0x66666667, s5;
	s30 =	sshra.s32 s28, $0x1F;
	s31 =	spop (v2sf)  }
0x2b5: {  	v45 =	vadd.s32 v0, v34;
	v31 =	vsel vm12, v47, v31;
	vm3 =	vmmov vm5;
	s10 =	sadd.s32 s0, s23;
	s0 =	smul.u32 $0x66666667, s30;
	s30 =	sld [smem:$0x7FD]  }
0x2b6: {  	v39 =	vsel vm2, s29, v61;
	v58 =	vadd.s32 v19, v56;
	s3 =	sshra.s32 s3, $0x2;
	v38 =	vsel vm15, s2, v38;
	s15 =	smulhi.u32 $0x66666667, s28;
	s23 =	spop (v2sf)  }
0x2b7: {  	v62 =	vadd.s32 $0xA, v58;
	vm5 =	vcmask $0x3734;
	v38 =	vsel vm10, s14, v38;
	s14 =	smulhi.u32 $0x66666667, s13;
	s13 =	sshra.s32 s13, $0x1F;
	s29 =	spop (v2sf)  }
0x2b8: {  	vm1 =	vne.s32 v58, $0x0;
	s20 =	sshrl.u32 s4, $0x1F;
	v38 =	vsel vm5, s12, v38;
	v41 =	vsel vm4, s30, v39;
	s30 =	smul.u32 $0x66666667, s13;
	s13 =	spop (v2sf)  }
0x2b9: {  	v30 =	vadd.s32 v63, v40;
	v63 =	vperm.xlane v27, v9;
	v38 =	vsel vm13, s22, v38;
	s22 =	smulhi.u32 $0x66666667, s31;
	s28 =	sshra.s32 s31, $0x1F;
	s12 =	spop (v2sf)  }
0x2ba: {  	v48 =	vmov s17;
	v55 =	vmov s1;
	vm0 =	vlt.s32 v58, $0x0;
	s2 =	sadd.s32 s5, s25;
	s5 =	smul.u32 $0x66666667, s28;
	s31 =	spop (v2sf)  }
0x2bb: {  	v28 =	vsel vm12, v28, v63;
	v33 =	vsel vm2, s24, v48;
	s18 =	sshrl.u32 s8, $0x1F;
	v39 =	vsel vm7, s11, v41;
	s11 =	smulhi.u32 $0x66666667, s31;
	s25 =	sshra.s32 s31, $0x1F  }
0x2bc: {  	v43 =	vsel vm0, v62, v58;
	vm0 =	vlt.s32 v19, $0x1;
	v28 =	vadd.s32 v44, v28;
	s9 =	sshrl.u32 s7, $0x1F;
	s7 =	sshra.s32 s7, $0x2;
	s25 =	smul.u32 $0x66666667, s25  }
0x2bd: {  	v33 =	vsel vm4, s26, v33;
	vm0 =	vmand vm0, vm1;
	v50 =	vmul.u32 $0xFFFFFFF6, v28;
	s6 =	sshrl.u32 s10, $0x1F;
	s0 =	sadd.s32 s0, s15;
	s28 =	sshrl.u32 s2, $0x1F  }
0x2be: {  	v19 =	vsel vm0, $0xFFFFFFFF, v8;
	v33 =	vsel vm7, s20, v33;
	vm0 =	vcmask $0x1714;
	s17 =	sshrl.u32 s0, $0x1F;
	s22 =	sadd.s32 s5, s22;
	s5 =	sadd.s32 s25, s11  }
0x2bf: {  	v19 =	vadd.s32 v19, v45;
	v35 =	vadd.s32 v18, v50;
	v49 =	vperm.xlane v38, v10;
	s15 =	smulhi.u32 $0x66666667, s29;
	s14 =	sadd.s32 s30, s14;
	s25 =	sshra.s32 s5, $0x1F  }
0x2c0: {  	vm1 =	vlt.s32 v35, $0x0;
	v54 =	vmov s9;
	s30 =	smulhi.u32 $0x66666667, s23;
	s23 =	sshra.s32 s23, $0x1F;
	s11 =	sshra.s32 s0, $0x2;
	v51 =	vmov s25  }
0x2c1: {  	v53 =	vmov s17;
	v46 =	vcombine.low v39, v36;
	s23 =	smul.u32 $0x66666667, s23;
	s31 =	sshra.s32 s29, $0x1F;
	s0 =	sshra.s32 s0, $0x1F;
	v52 =	vsel vm8, s11, v51  }
0x2c2: {  	v34 =	vnsel vm8, $0x0, v53;
	v36 =	vsel vm2, s18, v54;
	s26 =	sshrl.u32 s14, $0x1F;
	s24 =	smul.u32 $0x66666667, s31;
	s31 =	sshra.s32 s14, $0x2;
	v32 =	vsel vm11, s0, v52  }
0x2c3: {  	v36 =	vsel vm4, s6, v36;
	s29 =	sshrl.u32 s22, $0x1F;
	v34 =	vsel vm2, s26, v34;
	s26 =	sshra.s32 s22, $0x1F;
	s14 =	sshra.s32 s14, $0x1F;
	v32 =	vsel vm2, s31, v32  }
0x2c4: {  	v29 =	vperm.xlane v46, v9;
	v36 =	vsel vm7, s28, v36;
	s23 =	sadd.s32 s23, s30;
	s15 =	sadd.s32 s24, s15;
	s24 =	sshra.s32 s22, $0x2;
	v32 =	vsel vm6, s14, v32  }
0x2c5: {  	v56 =	vmov s7;
	v33 =	vcombine.low v36, v33;
	s30 =	sshrl.u32 s23, $0x1F;
	s28 =	sshra.s32 s23, $0x2;
	s25 =	smulhi.u32 $0x66666667, s12;
	v32 =	vsel vm4, s24, v32  }
0x2c6: {  	v34 =	vsel vm4, s29, v34;
	v29 =	vsel vm12, v49, v29;
	s29 =	sshra.s32 s23, $0x1F;
	s11 =	smulhi.u32 $0x66666667, s13;
	s13 =	sshra.s32 s13, $0x1F;
	v32 =	vsel vm0, s26, v32  }
0x2c7: {  	v34 =	vsel vm7, s30, v34;
	s30 =	sshra.s32 s21, $0x2;
	v33 =	vperm.xlane v33, v9;
	s20 =	sshrl.u32 s15, $0x1F;
	s13 =	smul.u32 $0x66666667, s13;
	v32 =	vsel vm7, s28, v32  }
0x2c8: {  	v29 =	vadd.s32 v31, v29;
	v36 =	vsel vm2, s30, v55;
	s12 =	sshra.s32 s12, $0x1F;
	s31 =	sshra.s32 s8, $0x2;
	s8 =	sshra.s32 s15, $0x2;
	v32 =	vsel vm3, s29, v32  }
0x2c9: {  	v34 =	vsel vm14, s20, v34;
	v36 =	vsel vm4, s3, v36;
	s12 =	smul.u32 $0x66666667, s12;
	s9 =	sadd.s32 s13, s11;
	s11 =	sshra.s32 s15, $0x1F;
	v32 =	vsel vm14, s8, v32  }
0x2ca: {  	s10 =	sshra.s32 s10, $0x2;
	v37 =	vsel vm2, s31, v56;
	s13 =	sshra.s32 s4, $0x2;
	s15 =	sshra.s32 s9, $0x2;
	vm0 =	vcmask $0x2B28;
	v32 =	vsel vm9, s11, v32  }
0x2cb: {  	s18 =	sadd.s32 s12, s25;
	s14 =	sshra.s32 s2, $0x2;
	v37 =	vsel vm4, s10, v37;
	v36 =	vsel vm7, s13, v36;
	s20 =	sshra.s32 s9, $0x1F;
	v32 =	vsel vm0, s15, v32  }
0x2cc: {  	s22 =	sshra.s32 s18, $0x2;
	s17 =	sshrl.u32 s9, $0x1F;
	v37 =	vsel vm7, s14, v37;
	vm0 =	vcmask $0x2B28;
	v32 =	vsel vm15, s20, v32  }
0x2cd: {  	s21 =	sshrl.u32 s18, $0x1F;
	s24 =	sshra.s32 s18, $0x1F;
	v36 =	vcombine.low v37, v36;
	v34 =	vsel vm0, s17, v34;
	v32 =	vsel vm10, s22, v32  }
0x2ce: {  	s23 =	sshrl.u32 s5, $0x1F;
	v58 =	vmul.u32 $0xFFFFFFF6, v29;
	s25 =	sshra.s32 s5, $0x2;
	v34 =	vsel vm10, s21, v34;
	v32 =	vsel vm5, s24, v32  }
0x2cf: {  	v57 =	vperm.xlane v36, v9;
	v34 =	vsel vm13, s23, v34;
	v32 =	vsel vm13, s25, v32  }
0x2d0: {  	[tilespmem:$0x6010] =	vst v22;
	v22 =	vadd.s32 $0xA, v35;
	v34 =	vperm.xlane v34, v10;
	v32 =	vperm.xlane v32, v10  }
0x2d1: {  	v22 =	vsel vm1, v22, v35;
	vm1 =	vlt.s32 v18, $0x1;
	v18 =	vadd.s32 v23, v58  }
0x2d2: {  	v61 =	vadd.s32 $0xA, v18;
	s26 =	simm.s32 $0x0;
	v59 =	vsel vm12, v34, v33;
	v31 =	vsel vm12, v32, v57  }
0x2d3: {  	[tilespmem:$0x6050] =	vst v22;
	v22 =	vmov s26;
	vm0 =	vne.s32 v35, $0x0;
	v60 =	vadd.s32 v59, v31  }
0x2d4: {  	vm3 =	vlt.s32 v18, $0x0;
	vm0 =	vmand vm1, vm0;
	v62 =	vmul.u32 $0xFFFFFFF6, v60  }
0x2d5: {  	[tilespmem:$0x6030] =	vst v21;
	vm1 =	vlt.s32 v23, $0x1;
	vm5 =	vne.s32 v18, $0x0;
	v18 =	vsel vm3, v61, v18  }
0x2d6: {  	[tilespmem:$0x60A0] =	vst v20;
	v20 =	vsel vm0, $0xFFFFFFFF, v8;
	vm0 =	vmand vm1, vm5;
	v21 =	vadd.s32 v24, v62  }
0x2d7: {  	[tilespmem:$0x60B0] =	vst v19;
	vm1 =	vne.s32 v21, $0x0;
	vm3 =	vlt.s32 v21, $0x0;
	v19 =	vadd.s32 $0xA, v21  }
0x2d8: {  	[tilespmem:$0x6080] =	vst v26;
	v19 =	vsel vm3, v19, v21;
	v21 =	vsel vm0, $0xFFFFFFFF, v8;
	vm0 =	veq.s32 v22, v1;
	v22 =	vld [tilespmem:$0x1FFF0]  }
0x2d9: {  	[tilespmem:$0x6020] =	vst v25;
	v23 =	vadd.s32 v0, v28  }
0x2da: {  	[tilespmem:$0x6090] =	vst v30;
	v20 =	vadd.s32 v20, v23  }
0x2db: {  	vm5 =	vlt.s32 v24, $0x1;
	[tilespmem:$0x60C0] =	vst v20;
	v20 =	vadd.s32 v0, v29  }
0x2dc: {  	[tilespmem:$0x6060] =	vst v18;
	vm1 =	vmand vm5, vm1;
	v18 =	vadd.s32 v21, v20  }
0x2dd: {  	[tilespmem:$0x6040] =	vst v43;
	v20 =	vsel vm1, $0xFFFFFFFF, v8;
	vm1 =	vmmov vm11;
	vm11 =	vnez.u8 v22  }
0x2de: {  	v21 =	vor.u32 s26, v1;
	[tilespmem:$0x60D0] =	vst v18;
	v18 =	vadd.s32 v0, v60;
	vm0 =	vmand vm0, vm11  }
0x2df: {  	s30 =	simm.s32 $0x6080;
	s31 =	simm.s32 $0x8030;
	[tilespmem:$0x6070] =	vst v19;
	v19 =	vshrl.u32 v21, $0x2;
	v18 =	vadd.s32 v20, v18;
	v22 =	vsel vm0, $0xFFFFFFFF, v8  }
0x2e0: {  	s4 =	simm.s32 $0x1;
	s28 =	rddreg [dreg:$0x9];
	s29 =	simm.s32 $0x70;
	[tilespmem:$0x60E0] =	vst v18;
	v18 =	vadd.s32 v22, v19  }
0x2e1: {  	[tilespmem:s31], [sflag:$0x2] =	stream.indirect.gather [hbm4b:s28+s29], $0x28, s30, s29, $0xb8;
	[tilespmem:$0xA4F0] =	vst v63  }
0x2e2: {  	_ =	swait.ge [sflag:s4], $0x1F40  }
0x2e3: {  	[sflag:s4] =	ssyncset.done $0x0  }
0x2e4: {  	[sflag:s4] =	ssyncadd.s32 $0xFFFFE0C0  }
0x2e5: {  	v18 =	vld.idx.msk [tilespmem:v18+s19+$0x0], $0xffff;
	_ =	sdelay $0x4  }
0x2e6: {  	(v2sf) =	vpush v18, $0x1;
	_ =	sdelay $0x1  }
0x2e7: {  	(v2sf) =	vpush v18, $0x0;
	_ =	sdelay $0x1  }
0x2e8: {  	(v2sf) =	vpush v18, $0x2  }
0x2e9: {  	(v2sf) =	vpush v18, $0xE;
	_ =	sdelay $0x2  }
0x2ea: {  	(v2sf) =	vpush v18, $0x3;
	_ =	sdelay $0x1  }
0x2eb: {  	(v2sf) =	vpush v18, $0x4  }
0x2ec: {  	(v2sf) =	vpush v18, $0x7;
	_ =	sdelay $0x2  }
0x2ed: {  	(v2sf) =	vpush v18, $0xC  }
0x2ee: {  	(v2sf) =	vpush v18, $0x8;
	s5 =	spop (v2sf)  }
0x2ef: {  	s11 =	smulhi.u32 $0x66666667, s5;
	s0 =	sshra.s32 s5, $0x1F  }
0x2f0: {  	(v2sf) =	vpush v18, $0x5;
	s6 =	spop (v2sf);
	s25 =	smul.u32 $0x66666667, s0  }
0x2f1: {  	s26 =	sshra.s32 s6, $0x1F;
	s2 =	smulhi.u32 $0x66666667, s6  }
0x2f2: {  	(v2sf) =	vpush v18, $0x9;
	s28 =	spop (v2sf);
	s4 =	smul.u32 $0x66666667, s26  }
0x2f3: {  	(v2sf) =	vpush v18, $0xF;
	s29 =	spop (v2sf);
	s12 =	smulhi.u32 $0x66666667, s28  }
0x2f4: {  	s3 =	sshra.s32 s28, $0x1F;
	s30 =	smulhi.u32 $0x66666667, s29  }
0x2f5: {  	s1 =	sshra.s32 s29, $0x1F;
	s3 =	smul.u32 $0x66666667, s3  }
0x2f6: {  	(v2sf) =	vpush v18, $0xA;
	s31 =	spop (v2sf);
	s1 =	smul.u32 $0x66666667, s1  }
0x2f7: {  	(v2sf) =	vpush v18, $0x6;
	s24 =	sshra.s32 s31, $0x1F;
	s6 =	smulhi.u32 $0x66666667, s31  }
0x2f8: {  	(v2sf) =	vpush v18, $0xB;
	s8 =	spop (v2sf);
	s13 =	smul.u32 $0x66666667, s24  }
0x2f9: {  	s14 =	spop (v2sf);
	s26 =	sshra.s32 s8, $0x1F;
	s8 =	smulhi.u32 $0x66666667, s8  }
0x2fa: {  	(v2sf) =	vpush v18, $0xD;
	s7 =	sadd.s32 s25, s11;
	s15 =	smulhi.u32 $0x66666667, s14  }
0x2fb: {  	s25 =	sshrl.u32 s7, $0x1F;
	s9 =	sshra.s32 s14, $0x1F;
	s18 =	smul.u32 $0x66666667, s26  }
0x2fc: {  	s4 =	sadd.s32 s4, s2;
	s14 =	spop (v2sf);
	s9 =	smul.u32 $0x66666667, s9  }
0x2fd: {  	s17 =	spop (v2sf);
	s21 =	sshra.s32 s14, $0x1F;
	s14 =	smulhi.u32 $0x66666667, s14  }
0x2fe: {  	s12 =	sadd.s32 s3, s12;
	s20 =	sshra.s32 s17, $0x1F;
	s17 =	smulhi.u32 $0x66666667, s17  }
0x2ff: {  	s1 =	sadd.s32 s1, s30;
	s28 =	spop (v2sf);
	s21 =	smul.u32 $0x66666667, s21  }
0x300: {  	s6 =	sadd.s32 s13, s6;
	s8 =	sadd.s32 s18, s8;
	s22 =	smulhi.u32 $0x66666667, s28  }
0x301: {  	s5 =	sshra.s32 s28, $0x1F;
	s23 =	spop (v2sf);
	s20 =	smul.u32 $0x66666667, s20  }
0x302: {  	s0 =	sadd.s32 s9, s15;
	s29 =	spop (v2sf);
	s5 =	smul.u32 $0x66666667, s5  }
0x303: {  	s14 =	sadd.s32 s21, s14;
	s30 =	sshra.s32 s29, $0x1F;
	s9 =	smulhi.u32 $0x66666667, s29  }
0x304: {  	s24 =	sshra.s32 s23, $0x1F;
	s18 =	sshrl.u32 s14, $0x1F;
	s10 =	smul.u32 $0x66666667, s30  }
0x305: {  	s30 =	sshra.s32 s0, $0x1F;
	s5 =	sadd.s32 s5, s22;
	s15 =	spop (v2sf)  }
0x306: {  	s26 =	spop (v2sf);
	s28 =	sshra.s32 s15, $0x1F;
	s15 =	smulhi.u32 $0x66666667, s15  }
0x307: {  	s9 =	sadd.s32 s10, s9;
	s31 =	spop (v2sf);
	s3 =	smulhi.u32 $0x66666667, s26  }
0x308: {  	s11 =	sshra.s32 s31, $0x1F;
	s29 =	smulhi.u32 $0x66666667, s31;
	s31 =	sshra.s32 s26, $0x1F  }
0x309: {  	s22 =	spop (v2sf);
	s26 =	sshra.s32 s6, $0x2;
	s2 =	smul.u32 $0x66666667, s11  }
0x30a: {  	v19 =	vmov s30;
	s30 =	sshra.s32 s22, $0x1F;
	s11 =	sshra.s32 s4, $0x2;
	s13 =	smul.u32 $0x66666667, s31  }
0x30b: {  	s31 =	sshra.s32 s4, $0x1F;
	s4 =	sshrl.u32 s4, $0x1F;
	v19 =	vsel vm8, s11, v19;
	s11 =	sshra.s32 s12, $0x2  }
0x30c: {  	v20 =	vmov s4;
	s4 =	sshrl.u32 s5, $0x1F;
	s2 =	sadd.s32 s2, s29;
	s29 =	sshra.s32 s7, $0x2  }
0x30d: {  	vm3 =	vcmask $0x2B28;
	vm5 =	vcmask $0x1714;
	v19 =	vsel vm1, s31, v19;
	s7 =	sshra.s32 s7, $0x1F;
	s3 =	sadd.s32 s13, s3;
	s31 =	smul.u32 $0x66666667, s24  }
0x30e: {  	vm0 =	vcmask $0xF0C;
	s13 =	sshrl.u32 s12, $0x1F;
	s12 =	sshra.s32 s12, $0x1F;
	v20 =	vnsel vm8, $0x0, v20;
	v19 =	vsel vm2, s29, v19;
	s29 =	smulhi.u32 $0x66666667, s23  }
0x30f: {  	v23 =	vmov s18;
	s24 =	sshra.s32 s8, $0x2;
	v20 =	vsel vm2, s25, v20;
	v19 =	vsel vm0, s7, v19;
	s7 =	sadd.s32 s20, s17;
	s17 =	smulhi.u32 $0x66666667, s22  }
0x310: {  	s25 =	sshra.s32 s8, $0x1F;
	vm0 =	vcmask $0x1F1C;
	s22 =	smul.u32 $0x66666667, s28;
	v20 =	vsel vm4, s13, v20;
	s20 =	sshra.s32 s14, $0x2;
	v19 =	vsel vm4, s11, v19  }
0x311: {  	s11 =	sshrl.u32 s6, $0x1F;
	s23 =	sadd.s32 s31, s29;
	s28 =	sshrl.u32 s7, $0x1F;
	v63 =	vmov s20;
	v19 =	vsel vm5, s12, v19;
	vm5 =	vmmov vm0  }
0x312: {  	s6 =	sshra.s32 s6, $0x1F;
	s7 =	sshra.s32 s7, $0x2;
	v20 =	vsel vm7, s11, v20;
	v21 =	vmov s28;
	s29 =	sshrl.u32 s23, $0x1F;
	v19 =	vsel vm7, s26, v19  }
0x313: {  	s8 =	sshrl.u32 s8, $0x1F;
	s31 =	smul.u32 $0x66666667, s30;
	v22 =	vmov s7;
	s21 =	sshra.s32 s23, $0x2;
	v21 =	vsel vm2, s29, v21;
	v19 =	vsel vm0, s6, v19  }
0x314: {  	s23 =	sshra.s32 s1, $0x2;
	s26 =	sshra.s32 s5, $0x2;
	v20 =	vsel vm14, s8, v20;
	v22 =	vsel vm2, s21, v22;
	s6 =	sadd.s32 s22, s15;
	v19 =	vsel vm14, s24, v19  }
0x315: {  	s29 =	sshrl.u32 s3, $0x1F;
	s15 =	sadd.s32 s31, s17;
	v20 =	vsel vm3, s4, v20;
	vm0 =	vcmask $0x3734;
	s13 =	sshrl.u32 s6, $0x1F;
	v19 =	vsel vm9, s25, v19  }
0x316: {  	s5 =	sshra.s32 s5, $0x1F;
	s22 =	sshrl.u32 s15, $0x1F;
	s24 =	sshra.s32 s6, $0x2;
	v20 =	vsel vm10, s29, v20;
	v21 =	vsel vm4, s13, v21;
	v19 =	vsel vm3, s26, v19  }
0x317: {  	s1 =	sshrl.u32 s1, $0x1F;
	v23 =	vsel vm2, s22, v23;
	v22 =	vsel vm4, s24, v22;
	s26 =	sshra.s32 s2, $0x2;
	v19 =	vsel vm15, s5, v19;
	s5 =	sshra.s32 s15, $0x2  }
0x318: {  	s25 =	sshrl.u32 s9, $0x1F;
	v23 =	vsel vm4, s1, v23;
	s2 =	sshrl.u32 s2, $0x1F;
	v22 =	vsel vm7, s26, v22;
	v24 =	vsel vm2, s5, v63  }
0x319: {  	s11 =	sshra.s32 s3, $0x2;
	s28 =	sshra.s32 s9, $0x2;
	v23 =	vsel vm7, s25, v23;
	v21 =	vsel vm7, s2, v21;
	v24 =	vsel vm4, s23, v24  }
0x31a: {  	s30 =	sshra.s32 s3, $0x1F;
	s31 =	sshrl.u32 s0, $0x1F;
	v19 =	vsel vm10, s11, v19;
	v21 =	vcombine.low v21, v23;
	v24 =	vsel vm7, s28, v24  }
0x31b: {  	s0 =	sshra.s32 s0, $0x2;
	v20 =	vsel vm13, s31, v20;
	v19 =	vsel vm0, s30, v19;
	v22 =	vcombine.low v22, v24  }
0x31c: {  	v20 =	vperm.xlane v20, v10;
	v19 =	vsel vm13, s0, v19;
	v21 =	vperm.xlane v21, v9  }
0x31d: {  	v23 =	vperm.xlane v19, v10;
	v22 =	vperm.xlane v22, v9  }
0x31e: {  	vm6 =	vmmov vm8;
	vm8 =	vmmov vm15;
	vm15 =	vmmov vm14  }
0x31f: {  	s22 =	simm.s32 $0x10;
	s1 =	simm.s32 $0x91B0;
	vm14 =	vmmov vm0;
	s0 =	simm.s32 $0x91B0;
	v19 =	vsel vm12, v20, v21;
	v20 =	vsel vm12, v23, v22  }
.LBB2_8:
0x320: {  	v19 =	vadd.s32 v19, v20  }
0x321: {  	v20 =	vmul.u32 $0xFFFFFFF6, v19  }
0x322: {  	v21 =	vsub.s32 $0x0, v18  }
0x323: {  	vm0 =	vlt.s32 v18, $0x1;
	vm1 =	vne.s32 v20, v21  }
0x324: {  	vm0 =	vmand vm0, vm1  }
0x325: {  	v18 =	vsel vm0, $0xFFFFFFFF, v8  }
0x326: {  	v18 =	vadd.s32 v18, v19  }
0x327: {  	v18 =	vshll.u32 v18, $0x2  }
0x328: {  	v19 =	vor.u32 v14, v18;
	v18 =	vor.u32 v15, v18;
	_ =	sdelay $0x4  }
0x329: {  	v18 =	vld.idx.msk [tilespmem:v18+s16+$0x0], $0xffff;
	_ =	sdelay $0x1  }
0x32a: {  	v19 =	vld.idx.msk [tilespmem:v19+s16+$0x0], $0xffff;
	_ =	sdelay $0x1  }
0x32b: {  	s2 =	smov.u32 s22  }
0x32c: {  	v20 =	vmov s2;
	v18 =	vmul.f32 v13, v18  }
0x32d: {  	vm0 =	veq.s32 v20, v1  }
0x32e: {  	v20 =	vor.u32 s2, v1;
	vm0 =	vmand vm0, vm11;
	v18 =	vadd.f32 v18, v19  }
0x32f: {  	v20 =	vshrl.u32 v20, $0x2;
	v21 =	vsel vm0, $0xFFFFFFFF, v8  }
0x330: {  	v19 =	vadd.s32 v21, v20;
	v18 =	vmul.f32 v16, v18;
	_ =	sdelay $0x1  }
0x331: {  	v18 =	vadd.f32 v17, v18;
	_ =	sdelay $0x1  }
0x332: {  	[tilespmem:s1+$0x0] =	vst v18  }
0x333: {  	v18 =	vld.idx.msk [tilespmem:v19+s19+$0x0], $0xffff;
	_ =	sdelay $0x4  }
0x334: {  	(v2sf) =	vpush v18, $0x1;
	_ =	sdelay $0x1  }
0x335: {  	(v2sf) =	vpush v18, $0x0;
	_ =	sdelay $0x1  }
0x336: {  	(v2sf) =	vpush v18, $0x2  }
0x337: {  	(v2sf) =	vpush v18, $0xE;
	_ =	sdelay $0x1  }
0x338: {  	(v2sf) =	vpush v18, $0x3;
	_ =	sdelay $0x1  }
0x339: {  	(v2sf) =	vpush v18, $0x4  }
0x33a: {  	(v2sf) =	vpush v18, $0x7;
	_ =	sdelay $0x1  }
0x33b: {  	(v2sf) =	vpush v18, $0xC  }
0x33c: {  	(v2sf) =	vpush v18, $0x8  }
0x33d: {  	(v2sf) =	vpush v18, $0x5  }
0x33e: {  	s0 =	sadd.s32 $0x10, s0;
	s4 =	spop (v2sf)  }
0x33f: {  	[dreg:$0x5] =	wrdreg s0;
	s5 =	sshra.s32 s4, $0x1F;
	s15 =	smulhi.u32 $0x66666667, s4  }
0x340: {  	(v2sf) =	vpush v18, $0x9;
	s8 =	spop (v2sf);
	s20 =	smul.u32 $0x66666667, s5  }
0x341: {  	s31 =	smov.u32 s0;
	(v2sf) =	vpush v18, $0xF;
	s0 =	sshra.s32 s8, $0x1F;
	s8 =	smulhi.u32 $0x66666667, s8  }
0x342: {  	s6 =	spop (v2sf);
	s2 =	smul.u32 $0x66666667, s0  }
0x343: {  	s7 =	spop (v2sf);
	s26 =	smulhi.u32 $0x66666667, s6  }
0x344: {  	s10 =	sshra.s32 s6, $0x1F;
	s9 =	smulhi.u32 $0x66666667, s7  }
0x345: {  	(v2sf) =	vpush v18, $0xA;
	s12 =	sshra.s32 s7, $0x1F;
	s14 =	spop (v2sf);
	s29 =	smul.u32 $0x66666667, s10  }
0x346: {  	[dreg:$0x6] =	wrdreg s31;
	s17 =	sshra.s32 s14, $0x1F;
	s1 =	smul.u32 $0x66666667, s12  }
0x347: {  	s30 =	sadd.s32 s20, s15;
	s7 =	spop (v2sf);
	s31 =	smul.u32 $0x66666667, s17  }
0x348: {  	s3 =	sshra.s32 s7, $0x1F;
	s13 =	spop (v2sf);
	s7 =	smulhi.u32 $0x66666667, s7  }
0x349: {  	(v2sf) =	vpush v18, $0x6;
	s4 =	sshrl.u32 s30, $0x1F;
	s18 =	smulhi.u32 $0x66666667, s13  }
0x34a: {  	s13 =	sshra.s32 s13, $0x1F;
	s24 =	spop (v2sf);
	s19 =	smul.u32 $0x66666667, s3  }
0x34b: {  	(v2sf) =	vpush v18, $0xB;
	s25 =	sadd.s32 s1, s9;
	s9 =	spop (v2sf);
	s11 =	smul.u32 $0x66666667, s13  }
0x34c: {  	s13 =	sshra.s32 s24, $0x1F;
	s16 =	spop (v2sf);
	[dreg:$0x8] =	wrdreg s19  }
0x34d: {  	s13 =	smul.u32 $0x66666667, s13;
	s5 =	sadd.s32 s11, s18;
	s18 =	sshra.s32 s25, $0x2  }
0x34e: {  	s21 =	sshra.s32 s16, $0x1F;
	s23 =	smulhi.u32 $0x66666667, s16;
	[dreg:$0x7] =	wrdreg s18  }
0x34f: {  	(v2sf) =	vpush v18, $0xD;
	s8 =	sadd.s32 s2, s8;
	s18 =	spop (v2sf);
	s19 =	smul.u32 $0x66666667, s21  }
0x350: {  	s0 =	spop (v2sf);
	s20 =	sshra.s32 s18, $0x1F;
	s18 =	smulhi.u32 $0x66666667, s18  }
0x351: {  	s2 =	sshra.s32 s30, $0x2;
	s26 =	sadd.s32 s29, s26;
	s10 =	smulhi.u32 $0x66666667, s0  }
0x352: {  	s29 =	sshra.s32 s8, $0x2;
	s1 =	sshra.s32 s0, $0x1F;
	s0 =	smulhi.u32 $0x66666667, s14  }
0x353: {  	s6 =	sshrl.u32 s25, $0x1F;
	s3 =	sshra.s32 s5, $0x1F;
	s14 =	smulhi.u32 $0x66666667, s24  }
0x354: {  	s28 =	sshra.s32 s9, $0x1F;
	v19 =	vmov s3;
	s17 =	spop (v2sf);
	s20 =	smul.u32 $0x66666667, s20  }
0x355: {  	v19 =	vsel vm6, s29, v19;
	s29 =	sshra.s32 s30, $0x1F;
	s30 =	sshrl.u32 s26, $0x1F;
	s15 =	smul.u32 $0x66666667, s1  }
0x356: {  	s12 =	sshra.s32 s17, $0x1F;
	s1 =	smul.u32 $0x66666667, s28;
	s0 =	sadd.s32 s31, s0  }
0x357: {  	vm1 =	vcmask $0x704;
	s31 =	sshra.s32 s8, $0x1F;
	s8 =	sshrl.u32 s8, $0x1F;
	s12 =	smul.u32 $0x66666667, s12  }
0x358: {  	s13 =	sadd.s32 s13, s14;
	v19 =	vsel vm1, s31, v19;
	s31 =	sshra.s32 s0, $0x2;
	s16 =	spop (v2sf)  }
0x359: {  	vm1 =	vcmask $0xF0C;
	v20 =	vmov s8;
	s8 =	sadd.s32 s19, s23;
	v19 =	vsel vm2, s2, v19;
	s11 =	sshra.s32 s16, $0x1F;
	s16 =	smulhi.u32 $0x66666667, s16  }
0x35a: {  	s23 =	sshrl.u32 s0, $0x1F;
	s21 =	spop (v2sf);
	v19 =	vsel vm1, s29, v19;
	s29 =	smulhi.u32 $0x66666667, s9  }
0x35b: {  	s0 =	sshra.s32 s0, $0x1F;
	s10 =	sadd.s32 s15, s10;
	s25 =	smulhi.u32 $0x66666667, s21  }
0x35c: {  	s15 =	sadd.s32 s20, s18;
	v20 =	vnsel vm6, $0x0, v20;
	s24 =	sshra.s32 s21, $0x1F;
	s11 =	smul.u32 $0x66666667, s11  }
0x35d: {  	v20 =	vsel vm2, s4, v20;
	s21 =	sshra.s32 s26, $0x2;
	s26 =	sshra.s32 s26, $0x1F;
	s24 =	smul.u32 $0x66666667, s24  }
0x35e: {  	v20 =	vsel vm4, s30, v20;
	s3 =	spop (v2sf);
	s1 =	sadd.s32 s1, s29;
	s29 =	smulhi.u32 $0x66666667, s17  }
0x35f: {  	vm0 =	vcmask $0x1714;
	v19 =	vsel vm4, s21, v19;
	v20 =	vsel vm7, s23, v20;
	s23 =	sshra.s32 s8, $0x2;
	s28 =	sshra.s32 s3, $0x1F;
	s3 =	smulhi.u32 $0x66666667, s3  }
0x360: {  	v19 =	vsel vm0, s26, v19;
	s26 =	sshrl.u32 s15, $0x1F;
	s2 =	sadd.s32 s24, s25;
	s25 =	rddreg [dreg:$0x8]  }
0x361: {  	v19 =	vsel vm7, s31, v19;
	s24 =	sshra.s32 s8, $0x1F;
	s31 =	smul.u32 $0x66666667, s28;
	s21 =	sadd.s32 s25, s7  }
0x362: {  	s7 =	sadd.s32 s11, s16;
	s16 =	sshrl.u32 s8, $0x1F;
	s25 =	sshrl.u32 s1, $0x1F  }
0x363: {  	v19 =	vsel vm5, s0, v19;
	s11 =	sadd.s32 s12, s29;
	s1 =	sshra.s32 s1, $0x2;
	s17 =	sshra.s32 s21, $0x2;
	v21 =	vmov s25  }
0x364: {  	s20 =	sshra.s32 s21, $0x1F;
	s29 =	sshrl.u32 s21, $0x1F;
	v22 =	vmov s1;
	s25 =	sshra.s32 s13, $0x2;
	v19 =	vsel vm15, s17, v19;
	v21 =	vsel vm2, s26, v21  }
0x365: {  	s30 =	sshra.s32 s11, $0x2;
	s11 =	sshrl.u32 s11, $0x1F;
	s0 =	sadd.s32 s31, s3;
	v20 =	vsel vm15, s29, v20;
	v24 =	vmov s25;
	v19 =	vsel vm9, s20, v19  }
0x366: {  	s26 =	sshrl.u32 s0, $0x1F;
	s0 =	sshra.s32 s0, $0x2;
	v21 =	vsel vm4, s11, v21;
	s20 =	sshra.s32 s15, $0x2;
	v20 =	vsel vm3, s16, v20;
	v19 =	vsel vm3, s23, v19  }
0x367: {  	s28 =	sshrl.u32 s2, $0x1F;
	s29 =	rddreg [dreg:$0x7];
	v24 =	vsel vm2, s0, v24;
	v22 =	vsel vm2, s20, v22;
	v19 =	vsel vm8, s24, v19;
	s24 =	sshrl.u32 s13, $0x1F  }
0x368: {  	s18 =	sshra.s32 s10, $0x2;
	v24 =	vsel vm4, s29, v24;
	v21 =	vsel vm7, s28, v21;
	v23 =	vmov s24  }
0x369: {  	s4 =	sshra.s32 s7, $0x2;
	s21 =	sshra.s32 s2, $0x2;
	v22 =	vsel vm4, s30, v22;
	v24 =	vsel vm7, s18, v24;
	v23 =	vsel vm2, s26, v23  }
0x36a: {  	s14 =	sshrl.u32 s10, $0x1F;
	s30 =	sshrl.u32 s7, $0x1F;
	v19 =	vsel vm10, s4, v19;
	v22 =	vsel vm7, s21, v22;
	v23 =	vsel vm4, s6, v23  }
0x36b: {  	p0 =	sne.s32 s22, $0x1B0;
	s31 =	sshrl.u32 s5, $0x1F;
	s23 =	sshra.s32 s7, $0x1F;
	v20 =	vsel vm10, s30, v20;
	v22 =	vcombine.low v22, v24;
	v23 =	vsel vm7, s14, v23  }
.Ltmp4:
0x36c: {  	s9 =	sshra.s32 s5, $0x2;
	v19 =	vsel vm14, s23, v19;
	v20 =	vsel vm13, s31, v20;
	v21 =	vcombine.low v21, v23;
	(pc) =	sbr.rel @p0 .LBB2_8-.Ltmp4, $4  }
0x36d: {  	v19 =	vsel vm13, s9, v19;
	v20 =	vperm.xlane v20, v10;
	v22 =	vperm.xlane v22, v9  }
0x36e: {  	v23 =	vperm.xlane v19, v10;
	v21 =	vperm.xlane v21, v9  }
0x36f: {  	s22 =	sadd.s32 $0x10, s22;
	s1 =	rddreg [dreg:$0x6]  }
0x370: {  	s19 =	simm.s32 $0x5F30;
	s16 =	simm.s32 $0x60F0;
	s0 =	rddreg [dreg:$0x5];
	v19 =	vsel vm12, v20, v21;
	v20 =	vsel vm12, v23, v22  }
0x371: {  	v19 =	vadd.s32 v19, v20  }
0x372: {  	v20 =	vmul.u32 $0xFFFFFFF6, v19  }
0x373: {  	v21 =	vsub.s32 $0x0, v18  }
0x374: {  	vm0 =	vlt.s32 v18, $0x1;
	vm1 =	vne.s32 v20, v21  }
0x375: {  	vm0 =	vmand vm0, vm1  }
0x376: {  	v18 =	vsel vm0, $0xFFFFFFFF, v8  }
0x377: {  	v18 =	vadd.s32 v18, v19  }
0x378: {  	v18 =	vshll.u32 v18, $0x2  }
0x379: {  	v19 =	vor.u32 v15, v18;
	_ =	sdelay $0x1  }
0x37a: {  	s0 =	simm.s32 $0x0;
	v18 =	vor.u32 v14, v18  }
0x37b: {  	v20 =	vor.u32 s0, v1  }
0x37c: {  	v21 =	vmulhi.u32 $0xCCCCCCCD, v20  }
0x37d: {  	v19 =	vld.idx.msk [tilespmem:v19+s16+$0x0], $0xffff  }
0x37e: {  	v21 =	vshrl.u32 v21, $0x5  }
0x37f: {  	v22 =	vmul.u32 $0xFFFFFFD8, v21;
	v18 =	vld.idx.msk [tilespmem:v18+s16+$0x0], $0xffff;
	_ =	sdelay $0x1  }
0x380: {  	v23 =	vmov s0;
	v22 =	vadd.s32 v20, v22  }
0x381: {  	vm1 =	veq.s32 v23, v1;
	vm0 =	vne.s32 v22, $0x0;
	v19 =	vmul.f32 v13, v19  }
0x382: {  	s29 =	simm.s32 $0x10;
	vm0 =	vmand vm1, vm0  }
0x383: {  	v23 =	vor.u32 s29, v1;
	v18 =	vadd.f32 v19, v18;
	v19 =	vsel vm0, $0xFFFFFFFF, v8  }
0x384: {  	v19 =	vadd.s32 v19, v21;
	v21 =	vmulhi.u32 $0xCCCCCCCD, v23  }
0x385: {  	v18 =	vmul.f32 v16, v18;
	v19 =	vmul.u32 $0x28, v19  }
0x386: {  	v24 =	vand.u32 $0x7, v20;
	v22 =	vand.u32 $0x38, v22;
	v21 =	vshrl.u32 v21, $0x5  }
0x387: {  	v18 =	vadd.f32 v17, v18;
	v19 =	vadd.s32 v22, v19;
	v22 =	vmul.u32 $0xFFFFFFD8, v21  }
0x388: {  	v19 =	vor.u32 v24, v19  }
0x389: {  	s30 =	simm.s32 $0x2;
	[tilespmem:s1+$0x0] =	vst v18;
	v18 =	vmov s29;
	v22 =	vadd.s32 v23, v22  }
0x38a: {  	_ =	swait.ge [sflag:s30], $0x1180;
	vm0 =	vne.s32 v22, $0x0;
	vm1 =	veq.s32 v18, v1  }
0x38b: {  	[sflag:s30] =	ssyncset.done $0x0;
	vm0 =	vmand vm1, vm0  }
0x38c: {  	s31 =	simm.s32 $0x20;
	s3 =	simm.s32 $0x8030;
	[sflag:s30] =	ssyncadd.s32 $0xFFFFEE80;
	v62 =	vsel vm0, $0xFFFFFFFF, v8  }
0x38d: {  	v18 =	vor.u32 s31, v1;
	v19 =	vld.idx.msk [tilespmem:v19+s3+$0x0], $0xffff;
	v21 =	vadd.s32 v62, v21  }
0x38e: {  	v20 =	vand.u32 $0x1, v20;
	v63 =	vmulhi.u32 $0xCCCCCCCD, v18;
	v21 =	vmul.u32 $0x28, v21  }
0x38f: {  	v22 =	vand.u32 $0x38, v22;
	vm0 =	veq.s32 v20, $0x0  }
0x390: {  	v20 =	vand.u32 $0x7, v23;
	v24 =	vshrl.u32 v63, $0x5;
	v21 =	vadd.s32 v22, v21  }
0x391: {  	v22 =	vmul.u32 $0xFFFFFFD8, v24;
	v21 =	vor.u32 v20, v21;
	v20 =	vsel vm0, $0x41F00000, v11  }
0x392: {  	v19 =	vmul.f32 v19, v20  }
0x393: {  	v20 =	vadd.s32 v18, v22;
	v22 =	vsel vm0, $0xC1700000, v12  }
0x394: {  	v25 =	vmov s31;
	v19 =	vadd.f32 v19, v22  }
0x395: {  	s0 =	simm.s32 $0x9370;
	vm1 =	veq.s32 v25, v1;
	vm0 =	vne.s32 v20, $0x0  }
0x396: {  	vm0 =	vmand vm1, vm0;
	[tilespmem:s0+$0x0] =	vst v19  }
0x397: {  	v22 =	vsel vm0, $0xFFFFFFFF, v8;
	v21 =	vld.idx.msk [tilespmem:v21+s3+$0x0], $0xffff  }
0x398: {  	s1 =	simm.s32 $0x30;
	v22 =	vadd.s32 v22, v24  }
0x399: {  	s2 =	simm.s32 $0x40;
	s9 =	simm.s32 $0x5FA0;
	v23 =	vand.u32 $0x1, v23;
	v19 =	vor.u32 s1, v1;
	v22 =	vmul.u32 $0x28, v22  }
.LBB2_10:
0x39a: {  	p0 =	sne.s32 s2, $0x1170;
	v24 =	vmulhi.u32 $0xCCCCCCCD, v19;
	v20 =	vand.u32 $0x38, v20;
	vm0 =	veq.s32 v23, $0x0  }
0x39b: {  	v23 =	vand.u32 $0x7, v18;
	v20 =	vadd.s32 v20, v22;
	v22 =	vsel vm0, $0x41F00000, v11  }
0x39c: {  	v24 =	vshrl.u32 v24, $0x5;
	v23 =	vor.u32 v23, v20;
	v20 =	vmul.f32 v21, v22  }
0x39d: {  	v22 =	vsel vm0, $0xC1700000, v12;
	v21 =	vmul.u32 $0xFFFFFFD8, v24  }
0x39e: {  	v22 =	vadd.f32 v20, v22  }
0x39f: {  	v25 =	vmov s1;
	s0 =	sadd.s32 $0x10, s0;
	s1 =	smov.u32 s2;
	v20 =	vadd.s32 v19, v21  }
.Ltmp5:
0x3a0: {  	vm1 =	veq.s32 v25, v1;
	vm0 =	vne.s32 v20, $0x0;
	[tilespmem:s0+$0x0] =	vst v22;
	(pc) =	sbr.rel @p0 .LBB2_10-.Ltmp5, $4  }
0x3a1: {  	vm0 =	vmand vm1, vm0;
	v21 =	vld.idx.msk [tilespmem:v23+s3+$0x0], $0xffff  }
0x3a2: {  	v22 =	vsel vm0, $0xFFFFFFFF, v8  }
0x3a3: {  	v22 =	vadd.s32 v22, v24  }
0x3a4: {  	s2 =	sadd.s32 $0x10, s2;
	v23 =	vand.u32 $0x1, v18;
	v18 =	vmovc v19;
	v19 =	vor.u32 s1, v1;
	v22 =	vmul.u32 $0x28, v22  }
0x3a5: {  	v24 =	vmulhi.u32 $0xCCCCCCCD, v19  }
0x3a6: {  	v20 =	vand.u32 $0x38, v20;
	vm0 =	veq.s32 v23, $0x0;
	v56 =	vand.u32 $0x7, v18  }
0x3a7: {  	v20 =	vadd.s32 v20, v22;
	v57 =	vsel vm0, $0x41F00000, v11;
	v24 =	vshrl.u32 v24, $0x5  }
0x3a8: {  	v20 =	vor.u32 v56, v20;
	v21 =	vmul.f32 v21, v57;
	v58 =	vmul.u32 $0xFFFFFFD8, v24  }
0x3a9: {  	v59 =	vsel vm0, $0xC1700000, v12  }
0x3aa: {  	v60 =	vmov s1;
	v21 =	vadd.f32 v21, v59;
	v22 =	vadd.s32 v19, v58  }
0x3ab: {  	s0 =	sadd.s32 $0x10, s0;
	vm1 =	veq.s32 v60, v1;
	vm0 =	vne.s32 v22, $0x0  }
0x3ac: {  	[tilespmem:s0+$0x0] =	vst v21;
	vm0 =	vmand vm1, vm0  }
0x3ad: {  	v20 =	vld.idx.msk [tilespmem:v20+s3+$0x0], $0xffff;
	v61 =	vsel vm0, $0xFFFFFFFF, v8  }
0x3ae: {  	v21 =	vadd.s32 v61, v24  }
0x3af: {  	v18 =	vand.u32 $0x1, v18;
	v21 =	vmul.u32 $0x28, v21  }
0x3b0: {  	v22 =	vand.u32 $0x38, v22;
	vm0 =	veq.s32 v18, $0x0  }
0x3b1: {  	v18 =	vand.u32 $0x7, v19;
	v62 =	vsel vm0, $0x41F00000, v11;
	v21 =	vadd.s32 v22, v21  }
0x3b2: {  	v20 =	vmul.f32 v20, v62;
	v18 =	vor.u32 v18, v21  }
0x3b3: {  	v63 =	vsel vm0, $0xC1700000, v12  }
0x3b4: {  	v20 =	vadd.f32 v20, v63  }
0x3b5: {  	s0 =	sadd.s32 $0x10, s0  }
0x3b6: {  	[tilespmem:s0+$0x0] =	vst v20  }
0x3b7: {  	v18 =	vld.idx.msk [tilespmem:v18+s3+$0x0], $0xffff;
	_ =	sdelay $0x1  }
0x3b8: {  	v19 =	vand.u32 $0x1, v19  }
0x3b9: {  	vm0 =	veq.s32 v19, $0x0  }
0x3ba: {  	v19 =	vsel vm0, $0x41F00000, v11  }
0x3bb: {  	v18 =	vmul.f32 v18, v19  }
0x3bc: {  	v19 =	vsel vm0, $0xC1700000, v12  }
0x3bd: {  	v18 =	vadd.f32 v18, v19  }
0x3be: {  	s11 =	simm.s32 $0x0;
	s0 =	sadd.s32 $0x10, s0  }
0x3bf: {  	s22 =	rddreg [dreg:$0xc];
	s23 =	simm.s32 $0x91B0;
	s2 =	simm.s32 $0x3;
	[tilespmem:s0+$0x0] =	vst v18  }
0x3c0: {  	[hbm4b:s22+s11] =	stream.linear.scatter [tilespmem:s23], [sflag:$0x3], $0x1C0, $0x38;
	[tilespmem:$0xA4F0] =	vst v63  }
0x3c1: {  	_ =	swait.ge [sflag:s2], $0x1C0  }
0x3c2: {  	[sflag:s2] =	ssyncset.done $0x0  }
0x3c3: {  	s24 =	rddreg [dreg:$0xd];
	[sflag:s2] =	ssyncadd.s32 $0xFFFFFE40  }
0x3c4: {  	[hbm4b:s24+s11] =	stream.linear.scatter [tilespmem:s9], [sflag:$0x3], $0x70, $0x38;
	[tilespmem:$0xA4F0] =	vst v63  }
0x3c5: {  	_ =	swait.ge [sflag:s2], $0x70  }
0x3c6: {  	[sflag:s2] =	ssyncset.done $0x0  }
0x3c7: {  	s26 =	simm.s32 $0x6010;
	s25 =	rddreg [dreg:$0xe];
	[sflag:s2] =	ssyncadd.s32 $0xFFFFFF90  }
0x3c8: {  	[hbm4b:s25+s11] =	stream.linear.scatter [tilespmem:s26], [sflag:$0x3], $0x70, $0x38;
	[tilespmem:$0xA4F0] =	vst v63  }
0x3c9: {  	_ =	swait.ge [sflag:s2], $0x70  }
0x3ca: {  	[sflag:s2] =	ssyncset.done $0x0  }
0x3cb: {  	s29 =	simm.s32 $0x9370;
	s28 =	rddreg [dreg:$0xf];
	[sflag:s2] =	ssyncadd.s32 $0xFFFFFF90  }
0x3cc: {  	[hbm4b:s28+s11] =	stream.linear.scatter [tilespmem:s29], [sflag:$0x3], $0x1180, $0x38;
	[tilespmem:$0xA4F0] =	vst v63  }
0x3cd: {  	_ =	swait.ge [sflag:s2], $0x1180  }
0x3ce: {  	s30 =	rddreg [dreg:$0x11]  }
0x3cf: {  	s31 =	rddreg [dreg:$0x10];
	s1 =	sadd.s32 $0x1, s30  }
0x3d0: {  	p0 =	sne.s32 s1, s31  }
.Ltmp6:
0x3d1: {  	_ = 	snop;
	(pc) =	sbr.rel @p0 .LBB2_1-.Ltmp6, $3  }
0x3d2: {  	_ =	sdelay $0x1  }
0x3d3: {  	[sflag:s2] =	ssyncset.done $0x0  }
0x3d4: {  	s7 =	simm.s32 $0x5E20;
	s8 =	simm.s32 $0x4E20;
	[sflag:s2] =	ssyncadd.s32 $0xFFFFEE80  }
0x3d5: {  	_ =	sfence.sel $0x180000  }
0x3d6: {  	[bflag:$0x0] =	sbarrier.arrive $0xFFFF  }
0x3d7: {  	_ =	strace $0x90000047  }
0x3d8: {  	s0 =	stileid.u32;
	[bflag:$0x2] =	sbarrier.arrive $0xFFFF  }
0x3d9: {  	p0 =	sne.s32 s0, $0x0;
	s0 =	rddreg [dreg:$0x4]  }
0x3da: {  	s0 =	sadd.s32 @!p0 $0x100000, s0  }
0x3db: {  	[sflag:s0] =	ssyncadd.tile.s32 @!p0 $0x1;
	_ =	shalt  }
.Lfunc_end2:
_tile_overlayer_lowered:
.L_overlay_start_2:
0x3dc: {  	(tag) =	ssettag $0x2  }
0x3dd: {  	s0 =	rddreg [dreg:$0x0];
	s2 =	stileid.u32  }
0x3de: {  	s1 =	rddreg [dreg:$0x1];
	p0 =	sne.s32 s2, $0x0  }
0x3df: {  	s3 =	rddreg [dreg:$0x2];
	[bflag:$0x3] =	sbarrier.arrive $0xFFFF;
	s2 =	simm.s32 @!p0 $0x1C03  }
0x3e0: {  	[timem:s3], [sflag:s2] =	dma.local @!p0 [hbm:s0], s1  }
0x3e1: {  	s0 =	simm.s32 @!p0 $0x3  }
0x3e2: {  	_ =	swait.ge @!p0 [sflag:s0], s1  }
0x3e3: {  	s1 =	ssub.s32 @!p0 $0x0, s1;
	[sflag:s0] =	ssyncset.done @!p0 $0x0  }
0x3e4: {  	[sflag:s0] =	ssyncadd.s32 @!p0 s1  }
0x3e5: {  	[bflag:$0x3] =	sbarrier.arrive $0xFFFF  }
0x3e6: {  	_ =	shalt  }

</sc_bundles>
